<compile_context>
chip_gen: v7x
topology: tpu7x:2x2x1
jax: 0.10.2.dev20260603
libtpu: 0.0.44.dev20260713+nightly
codegen_flags: <defaults>
</compile_context>

<pallas_src>
import functools

import jax
import jax.numpy as jnp
from jax import lax
from jax.experimental import pallas as pl
from jax.experimental.pallas import tpu as pltpu
from jax.experimental.pallas import tpu_sc as plsc

BATCH = 16384
D = 64
NC = 2
NS = 16
NW = NC * NS
BPW = BATCH // NW
UNROLL = 16

_mesh = plsc.VectorSubcoreMesh(core_axis_name="c", subcore_axis_name="s")


@functools.partial(
    pl.kernel,
    mesh=_mesh,
    out_type=jax.ShapeDtypeStruct((4, BATCH, D), jnp.float32),
    scratch_types=[
        pltpu.VMEM((BPW,), jnp.int32),
        pltpu.VMEM((BPW, D), jnp.float32),
        pltpu.SemaphoreType.DMA,
    ],
)
def _sc_gather(cat_i, col_i, fab_i, store_i, cat_t, col_t, fab_t, store_t,
               out, idx_v, rows_v, sem):
    wid = lax.axis_index("s") * NC + lax.axis_index("c")
    base = wid * BPW
    for t, (ih, th) in enumerate(
            [(cat_i, cat_t), (col_i, col_t), (fab_i, fab_t), (store_i, store_t)]):
        pltpu.sync_copy(ih.at[pl.ds(base, BPW)], idx_v)

        def body(g, _, th=th):
            v = idx_v[pl.ds(g * UNROLL, UNROLL)]
            for u in range(UNROLL):
                r = v[u]
                pltpu.make_async_copy(th.at[r], rows_v.at[g * UNROLL + u],
                                      sem).start()
            return _

        lax.fori_loop(0, BPW // UNROLL, body, None)
        pltpu.make_async_copy(th.at[pl.ds(0, BPW)], rows_v, sem).wait()
        pltpu.sync_copy(rows_v, out.at[t, pl.ds(base, BPW)])


BLK = 1024


def _mm_body(e_ref, wt_ref, b_ref, o_ref):
    acc = jnp.broadcast_to(b_ref[...].astype(jnp.float32), (BLK, D))
    for t in range(4):
        acc = acc + jnp.dot(e_ref[t], wt_ref[t],
                            preferred_element_type=jnp.float32)
    o_ref[...] = acc


_mm = pl.pallas_call(
    _mm_body,
    grid=(BATCH // BLK,),
    in_specs=[
        pl.BlockSpec((4, BLK, D), lambda i: (0, i, 0)),
        pl.BlockSpec((4, D, D), lambda i: (0, 0, 0)),
        pl.BlockSpec((1, D), lambda i: (0, 0)),
    ],
    out_specs=pl.BlockSpec((BLK, D), lambda i: (i, 0)),
    out_shape=jax.ShapeDtypeStruct((BATCH, D), jnp.float32),
)


def kernel(cat, col, fab, store, cat_table, col_table, fab_table, store_table, W, b):
    stage = _sc_gather(cat, col, fab, store,
                       cat_table, col_table, fab_table, store_table)
    wt = W.T.reshape(4, D, D)
    return _mm(stage, wt, b.reshape(1, D))

# --- scband reference (transcript-rebuilt; emitter-appended) ---
"""Pipeline reference for scband-attribute-encoder-4922032521687 (READ-ONLY COPY).

The authoritative reference and input builder live on the scoring server;
editing this copy changes nothing except your own understanding.
"""

import jax, jax.numpy as jnp
import numpy as np

NUM_CAT = 1000
NUM_COL = 1000
NUM_FAB = 100000
NUM_STORE = 1000000
EMBED_DIM = 64
BATCH = 16384


def setup_inputs(seed: int = 0) -> dict:
    key = jax.random.key(seed)
    ks = jax.random.split(key, 12)
    cat = jax.random.randint(ks[0], (BATCH,), 0, NUM_CAT, dtype=jnp.int32)
    col = jax.random.randint(ks[1], (BATCH,), 0, NUM_COL, dtype=jnp.int32)
    fab = jax.random.randint(ks[2], (BATCH,), 0, NUM_FAB, dtype=jnp.int32)
    store = jax.random.randint(ks[3], (BATCH,), 0, NUM_STORE, dtype=jnp.int32)
    cat_table = jax.random.normal(ks[4], (NUM_CAT, EMBED_DIM), dtype=jnp.float32)
    col_table = jax.random.normal(ks[5], (NUM_COL, EMBED_DIM), dtype=jnp.float32)
    fab_table = jax.random.normal(ks[6], (NUM_FAB, EMBED_DIM), dtype=jnp.float32)
    store_table = jax.random.normal(ks[7], (NUM_STORE, EMBED_DIM), dtype=jnp.float32)
    # fusion layer: Linear(embedding_dim*4 -> embedding_dim), torch convention W: [out, in]
    W = jax.random.normal(ks[8], (EMBED_DIM, EMBED_DIM * 4), dtype=jnp.float32) * (1.0 / np.sqrt(EMBED_DIM * 4))
    b = jax.random.normal(ks[9], (EMBED_DIM,), dtype=jnp.float32) * 0.01
    return {
        "cat": cat, "col": col, "fab": fab, "store": store,
        "cat_table": cat_table, "col_table": col_table,
        "fab_table": fab_table, "store_table": store_table,
        "W": W, "b": b,
    }


def reference(cat, col, fab, store, cat_table, col_table, fab_table, store_table, W, b):
    # dropout is identity in eval mode
    cat_emb = jnp.take(cat_table, cat, axis=0)
    col_emb = jnp.take(col_table, col, axis=0)
    fab_emb = jnp.take(fab_table, fab, axis=0)
    store_emb = jnp.take(store_table, store, axis=0)
    fused = jnp.concatenate([cat_emb, col_emb, fab_emb, store_emb], axis=1)
    attribute_embeddings = fused @ W.T + b
    return attribute_embeddings

if __name__ == "__main__":
    import jax
    _d = setup_inputs()
    print(jax.jit(kernel)(*tuple(_d.values())))

</pallas_src>

<mosaic_0001>
#map = affine_map<(d0, d1) -> (0)>
#map1 = affine_map<(d0, d1) -> (0, 0)>
#map2 = affine_map<(d0, d1) -> (0, 0, 0)>
module attributes {stable_mosaic.version = 14 : i64} {
  func.func @_sc_gather(%arg0: i32, %arg1: i32, %arg2: memref<16384xi32, #tpu.memory_space<hbm>>, %arg3: memref<16384xi32, #tpu.memory_space<hbm>>, %arg4: memref<16384xi32, #tpu.memory_space<hbm>>, %arg5: memref<16384xi32, #tpu.memory_space<hbm>>, %arg6: memref<1000x64xf32, #tpu.memory_space<hbm>>, %arg7: memref<1000x64xf32, #tpu.memory_space<hbm>>, %arg8: memref<100000x64xf32, #tpu.memory_space<hbm>>, %arg9: memref<1000000x64xf32, #tpu.memory_space<hbm>>, %arg10: memref<4x16384x64xf32, #tpu.memory_space<hbm>>, %arg11: memref<512xi32, #tpu.memory_space<vmem>>, %arg12: memref<512x64xf32, #tpu.memory_space<vmem>>, %arg13: memref<!tpu.dma_semaphore, #tpu.memory_space<semaphore_mem>>) attributes {dimension_semantics = [#tpu.dimension_semantics<core_parallel>, #tpu.dimension_semantics<subcore_parallel>], iteration_bounds = array<i64: 2, 16>, scalar_prefetch = 0 : i64, scratch_operands = 3 : i64, tpu.core_type = #tpu.core_type<sc_vector_subcore>, window_params = [{transform_indices = #map}, {transform_indices = #map}, {transform_indices = #map}, {transform_indices = #map}, {transform_indices = #map1}, {transform_indices = #map1}, {transform_indices = #map1}, {transform_indices = #map1}, {transform_indices = #map2}]} {
    %mul3A = arith.constant 2 : i32
    %mul3A_0 = arith.muli %arg1, %mul3A : i32
    %add3A = arith.addi %mul3A_0, %arg0 : i32
    %mul3A_1 = arith.constant 512 : i32
    %mul3A_2 = arith.muli %add3A, %mul3A_1 : i32
    "tpu.region"() ({
      %run_scoped3A_48 = tpu.sem_alloc : memref<!tpu.dma_semaphore, #tpu.memory_space<semaphore_mem>>
      %dma_start3A = tpu.memref_slice %arg2[%mul3A_2] : memref<16384xi32, #tpu.memory_space<hbm>> -> memref<512xi32, #tpu.memory_space<hbm>>
      %dma_start3A_49 = tpu.memref_slice %arg2[%mul3A_2] : memref<16384xi32, #tpu.memory_space<hbm>> -> memref<512xi32, #tpu.memory_space<hbm>>
      tpu.enqueue_dma source(%dma_start3A_49 : memref<512xi32, #tpu.memory_space<hbm>>) target(%arg11 : memref<512xi32, #tpu.memory_space<vmem>>) target_semaphore(%run_scoped3A_48 : memref<!tpu.dma_semaphore, #tpu.memory_space<semaphore_mem>>)
      %dma_wait3A_50 = tpu.memref_slice %arg2[%mul3A_2] : memref<16384xi32, #tpu.memory_space<hbm>> -> memref<512xi32, #tpu.memory_space<hbm>>
      %dma_wait3A_51 = tpu.memref_slice %arg2[%mul3A_2] : memref<16384xi32, #tpu.memory_space<hbm>> -> memref<512xi32, #tpu.memory_space<hbm>>
      tpu.wait_dma2 semaphore(%run_scoped3A_48 : memref<!tpu.dma_semaphore, #tpu.memory_space<semaphore_mem>>) src(%dma_wait3A_51 : memref<512xi32, #tpu.memory_space<hbm>>) dst(%arg11 : memref<512xi32, #tpu.memory_space<vmem>>)
      tpu.yield
    }) : () -> ()
    %scan3A = arith.constant 0 : i32
    %scan3A_3 = arith.constant 32 : i32
    %scan3A_4 = arith.addi %scan3A, %scan3A_3 : i32
    %scan3A_5 = arith.constant 1 : i32
    scf.for %scan3A_48 = %scan3A to %scan3A_4 step %scan3A_5  : i32 {
      %mul3A_49 = arith.constant 16 : i32
      %mul3A_50 = arith.muli %scan3A_48, %mul3A_49 : i32
      %get3A = arith.index_cast %mul3A_50 : i32 to index
      %get3A_51 = tpu.vector_load %arg11[%get3A] {strides = array<i32>} : memref<512xi32, #tpu.memory_space<vmem>>, vector<16xi32>,
      %get3A_52 = vector.shape_cast %get3A_51 : vector<16xi32> to vector<16xi32>
      %slice3A = vector.extract_strided_slice %get3A_52 {offsets = [0], sizes = [1], strides = [1]} : vector<16xi32> to vector<1xi32>
      %squeeze3A = vector.extract %slice3A[0] : i32 from vector<1xi32>
      %mul3A_53 = arith.constant 16 : i32
      %mul3A_54 = arith.muli %scan3A_48, %mul3A_53 : i32
      %add3A_55 = arith.constant 0 : i32
      %add3A_56 = arith.addi %mul3A_54, %add3A_55 : i32
      %dma_start3A = arith.constant 0 : i32
      %dma_start3A_57 = tpu.memref_slice %arg12[%add3A_56, %dma_start3A] : memref<512x64xf32, #tpu.memory_space<vmem>> -> memref<1x64xf32, #tpu.memory_space<vmem>>
      %dma_start3A_58 = tpu.memref_squeeze %dma_start3A_57 : memref<1x64xf32, #tpu.memory_space<vmem>> -> memref<64xf32, #tpu.memory_space<vmem>>
      %dma_start3A_59 = arith.constant 0 : i32
      %dma_start3A_60 = tpu.memref_slice %arg6[%squeeze3A, %dma_start3A_59] : memref<1000x64xf32, #tpu.memory_space<hbm>> -> memref<1x64xf32, #tpu.memory_space<hbm>>
      %dma_start3A_61 = tpu.memref_squeeze %dma_start3A_60 : memref<1x64xf32, #tpu.memory_space<hbm>> -> memref<64xf32, #tpu.memory_space<hbm>>
      %dma_start3A_62 = arith.constant 0 : i32
      %dma_start3A_63 = tpu.memref_slice %arg12[%add3A_56, %dma_start3A_62] : memref<512x64xf32, #tpu.memory_space<vmem>> -> memref<1x64xf32, #tpu.memory_space<vmem>>
      %dma_start3A_64 = tpu.memref_squeeze %dma_start3A_63 : memref<1x64xf32, #tpu.memory_space<vmem>> -> memref<64xf32, #tpu.memory_space<vmem>>
      %dma_start3A_65 = arith.constant 0 : i32
      %dma_start3A_66 = tpu.memref_slice %arg6[%squeeze3A, %dma_start3A_65] : memref<1000x64xf32, #tpu.memory_space<hbm>> -> memref<1x64xf32, #tpu.memory_space<hbm>>
      %dma_start3A_67 = tpu.memref_squeeze %dma_start3A_66 : memref<1x64xf32, #tpu.memory_space<hbm>> -> memref<64xf32, #tpu.memory_space<hbm>>
      tpu.enqueue_dma source(%dma_start3A_67 : memref<64xf32, #tpu.memory_space<hbm>>) target(%dma_start3A_64 : memref<64xf32, #tpu.memory_space<vmem>>) target_semaphore(%arg13 : memref<!tpu.dma_semaphore, #tpu.memory_space<semaphore_mem>>)
      %slice3A_68 = vector.extract_strided_slice %get3A_52 {offsets = [1], sizes = [1], strides = [1]} : vector<16xi32> to vector<1xi32>
      %squeeze3A_69 = vector.extract %slice3A_68[0] : i32 from vector<1xi32>
      %mul3A_70 = arith.constant 16 : i32
      %mul3A_71 = arith.muli %scan3A_48, %mul3A_70 : i32
      %add3A_72 = arith.constant 1 : i32
      %add3A_73 = arith.addi %mul3A_71, %add3A_72 : i32
      %dma_start3A_74 = arith.constant 0 : i32
      %dma_start3A_75 = tpu.memref_slice %arg12[%add3A_73, %dma_start3A_74] : memref<512x64xf32, #tpu.memory_space<vmem>> -> memref<1x64xf32, #tpu.memory_space<vmem>>
      %dma_start3A_76 = tpu.memref_squeeze %dma_start3A_75 : memref<1x64xf32, #tpu.memory_space<vmem>> -> memref<64xf32, #tpu.memory_space<vmem>>
      %dma_start3A_77 = arith.constant 0 : i32
      %dma_start3A_78 = tpu.memref_slice %arg6[%squeeze3A_69, %dma_start3A_77] : memref<1000x64xf32, #tpu.memory_space<hbm>> -> memref<1x64xf32, #tpu.memory_space<hbm>>
      %dma_start3A_79 = tpu.memref_squeeze %dma_start3A_78 : memref<1x64xf32, #tpu.memory_space<hbm>> -> memref<64xf32, #tpu.memory_space<hbm>>
      %dma_start3A_80 = arith.constant 0 : i32
      %dma_start3A_81 = tpu.memref_slice %arg12[%add3A_73, %dma_start3A_80] : memref<512x64xf32, #tpu.memory_space<vmem>> -> memref<1x64xf32, #tpu.memory_space<vmem>>
      %dma_start3A_82 = tpu.memref_squeeze %dma_start3A_81 : memref<1x64xf32, #tpu.memory_space<vmem>> -> memref<64xf32, #tpu.memory_space<vmem>>
      %dma_start3A_83 = arith.constant 0 : i32
      %dma_start3A_84 = tpu.memref_slice %arg6[%squeeze3A_69, %dma_start3A_83] : memref<1000x64xf32, #tpu.memory_space<hbm>> -> memref<1x64xf32, #tpu.memory_space<hbm>>
      %dma_start3A_85 = tpu.memref_squeeze %dma_start3A_84 : memref<1x64xf32, #tpu.memory_space<hbm>> -> memref<64xf32, #tpu.memory_space<hbm>>
      tpu.enqueue_dma source(%dma_start3A_85 : memref<64xf32, #tpu.memory_space<hbm>>) target(%dma_start3A_82 : memref<64xf32, #tpu.memory_space<vmem>>) target_semaphore(%arg13 : memref<!tpu.dma_semaphore, #tpu.memory_space<semaphore_mem>>)
      %slice3A_86 = vector.extract_strided_slice %get3A_52 {offsets = [2], sizes = [1], strides = [1]} : vector<16xi32> to vector<1xi32>
      %squeeze3A_87 = vector.extract %slice3A_86[0] : i32 from vector<1xi32>
      %mul3A_88 = arith.constant 16 : i32
      %mul3A_89 = arith.muli %scan3A_48, %mul3A_88 : i32
      %add3A_90 = arith.constant 2 : i32
      %add3A_91 = arith.addi %mul3A_89, %add3A_90 : i32
      %dma_start3A_92 = arith.constant 0 : i32
      %dma_start3A_93 = tpu.memref_slice %arg12[%add3A_91, %dma_start3A_92] : memref<512x64xf32, #tpu.memory_space<vmem>> -> memref<1x64xf32, #tpu.memory_space<vmem>>
      %dma_start3A_94 = tpu.memref_squeeze %dma_start3A_93 : memref<1x64xf32, #tpu.memory_space<vmem>> -> memref<64xf32, #tpu.memory_space<vmem>>
      %dma_start3A_95 = arith.constant 0 : i32
      %dma_start3A_96 = tpu.memref_slice %arg6[%squeeze3A_87, %dma_start3A_95] : memref<1000x64xf32, #tpu.memory_space<hbm>> -> memref<1x64xf32, #tpu.memory_space<hbm>>
      %dma_start3A_97 = tpu.memref_squeeze %dma_start3A_96 : memref<1x64xf32, #tpu.memory_space<hbm>> -> memref<64xf32, #tpu.memory_space<hbm>>
      %dma_start3A_98 = arith.constant 0 : i32
      %dma_start3A_99 = tpu.memref_slice %arg12[%add3A_91, %dma_start3A_98] : memref<512x64xf32, #tpu.memory_space<vmem>> -> memref<1x64xf32, #tpu.memory_space<vmem>>
      %dma_start3A_100 = tpu.memref_squeeze %dma_start3A_99 : memref<1x64xf32, #tpu.memory_space<vmem>> -> memref<64xf32, #tpu.memory_space<vmem>>
      %dma_start3A_101 = arith.constant 0 : i32
      %dma_start3A_102 = tpu.memref_slice %arg6[%squeeze3A_87, %dma_start3A_101] : memref<1000x64xf32, #tpu.memory_space<hbm>> -> memref<1x64xf32, #tpu.memory_space<hbm>>
      %dma_start3A_103 = tpu.memref_squeeze %dma_start3A_102 : memref<1x64xf32, #tpu.memory_space<hbm>> -> memref<64xf32, #tpu.memory_space<hbm>>
      tpu.enqueue_dma source(%dma_start3A_103 : memref<64xf32, #tpu.memory_space<hbm>>) target(%dma_start3A_100 : memref<64xf32, #tpu.memory_space<vmem>>) target_semaphore(%arg13 : memref<!tpu.dma_semaphore, #tpu.memory_space<semaphore_mem>>)
      %slice3A_104 = vector.extract_strided_slice %get3A_52 {offsets = [3], sizes = [1], strides = [1]} : vector<16xi32> to vector<1xi32>
      %squeeze3A_105 = vector.extract %slice3A_104[0] : i32 from vector<1xi32>
      %mul3A_106 = arith.constant 16 : i32
      %mul3A_107 = arith.muli %scan3A_48, %mul3A_106 : i32
      %add3A_108 = arith.constant 3 : i32
      %add3A_109 = arith.addi %mul3A_107, %add3A_108 : i32
      %dma_start3A_110 = arith.constant 0 : i32
      %dma_start3A_111 = tpu.memref_slice %arg12[%add3A_109, %dma_start3A_110] : memref<512x64xf32, #tpu.memory_space<vmem>> -> memref<1x64xf32, #tpu.memory_space<vmem>>
      %dma_start3A_112 = tpu.memref_squeeze %dma_start3A_111 : memref<1x64xf32, #tpu.memory_space<vmem>> -> memref<64xf32, #tpu.memory_space<vmem>>
      %dma_start3A_113 = arith.constant 0 : i32
      %dma_start3A_114 = tpu.memref_slice %arg6[%squeeze3A_105, %dma_start3A_113] : memref<1000x64xf32, #tpu.memory_space<hbm>> -> memref<1x64xf32, #tpu.memory_space<hbm>>
      %dma_start3A_115 = tpu.memref_squeeze %dma_start3A_114 : memref<1x64xf32, #tpu.memory_space<hbm>> -> memref<64xf32, #tpu.memory_space<hbm>>
      %dma_start3A_116 = arith.constant 0 : i32
      %dma_start3A_117 = tpu.memref_slice %arg12[%add3A_109, %dma_start3A_116] : memref<512x64xf32, #tpu.memory_space<vmem>> -> memref<1x64xf32, #tpu.memory_space<vmem>>
      %dma_start3A_118 = tpu.memref_squeeze %dma_start3A_117 : memref<1x64xf32, #tpu.memory_space<vmem>> -> memref<64xf32, #tpu.memory_space<vmem>>
      %dma_start3A_119 = arith.constant 0 : i32
      %dma_start3A_120 = tpu.memref_slice %arg6[%squeeze3A_105, %dma_start3A_119] : memref<1000x64xf32, #tpu.memory_space<hbm>> -> memref<1x64xf32, #tpu.memory_space<hbm>>
      %dma_start3A_121 = tpu.memref_squeeze %dma_start3A_120 : memref<1x64xf32, #tpu.memory_space<hbm>> -> memref<64xf32, #tpu.memory_space<hbm>>
      tpu.enqueue_dma source(%dma_start3A_121 : memref<64xf32, #tpu.memory_space<hbm>>) target(%dma_start3A_118 : memref<64xf32, #tpu.memory_space<vmem>>) target_semaphore(%arg13 : memref<!tpu.dma_semaphore, #tpu.memory_space<semaphore_mem>>)
      %slice3A_122 = vector.extract_strided_slice %get3A_52 {offsets = [4], sizes = [1], strides = [1]} : vector<16xi32> to vector<1xi32>
      %squeeze3A_123 = vector.extract %slice3A_122[0] : i32 from vector<1xi32>
      %mul3A_124 = arith.constant 16 : i32
      %mul3A_125 = arith.muli %scan3A_48, %mul3A_124 : i32
      %add3A_126 = arith.constant 4 : i32
      %add3A_127 = arith.addi %mul3A_125, %add3A_126 : i32
      %dma_start3A_128 = arith.constant 0 : i32
      %dma_start3A_129 = tpu.memref_slice %arg12[%add3A_127, %dma_start3A_128] : memref<512x64xf32, #tpu.memory_space<vmem>> -> memref<1x64xf32, #tpu.memory_space<vmem>>
      %dma_start3A_130 = tpu.memref_squeeze %dma_start3A_129 : memref<1x64xf32, #tpu.memory_space<vmem>> -> memref<64xf32, #tpu.memory_space<vmem>>
      %dma_start3A_131 = arith.constant 0 : i32
      %dma_start3A_132 = tpu.memref_slice %arg6[%squeeze3A_123, %dma_start3A_131] : memref<1000x64xf32, #tpu.memory_space<hbm>> -> memref<1x64xf32, #tpu.memory_space<hbm>>
      %dma_start3A_133 = tpu.memref_squeeze %dma_start3A_132 : memref<1x64xf32, #tpu.memory_space<hbm>> -> memref<64xf32, #tpu.memory_space<hbm>>
      %dma_start3A_134 = arith.constant 0 : i32
      %dma_start3A_135 = tpu.memref_slice %arg12[%add3A_127, %dma_start3A_134] : memref<512x64xf32, #tpu.memory_space<vmem>> -> memref<1x64xf32, #tpu.memory_space<vmem>>
      %dma_start3A_136 = tpu.memref_squeeze %dma_start3A_135 : memref<1x64xf32, #tpu.memory_space<vmem>> -> memref<64xf32, #tpu.memory_space<vmem>>
      %dma_start3A_137 = arith.constant 0 : i32
      %dma_start3A_138 = tpu.memref_slice %arg6[%squeeze3A_123, %dma_start3A_137] : memref<1000x64xf32, #tpu.memory_space<hbm>> -> memref<1x64xf32, #tpu.memory_space<hbm>>
      %dma_start3A_139 = tpu.memref_squeeze %dma_start3A_138 : memref<1x64xf32, #tpu.memory_space<hbm>> -> memref<64xf32, #tpu.memory_space<hbm>>
      tpu.enqueue_dma source(%dma_start3A_139 : memref<64xf32, #tpu.memory_space<hbm>>) target(%dma_start3A_136 : memref<64xf32, #tpu.memory_space<vmem>>) target_semaphore(%arg13 : memref<!tpu.dma_semaphore, #tpu.memory_space<semaphore_mem>>)
      %slice3A_140 = vector.extract_strided_slice %get3A_52 {offsets = [5], sizes = [1], strides = [1]} : vector<16xi32> to vector<1xi32>
      %squeeze3A_141 = vector.extract %slice3A_140[0] : i32 from vector<1xi32>
      %mul3A_142 = arith.constant 16 : i32
      %mul3A_143 = arith.muli %scan3A_48, %mul3A_142 : i32
      %add3A_144 = arith.constant 5 : i32
      %add3A_145 = arith.addi %mul3A_143, %add3A_144 : i32
      %dma_start3A_146 = arith.constant 0 : i32
      %dma_start3A_147 = tpu.memref_slice %arg12[%add3A_145, %dma_start3A_146] : memref<512x64xf32, #tpu.memory_space<vmem>> -> memref<1x64xf32, #tpu.memory_space<vmem>>
      %dma_start3A_148 = tpu.memref_squeeze %dma_start3A_147 : memref<1x64xf32, #tpu.memory_space<vmem>> -> memref<64xf32, #tpu.memory_space<vmem>>
      %dma_start3A_149 = arith.constant 0 : i32
      %dma_start3A_150 = tpu.memref_slice %arg6[%squeeze3A_141, %dma_start3A_149] : memref<1000x64xf32, #tpu.memory_space<hbm>> -> memref<1x64xf32, #tpu.memory_space<hbm>>
      %dma_start3A_151 = tpu.memref_squeeze %dma_start3A_150 : memref<1x64xf32, #tpu.memory_space<hbm>> -> memref<64xf32, #tpu.memory_space<hbm>>
      %dma_start3A_152 = arith.constant 0 : i32
      %dma_start3A_153 = tpu.memref_slice %arg12[%add3A_145, %dma_start3A_152] : memref<512x64xf32, #tpu.memory_space<vmem>> -> memref<1x64xf32, #tpu.memory_space<vmem>>
      %dma_start3A_154 = tpu.memref_squeeze %dma_start3A_153 : memref<1x64xf32, #tpu.memory_space<vmem>> -> memref<64xf32, #tpu.memory_space<vmem>>
      %dma_start3A_155 = arith.constant 0 : i32
      %dma_start3A_156 = tpu.memref_slice %arg6[%squeeze3A_141, %dma_start3A_155] : memref<1000x64xf32, #tpu.memory_space<hbm>> -> memref<1x64xf32, #tpu.memory_space<hbm>>
      %dma_start3A_157 = tpu.memref_squeeze %dma_start3A_156 : memref<1x64xf32, #tpu.memory_space<hbm>> -> memref<64xf32, #tpu.memory_space<hbm>>
      tpu.enqueue_dma source(%dma_start3A_157 : memref<64xf32, #tpu.memory_space<hbm>>) target(%dma_start3A_154 : memref<64xf32, #tpu.memory_space<vmem>>) target_semaphore(%arg13 : memref<!tpu.dma_semaphore, #tpu.memory_space<semaphore_mem>>)
      %slice3A_158 = vector.extract_strided_slice %get3A_52 {offsets = [6], sizes = [1], strides = [1]} : vector<16xi32> to vector<1xi32>
      %squeeze3A_159 = vector.extract %slice3A_158[0] : i32 from vector<1xi32>
      %mul3A_160 = arith.constant 16 : i32
      %mul3A_161 = arith.muli %scan3A_48, %mul3A_160 : i32
      %add3A_162 = arith.constant 6 : i32
      %add3A_163 = arith.addi %mul3A_161, %add3A_162 : i32
      %dma_start3A_164 = arith.constant 0 : i32
      %dma_start3A_165 = tpu.memref_slice %arg12[%add3A_163, %dma_start3A_164] : memref<512x64xf32, #tpu.memory_space<vmem>> -> memref<1x64xf32, #tpu.memory_space<vmem>>
      %dma_start3A_166 = tpu.memref_squeeze %dma_start3A_165 : memref<1x64xf32, #tpu.memory_space<vmem>> -> memref<64xf32, #tpu.memory_space<vmem>>
      %dma_start3A_167 = arith.constant 0 : i32
      %dma_start3A_168 = tpu.memref_slice %arg6[%squeeze3A_159, %dma_start3A_167] : memref<1000x64xf32, #tpu.memory_space<hbm>> -> memref<1x64xf32, #tpu.memory_space<hbm>>
      %dma_start3A_169 = tpu.memref_squeeze %dma_start3A_168 : memref<1x64xf32, #tpu.memory_space<hbm>> -> memref<64xf32, #tpu.memory_space<hbm>>
      %dma_start3A_170 = arith.constant 0 : i32
      %dma_start3A_171 = tpu.memref_slice %arg12[%add3A_163, %dma_start3A_170] : memref<512x64xf32, #tpu.memory_space<vmem>> -> memref<1x64xf32, #tpu.memory_space<vmem>>
      %dma_start3A_172 = tpu.memref_squeeze %dma_start3A_171 : memref<1x64xf32, #tpu.memory_space<vmem>> -> memref<64xf32, #tpu.memory_space<vmem>>
      %dma_start3A_173 = arith.constant 0 : i32
      %dma_start3A_174 = tpu.memref_slice %arg6[%squeeze3A_159, %dma_start3A_173] : memref<1000x64xf32, #tpu.memory_space<hbm>> -> memref<1x64xf32, #tpu.memory_space<hbm>>
      %dma_start3A_175 = tpu.memref_squeeze %dma_start3A_174 : memref<1x64xf32, #tpu.memory_space<hbm>> -> memref<64xf32, #tpu.memory_space<hbm>>
      tpu.enqueue_dma source(%dma_start3A_175 : memref<64xf32, #tpu.memory_space<hbm>>) target(%dma_start3A_172 : memref<64xf32, #tpu.memory_space<vmem>>) target_semaphore(%arg13 : memref<!tpu.dma_semaphore, #tpu.memory_space<semaphore_mem>>)
      %slice3A_176 = vector.extract_strided_slice %get3A_52 {offsets = [7], sizes = [1], strides = [1]} : vector<16xi32> to vector<1xi32>
      %squeeze3A_177 = vector.extract %slice3A_176[0] : i32 from vector<1xi32>
      %mul3A_178 = arith.constant 16 : i32
      %mul3A_179 = arith.muli %scan3A_48, %mul3A_178 : i32
      %add3A_180 = arith.constant 7 : i32
      %add3A_181 = arith.addi %mul3A_179, %add3A_180 : i32
      %dma_start3A_182 = arith.constant 0 : i32
      %dma_start3A_183 = tpu.memref_slice %arg12[%add3A_181, %dma_start3A_182] : memref<512x64xf32, #tpu.memory_space<vmem>> -> memref<1x64xf32, #tpu.memory_space<vmem>>
      %dma_start3A_184 = tpu.memref_squeeze %dma_start3A_183 : memref<1x64xf32, #tpu.memory_space<vmem>> -> memref<64xf32, #tpu.memory_space<vmem>>
      %dma_start3A_185 = arith.constant 0 : i32
      %dma_start3A_186 = tpu.memref_slice %arg6[%squeeze3A_177, %dma_start3A_185] : memref<1000x64xf32, #tpu.memory_space<hbm>> -> memref<1x64xf32, #tpu.memory_space<hbm>>
      %dma_start3A_187 = tpu.memref_squeeze %dma_start3A_186 : memref<1x64xf32, #tpu.memory_space<hbm>> -> memref<64xf32, #tpu.memory_space<hbm>>
      %dma_start3A_188 = arith.constant 0 : i32
      %dma_start3A_189 = tpu.memref_slice %arg12[%add3A_181, %dma_start3A_188] : memref<512x64xf32, #tpu.memory_space<vmem>> -> memref<1x64xf32, #tpu.memory_space<vmem>>
      %dma_start3A_190 = tpu.memref_squeeze %dma_start3A_189 : memref<1x64xf32, #tpu.memory_space<vmem>> -> memref<64xf32, #tpu.memory_space<vmem>>
      %dma_start3A_191 = arith.constant 0 : i32
      %dma_start3A_192 = tpu.memref_slice %arg6[%squeeze3A_177, %dma_start3A_191] : memref<1000x64xf32, #tpu.memory_space<hbm>> -> memref<1x64xf32, #tpu.memory_space<hbm>>
      %dma_start3A_193 = tpu.memref_squeeze %dma_start3A_192 : memref<1x64xf32, #tpu.memory_space<hbm>> -> memref<64xf32, #tpu.memory_space<hbm>>
      tpu.enqueue_dma source(%dma_start3A_193 : memref<64xf32, #tpu.memory_space<hbm>>) target(%dma_start3A_190 : memref<64xf32, #tpu.memory_space<vmem>>) target_semaphore(%arg13 : memref<!tpu.dma_semaphore, #tpu.memory_space<semaphore_mem>>)
      %slice3A_194 = vector.extract_strided_slice %get3A_52 {offsets = [8], sizes = [1], strides = [1]} : vector<16xi32> to vector<1xi32>
      %squeeze3A_195 = vector.extract %slice3A_194[0] : i32 from vector<1xi32>
      %mul3A_196 = arith.constant 16 : i32
      %mul3A_197 = arith.muli %scan3A_48, %mul3A_196 : i32
      %add3A_198 = arith.constant 8 : i32
      %add3A_199 = arith.addi %mul3A_197, %add3A_198 : i32
      %dma_start3A_200 = arith.constant 0 : i32
      %dma_start3A_201 = tpu.memref_slice %arg12[%add3A_199, %dma_start3A_200] : memref<512x64xf32, #tpu.memory_space<vmem>> -> memref<1x64xf32, #tpu.memory_space<vmem>>
      %dma_start3A_202 = tpu.memref_squeeze %dma_start3A_201 : memref<1x64xf32, #tpu.memory_space<vmem>> -> memref<64xf32, #tpu.memory_space<vmem>>
      %dma_start3A_203 = arith.constant 0 : i32
      %dma_start3A_204 = tpu.memref_slice %arg6[%squeeze3A_195, %dma_start3A_203] : memref<1000x64xf32, #tpu.memory_space<hbm>> -> memref<1x64xf32, #tpu.memory_space<hbm>>
      %dma_start3A_205 = tpu.memref_squeeze %dma_start3A_204 : memref<1x64xf32, #tpu.memory_space<hbm>> -> memref<64xf32, #tpu.memory_space<hbm>>
      %dma_start3A_206 = arith.constant 0 : i32
      %dma_start3A_207 = tpu.memref_slice %arg12[%add3A_199, %dma_start3A_206] : memref<512x64xf32, #tpu.memory_space<vmem>> -> memref<1x64xf32, #tpu.memory_space<vmem>>
      %dma_start3A_208 = tpu.memref_squeeze %dma_start3A_207 : memref<1x64xf32, #tpu.memory_space<vmem>> -> memref<64xf32, #tpu.memory_space<vmem>>
      %dma_start3A_209 = arith.constant 0 : i32
      %dma_start3A_210 = tpu.memref_slice %arg6[%squeeze3A_195, %dma_start3A_209] : memref<1000x64xf32, #tpu.memory_space<hbm>> -> memref<1x64xf32, #tpu.memory_space<hbm>>
      %dma_start3A_211 = tpu.memref_squeeze %dma_start3A_210 : memref<1x64xf32, #tpu.memory_space<hbm>> -> memref<64xf32, #tpu.memory_space<hbm>>
      tpu.enqueue_dma source(%dma_start3A_211 : memref<64xf32, #tpu.memory_space<hbm>>) target(%dma_start3A_208 : memref<64xf32, #tpu.memory_space<vmem>>) target_semaphore(%arg13 : memref<!tpu.dma_semaphore, #tpu.memory_space<semaphore_mem>>)
      %slice3A_212 = vector.extract_strided_slice %get3A_52 {offsets = [9], sizes = [1], strides = [1]} : vector<16xi32> to vector<1xi32>
      %squeeze3A_213 = vector.extract %slice3A_212[0] : i32 from vector<1xi32>
      %mul3A_214 = arith.constant 16 : i32
      %mul3A_215 = arith.muli %scan3A_48, %mul3A_214 : i32
      %add3A_216 = arith.constant 9 : i32
      %add3A_217 = arith.addi %mul3A_215, %add3A_216 : i32
      %dma_start3A_218 = arith.constant 0 : i32
      %dma_start3A_219 = tpu.memref_slice %arg12[%add3A_217, %dma_start3A_218] : memref<512x64xf32, #tpu.memory_space<vmem>> -> memref<1x64xf32, #tpu.memory_space<vmem>>
      %dma_start3A_220 = tpu.memref_squeeze %dma_start3A_219 : memref<1x64xf32, #tpu.memory_space<vmem>> -> memref<64xf32, #tpu.memory_space<vmem>>
      %dma_start3A_221 = arith.constant 0 : i32
      %dma_start3A_222 = tpu.memref_slice %arg6[%squeeze3A_213, %dma_start3A_221] : memref<1000x64xf32, #tpu.memory_space<hbm>> -> memref<1x64xf32, #tpu.memory_space<hbm>>
      %dma_start3A_223 = tpu.memref_squeeze %dma_start3A_222 : memref<1x64xf32, #tpu.memory_space<hbm>> -> memref<64xf32, #tpu.memory_space<hbm>>
      %dma_start3A_224 = arith.constant 0 : i32
      %dma_start3A_225 = tpu.memref_slice %arg12[%add3A_217, %dma_start3A_224] : memref<512x64xf32, #tpu.memory_space<vmem>> -> memref<1x64xf32, #tpu.memory_space<vmem>>
      %dma_start3A_226 = tpu.memref_squeeze %dma_start3A_225 : memref<1x64xf32, #tpu.memory_space<vmem>> -> memref<64xf32, #tpu.memory_space<vmem>>
      %dma_start3A_227 = arith.constant 0 : i32
      %dma_start3A_228 = tpu.memref_slice %arg6[%squeeze3A_213, %dma_start3A_227] : memref<1000x64xf32, #tpu.memory_space<hbm>> -> memref<1x64xf32, #tpu.memory_space<hbm>>
      %dma_start3A_229 = tpu.memref_squeeze %dma_start3A_228 : memref<1x64xf32, #tpu.memory_space<hbm>> -> memref<64xf32, #tpu.memory_space<hbm>>
      tpu.enqueue_dma source(%dma_start3A_229 : memref<64xf32, #tpu.memory_space<hbm>>) target(%dma_start3A_226 : memref<64xf32, #tpu.memory_space<vmem>>) target_semaphore(%arg13 : memref<!tpu.dma_semaphore, #tpu.memory_space<semaphore_mem>>)
      %slice3A_230 = vector.extract_strided_slice %get3A_52 {offsets = [10], sizes = [1], strides = [1]} : vector<16xi32> to vector<1xi32>
      %squeeze3A_231 = vector.extract %slice3A_230[0] : i32 from vector<1xi32>
      %mul3A_232 = arith.constant 16 : i32
      %mul3A_233 = arith.muli %scan3A_48, %mul3A_232 : i32
      %add3A_234 = arith.constant 10 : i32
      %add3A_235 = arith.addi %mul3A_233, %add3A_234 : i32
      %dma_start3A_236 = arith.constant 0 : i32
      %dma_start3A_237 = tpu.memref_slice %arg12[%add3A_235, %dma_start3A_236] : memref<512x64xf32, #tpu.memory_space<vmem>> -> memref<1x64xf32, #tpu.memory_space<vmem>>
      %dma_start3A_238 = tpu.memref_squeeze %dma_start3A_237 : memref<1x64xf32, #tpu.memory_space<vmem>> -> memref<64xf32, #tpu.memory_space<vmem>>
      %dma_start3A_239 = arith.constant 0 : i32
      %dma_start3A_240 = tpu.memref_slice %arg6[%squeeze3A_231, %dma_start3A_239] : memref<1000x64xf32, #tpu.memory_space<hbm>> -> memref<1x64xf32, #tpu.memory_space<hbm>>
      %dma_start3A_241 = tpu.memref_squeeze %dma_start3A_240 : memref<1x64xf32, #tpu.memory_space<hbm>> -> memref<64xf32, #tpu.memory_space<hbm>>
      %dma_start3A_242 = arith.constant 0 : i32
      %dma_start3A_243 = tpu.memref_slice %arg12[%add3A_235, %dma_start3A_242] : memref<512x64xf32, #tpu.memory_space<vmem>> -> memref<1x64xf32, #tpu.memory_space<vmem>>
      %dma_start3A_244 = tpu.memref_squeeze %dma_start3A_243 : memref<1x64xf32, #tpu.memory_space<vmem>> -> memref<64xf32, #tpu.memory_space<vmem>>
      %dma_start3A_245 = arith.constant 0 : i32
      %dma_start3A_246 = tpu.memref_slice %arg6[%squeeze3A_231, %dma_start3A_245] : memref<1000x64xf32, #tpu.memory_space<hbm>> -> memref<1x64xf32, #tpu.memory_space<hbm>>
      %dma_start3A_247 = tpu.memref_squeeze %dma_start3A_246 : memref<1x64xf32, #tpu.memory_space<hbm>> -> memref<64xf32, #tpu.memory_space<hbm>>
      tpu.enqueue_dma source(%dma_start3A_247 : memref<64xf32, #tpu.memory_space<hbm>>) target(%dma_start3A_244 : memref<64xf32, #tpu.memory_space<vmem>>) target_semaphore(%arg13 : memref<!tpu.dma_semaphore, #tpu.memory_space<semaphore_mem>>)
      %slice3A_248 = vector.extract_strided_slice %get3A_52 {offsets = [11], sizes = [1], strides = [1]} : vector<16xi32> to vector<1xi32>
      %squeeze3A_249 = vector.extract %slice3A_248[0] : i32 from vector<1xi32>
      %mul3A_250 = arith.constant 16 : i32
      %mul3A_251 = arith.muli %scan3A_48, %mul3A_250 : i32
      %add3A_252 = arith.constant 11 : i32
      %add3A_253 = arith.addi %mul3A_251, %add3A_252 : i32
      %dma_start3A_254 = arith.constant 0 : i32
      %dma_start3A_255 = tpu.memref_slice %arg12[%add3A_253, %dma_start3A_254] : memref<512x64xf32, #tpu.memory_space<vmem>> -> memref<1x64xf32, #tpu.memory_space<vmem>>
      %dma_start3A_256 = tpu.memref_squeeze %dma_start3A_255 : memref<1x64xf32, #tpu.memory_space<vmem>> -> memref<64xf32, #tpu.memory_space<vmem>>
      %dma_start3A_257 = arith.constant 0 : i32
      %dma_start3A_258 = tpu.memref_slice %arg6[%squeeze3A_249, %dma_start3A_257] : memref<1000x64xf32, #tpu.memory_space<hbm>> -> memref<1x64xf32, #tpu.memory_space<hbm>>
      %dma_start3A_259 = tpu.memref_squeeze %dma_start3A_258 : memref<1x64xf32, #tpu.memory_space<hbm>> -> memref<64xf32, #tpu.memory_space<hbm>>
      %dma_start3A_260 = arith.constant 0 : i32
      %dma_start3A_261 = tpu.memref_slice %arg12[%add3A_253, %dma_start3A_260] : memref<512x64xf32, #tpu.memory_space<vmem>> -> memref<1x64xf32, #tpu.memory_space<vmem>>
      %dma_start3A_262 = tpu.memref_squeeze %dma_start3A_261 : memref<1x64xf32, #tpu.memory_space<vmem>> -> memref<64xf32, #tpu.memory_space<vmem>>
      %dma_start3A_263 = arith.constant 0 : i32
      %dma_start3A_264 = tpu.memref_slice %arg6[%squeeze3A_249, %dma_start3A_263] : memref<1000x64xf32, #tpu.memory_space<hbm>> -> memref<1x64xf32, #tpu.memory_space<hbm>>
      %dma_start3A_265 = tpu.memref_squeeze %dma_start3A_264 : memref<1x64xf32, #tpu.memory_space<hbm>> -> memref<64xf32, #tpu.memory_space<hbm>>
      tpu.enqueue_dma source(%dma_start3A_265 : memref<64xf32, #tpu.memory_space<hbm>>) target(%dma_start3A_262 : memref<64xf32, #tpu.memory_space<vmem>>) target_semaphore(%arg13 : memref<!tpu.dma_semaphore, #tpu.memory_space<semaphore_mem>>)
      %slice3A_266 = vector.extract_strided_slice %get3A_52 {offsets = [12], sizes = [1], strides = [1]} : vector<16xi32> to vector<1xi32>
      %squeeze3A_267 = vector.extract %slice3A_266[0] : i32 from vector<1xi32>
      %mul3A_268 = arith.constant 16 : i32
      %mul3A_269 = arith.muli %scan3A_48, %mul3A_268 : i32
      %add3A_270 = arith.constant 12 : i32
      %add3A_271 = arith.addi %mul3A_269, %add3A_270 : i32
      %dma_start3A_272 = arith.constant 0 : i32
      %dma_start3A_273 = tpu.memref_slice %arg12[%add3A_271, %dma_start3A_272] : memref<512x64xf32, #tpu.memory_space<vmem>> -> memref<1x64xf32, #tpu.memory_space<vmem>>
      %dma_start3A_274 = tpu.memref_squeeze %dma_start3A_273 : memref<1x64xf32, #tpu.memory_space<vmem>> -> memref<64xf32, #tpu.memory_space<vmem>>
      %dma_start3A_275 = arith.constant 0 : i32
      %dma_start3A_276 = tpu.memref_slice %arg6[%squeeze3A_267, %dma_start3A_275] : memref<1000x64xf32, #tpu.memory_space<hbm>> -> memref<1x64xf32, #tpu.memory_space<hbm>>
      %dma_start3A_277 = tpu.memref_squeeze %dma_start3A_276 : memref<1x64xf32, #tpu.memory_space<hbm>> -> memref<64xf32, #tpu.memory_space<hbm>>
      %dma_start3A_278 = arith.constant 0 : i32
      %dma_start3A_279 = tpu.memref_slice %arg12[%add3A_271, %dma_start3A_278] : memref<512x64xf32, #tpu.memory_space<vmem>> -> memref<1x64xf32, #tpu.memory_space<vmem>>
      %dma_start3A_280 = tpu.memref_squeeze %dma_start3A_279 : memref<1x64xf32, #tpu.memory_space<vmem>> -> memref<64xf32, #tpu.memory_space<vmem>>
      %dma_start3A_281 = arith.constant 0 : i32
      %dma_start3A_282 = tpu.memref_slice %arg6[%squeeze3A_267, %dma_start3A_281] : memref<1000x64xf32, #tpu.memory_space<hbm>> -> memref<1x64xf32, #tpu.memory_space<hbm>>
      %dma_start3A_283 = tpu.memref_squeeze %dma_start3A_282 : memref<1x64xf32, #tpu.memory_space<hbm>> -> memref<64xf32, #tpu.memory_space<hbm>>
      tpu.enqueue_dma source(%dma_start3A_283 : memref<64xf32, #tpu.memory_space<hbm>>) target(%dma_start3A_280 : memref<64xf32, #tpu.memory_space<vmem>>) target_semaphore(%arg13 : memref<!tpu.dma_semaphore, #tpu.memory_space<semaphore_mem>>)
      %slice3A_284 = vector.extract_strided_slice %get3A_52 {offsets = [13], sizes = [1], strides = [1]} : vector<16xi32> to vector<1xi32>
      %squeeze3A_285 = vector.extract %slice3A_284[0] : i32 from vector<1xi32>
      %mul3A_286 = arith.constant 16 : i32
      %mul3A_287 = arith.muli %scan3A_48, %mul3A_286 : i32
      %add3A_288 = arith.constant 13 : i32
      %add3A_289 = arith.addi %mul3A_287, %add3A_288 : i32
      %dma_start3A_290 = arith.constant 0 : i32
      %dma_start3A_291 = tpu.memref_slice %arg12[%add3A_289, %dma_start3A_290] : memref<512x64xf32, #tpu.memory_space<vmem>> -> memref<1x64xf32, #tpu.memory_space<vmem>>
      %dma_start3A_292 = tpu.memref_squeeze %dma_start3A_291 : memref<1x64xf32, #tpu.memory_space<vmem>> -> memref<64xf32, #tpu.memory_space<vmem>>
      %dma_start3A_293 = arith.constant 0 : i32
      %dma_start3A_294 = tpu.memref_slice %arg6[%squeeze3A_285, %dma_start3A_293] : memref<1000x64xf32, #tpu.memory_space<hbm>> -> memref<1x64xf32, #tpu.memory_space<hbm>>
      %dma_start3A_295 = tpu.memref_squeeze %dma_start3A_294 : memref<1x64xf32, #tpu.memory_space<hbm>> -> memref<64xf32, #tpu.memory_space<hbm>>
      %dma_start3A_296 = arith.constant 0 : i32
      %dma_start3A_297 = tpu.memref_slice %arg12[%add3A_289, %dma_start3A_296] : memref<512x64xf32, #tpu.memory_space<vmem>> -> memref<1x64xf32, #tpu.memory_space<vmem>>
      %dma_start3A_298 = tpu.memref_squeeze %dma_start3A_297 : memref<1x64xf32, #tpu.memory_space<vmem>> -> memref<64xf32, #tpu.memory_space<vmem>>
      %dma_start3A_299 = arith.constant 0 : i32
      %dma_start3A_300 = tpu.memref_slice %arg6[%squeeze3A_285, %dma_start3A_299] : memref<1000x64xf32, #tpu.memory_space<hbm>> -> memref<1x64xf32, #tpu.memory_space<hbm>>
      %dma_start3A_301 = tpu.memref_squeeze %dma_start3A_300 : memref<1x64xf32, #tpu.memory_space<hbm>> -> memref<64xf32, #tpu.memory_space<hbm>>
      tpu.enqueue_dma source(%dma_start3A_301 : memref<64xf32, #tpu.memory_space<hbm>>) target(%dma_start3A_298 : memref<64xf32, #tpu.memory_space<vmem>>) target_semaphore(%arg13 : memref<!tpu.dma_semaphore, #tpu.memory_space<semaphore_mem>>)
      %slice3A_302 = vector.extract_strided_slice %get3A_52 {offsets = [14], sizes = [1], strides = [1]} : vector<16xi32> to vector<1xi32>
      %squeeze3A_303 = vector.extract %slice3A_302[0] : i32 from vector<1xi32>
      %mul3A_304 = arith.constant 16 : i32
      %mul3A_305 = arith.muli %scan3A_48, %mul3A_304 : i32
      %add3A_306 = arith.constant 14 : i32
      %add3A_307 = arith.addi %mul3A_305, %add3A_306 : i32
      %dma_start3A_308 = arith.constant 0 : i32
      %dma_start3A_309 = tpu.memref_slice %arg12[%add3A_307, %dma_start3A_308] : memref<512x64xf32, #tpu.memory_space<vmem>> -> memref<1x64xf32, #tpu.memory_space<vmem>>
      %dma_start3A_310 = tpu.memref_squeeze %dma_start3A_309 : memref<1x64xf32, #tpu.memory_space<vmem>> -> memref<64xf32, #tpu.memory_space<vmem>>
      %dma_start3A_311 = arith.constant 0 : i32
      %dma_start3A_312 = tpu.memref_slice %arg6[%squeeze3A_303, %dma_start3A_311] : memref<1000x64xf32, #tpu.memory_space<hbm>> -> memref<1x64xf32, #tpu.memory_space<hbm>>
      %dma_start3A_313 = tpu.memref_squeeze %dma_start3A_312 : memref<1x64xf32, #tpu.memory_space<hbm>> -> memref<64xf32, #tpu.memory_space<hbm>>
      %dma_start3A_314 = arith.constant 0 : i32
      %dma_start3A_315 = tpu.memref_slice %arg12[%add3A_307, %dma_start3A_314] : memref<512x64xf32, #tpu.memory_space<vmem>> -> memref<1x64xf32, #tpu.memory_space<vmem>>
      %dma_start3A_316 = tpu.memref_squeeze %dma_start3A_315 : memref<1x64xf32, #tpu.memory_space<vmem>> -> memref<64xf32, #tpu.memory_space<vmem>>
      %dma_start3A_317 = arith.constant 0 : i32
      %dma_start3A_318 = tpu.memref_slice %arg6[%squeeze3A_303, %dma_start3A_317] : memref<1000x64xf32, #tpu.memory_space<hbm>> -> memref<1x64xf32, #tpu.memory_space<hbm>>
      %dma_start3A_319 = tpu.memref_squeeze %dma_start3A_318 : memref<1x64xf32, #tpu.memory_space<hbm>> -> memref<64xf32, #tpu.memory_space<hbm>>
      tpu.enqueue_dma source(%dma_start3A_319 : memref<64xf32, #tpu.memory_space<hbm>>) target(%dma_start3A_316 : memref<64xf32, #tpu.memory_space<vmem>>) target_semaphore(%arg13 : memref<!tpu.dma_semaphore, #tpu.memory_space<semaphore_mem>>)
      %slice3A_320 = vector.extract_strided_slice %get3A_52 {offsets = [15], sizes = [1], strides = [1]} : vector<16xi32> to vector<1xi32>
      %squeeze3A_321 = vector.extract %slice3A_320[0] : i32 from vector<1xi32>
      %mul3A_322 = arith.constant 16 : i32
      %mul3A_323 = arith.muli %scan3A_48, %mul3A_322 : i32
      %add3A_324 = arith.constant 15 : i32
      %add3A_325 = arith.addi %mul3A_323, %add3A_324 : i32
      %dma_start3A_326 = arith.constant 0 : i32
      %dma_start3A_327 = tpu.memref_slice %arg12[%add3A_325, %dma_start3A_326] : memref<512x64xf32, #tpu.memory_space<vmem>> -> memref<1x64xf32, #tpu.memory_space<vmem>>
      %dma_start3A_328 = tpu.memref_squeeze %dma_start3A_327 : memref<1x64xf32, #tpu.memory_space<vmem>> -> memref<64xf32, #tpu.memory_space<vmem>>
      %dma_start3A_329 = arith.constant 0 : i32
      %dma_start3A_330 = tpu.memref_slice %arg6[%squeeze3A_321, %dma_start3A_329] : memref<1000x64xf32, #tpu.memory_space<hbm>> -> memref<1x64xf32, #tpu.memory_space<hbm>>
      %dma_start3A_331 = tpu.memref_squeeze %dma_start3A_330 : memref<1x64xf32, #tpu.memory_space<hbm>> -> memref<64xf32, #tpu.memory_space<hbm>>
      %dma_start3A_332 = arith.constant 0 : i32
      %dma_start3A_333 = tpu.memref_slice %arg12[%add3A_325, %dma_start3A_332] : memref<512x64xf32, #tpu.memory_space<vmem>> -> memref<1x64xf32, #tpu.memory_space<vmem>>
      %dma_start3A_334 = tpu.memref_squeeze %dma_start3A_333 : memref<1x64xf32, #tpu.memory_space<vmem>> -> memref<64xf32, #tpu.memory_space<vmem>>
      %dma_start3A_335 = arith.constant 0 : i32
      %dma_start3A_336 = tpu.memref_slice %arg6[%squeeze3A_321, %dma_start3A_335] : memref<1000x64xf32, #tpu.memory_space<hbm>> -> memref<1x64xf32, #tpu.memory_space<hbm>>
      %dma_start3A_337 = tpu.memref_squeeze %dma_start3A_336 : memref<1x64xf32, #tpu.memory_space<hbm>> -> memref<64xf32, #tpu.memory_space<hbm>>
      tpu.enqueue_dma source(%dma_start3A_337 : memref<64xf32, #tpu.memory_space<hbm>>) target(%dma_start3A_334 : memref<64xf32, #tpu.memory_space<vmem>>) target_semaphore(%arg13 : memref<!tpu.dma_semaphore, #tpu.memory_space<semaphore_mem>>)
    }
    %scan3A_6 = arith.constant 32 : i32
    %dma_wait3A = arith.constant 0 : i32
    %dma_wait3A_7 = arith.constant 0 : i32
    %dma_wait3A_8 = tpu.memref_slice %arg6[%dma_wait3A, %dma_wait3A_7] : memref<1000x64xf32, #tpu.memory_space<hbm>> -> memref<512x64xf32, #tpu.memory_space<hbm>>
    %dma_wait3A_9 = arith.constant 0 : i32
    %dma_wait3A_10 = arith.constant 0 : i32
    %dma_wait3A_11 = tpu.memref_slice %arg6[%dma_wait3A_9, %dma_wait3A_10] : memref<1000x64xf32, #tpu.memory_space<hbm>> -> memref<512x64xf32, #tpu.memory_space<hbm>>
    tpu.wait_dma2 semaphore(%arg13 : memref<!tpu.dma_semaphore, #tpu.memory_space<semaphore_mem>>) src(%dma_wait3A_11 : memref<512x64xf32, #tpu.memory_space<hbm>>) dst(%arg12 : memref<512x64xf32, #tpu.memory_space<vmem>>)
    %run_scoped3A = arith.constant 0 : i32
    "tpu.region"() ({
      %run_scoped3A_48 = tpu.sem_alloc : memref<!tpu.dma_semaphore, #tpu.memory_space<semaphore_mem>>
      %dma_start3A = arith.constant 0 : i32
      %dma_start3A_49 = tpu.memref_slice %arg10[%run_scoped3A, %mul3A_2, %dma_start3A] : memref<4x16384x64xf32, #tpu.memory_space<hbm>> -> memref<1x512x64xf32, #tpu.memory_space<hbm>>
      %dma_start3A_50 = tpu.memref_squeeze %dma_start3A_49 : memref<1x512x64xf32, #tpu.memory_space<hbm>> -> memref<512x64xf32, #tpu.memory_space<hbm>>
      %dma_start3A_51 = arith.constant 0 : i32
      %dma_start3A_52 = tpu.memref_slice %arg10[%run_scoped3A, %mul3A_2, %dma_start3A_51] : memref<4x16384x64xf32, #tpu.memory_space<hbm>> -> memref<1x512x64xf32, #tpu.memory_space<hbm>>
      %dma_start3A_53 = tpu.memref_squeeze %dma_start3A_52 : memref<1x512x64xf32, #tpu.memory_space<hbm>> -> memref<512x64xf32, #tpu.memory_space<hbm>>
      tpu.enqueue_dma source(%arg12 : memref<512x64xf32, #tpu.memory_space<vmem>>) target(%dma_start3A_53 : memref<512x64xf32, #tpu.memory_space<hbm>>) target_semaphore(%run_scoped3A_48 : memref<!tpu.dma_semaphore, #tpu.memory_space<semaphore_mem>>)
      %dma_wait3A_54 = arith.constant 0 : i32
      %dma_wait3A_55 = tpu.memref_slice %arg10[%run_scoped3A, %mul3A_2, %dma_wait3A_54] : memref<4x16384x64xf32, #tpu.memory_space<hbm>> -> memref<1x512x64xf32, #tpu.memory_space<hbm>>
      %dma_wait3A_56 = tpu.memref_squeeze %dma_wait3A_55 : memref<1x512x64xf32, #tpu.memory_space<hbm>> -> memref<512x64xf32, #tpu.memory_space<hbm>>
      %dma_wait3A_57 = arith.constant 0 : i32
      %dma_wait3A_58 = tpu.memref_slice %arg10[%run_scoped3A, %mul3A_2, %dma_wait3A_57] : memref<4x16384x64xf32, #tpu.memory_space<hbm>> -> memref<1x512x64xf32, #tpu.memory_space<hbm>>
      %dma_wait3A_59 = tpu.memref_squeeze %dma_wait3A_58 : memref<1x512x64xf32, #tpu.memory_space<hbm>> -> memref<512x64xf32, #tpu.memory_space<hbm>>
      tpu.wait_dma2 semaphore(%run_scoped3A_48 : memref<!tpu.dma_semaphore, #tpu.memory_space<semaphore_mem>>) src(%arg12 : memref<512x64xf32, #tpu.memory_space<vmem>>) dst(%dma_wait3A_59 : memref<512x64xf32, #tpu.memory_space<hbm>>)
      tpu.yield
    }) : () -> ()
    "tpu.region"() ({
      %run_scoped3A_48 = tpu.sem_alloc : memref<!tpu.dma_semaphore, #tpu.memory_space<semaphore_mem>>
      %dma_start3A = tpu.memref_slice %arg3[%mul3A_2] : memref<16384xi32, #tpu.memory_space<hbm>> -> memref<512xi32, #tpu.memory_space<hbm>>
      %dma_start3A_49 = tpu.memref_slice %arg3[%mul3A_2] : memref<16384xi32, #tpu.memory_space<hbm>> -> memref<512xi32, #tpu.memory_space<hbm>>
      tpu.enqueue_dma source(%dma_start3A_49 : memref<512xi32, #tpu.memory_space<hbm>>) target(%arg11 : memref<512xi32, #tpu.memory_space<vmem>>) target_semaphore(%run_scoped3A_48 : memref<!tpu.dma_semaphore, #tpu.memory_space<semaphore_mem>>)
      %dma_wait3A_50 = tpu.memref_slice %arg3[%mul3A_2] : memref<16384xi32, #tpu.memory_space<hbm>> -> memref<512xi32, #tpu.memory_space<hbm>>
      %dma_wait3A_51 = tpu.memref_slice %arg3[%mul3A_2] : memref<16384xi32, #tpu.memory_space<hbm>> -> memref<512xi32, #tpu.memory_space<hbm>>
      tpu.wait_dma2 semaphore(%run_scoped3A_48 : memref<!tpu.dma_semaphore, #tpu.memory_space<semaphore_mem>>) src(%dma_wait3A_51 : memref<512xi32, #tpu.memory_space<hbm>>) dst(%arg11 : memref<512xi32, #tpu.memory_space<vmem>>)
      tpu.yield
    }) : () -> ()
    %scan3A_12 = arith.constant 0 : i32
    %scan3A_13 = arith.constant 32 : i32
    %scan3A_14 = arith.addi %scan3A_12, %scan3A_13 : i32
    %scan3A_15 = arith.constant 1 : i32
    scf.for %scan3A_48 = %scan3A_12 to %scan3A_14 step %scan3A_15  : i32 {
      %mul3A_49 = arith.constant 16 : i32
      %mul3A_50 = arith.muli %scan3A_48, %mul3A_49 : i32
      %get3A = arith.index_cast %mul3A_50 : i32 to index
      %get3A_51 = tpu.vector_load %arg11[%get3A] {strides = array<i32>} : memref<512xi32, #tpu.memory_space<vmem>>, vector<16xi32>,
      %get3A_52 = vector.shape_cast %get3A_51 : vector<16xi32> to vector<16xi32>
      %slice3A = vector.extract_strided_slice %get3A_52 {offsets = [0], sizes = [1], strides = [1]} : vector<16xi32> to vector<1xi32>
      %squeeze3A = vector.extract %slice3A[0] : i32 from vector<1xi32>
      %mul3A_53 = arith.constant 16 : i32
      %mul3A_54 = arith.muli %scan3A_48, %mul3A_53 : i32
      %add3A_55 = arith.constant 0 : i32
      %add3A_56 = arith.addi %mul3A_54, %add3A_55 : i32
      %dma_start3A = arith.constant 0 : i32
      %dma_start3A_57 = tpu.memref_slice %arg12[%add3A_56, %dma_start3A] : memref<512x64xf32, #tpu.memory_space<vmem>> -> memref<1x64xf32, #tpu.memory_space<vmem>>
      %dma_start3A_58 = tpu.memref_squeeze %dma_start3A_57 : memref<1x64xf32, #tpu.memory_space<vmem>> -> memref<64xf32, #tpu.memory_space<vmem>>
      %dma_start3A_59 = arith.constant 0 : i32
      %dma_start3A_60 = tpu.memref_slice %arg7[%squeeze3A, %dma_start3A_59] : memref<1000x64xf32, #tpu.memory_space<hbm>> -> memref<1x64xf32, #tpu.memory_space<hbm>>
      %dma_start3A_61 = tpu.memref_squeeze %dma_start3A_60 : memref<1x64xf32, #tpu.memory_space<hbm>> -> memref<64xf32, #tpu.memory_space<hbm>>
      %dma_start3A_62 = arith.constant 0 : i32
      %dma_start3A_63 = tpu.memref_slice %arg12[%add3A_56, %dma_start3A_62] : memref<512x64xf32, #tpu.memory_space<vmem>> -> memref<1x64xf32, #tpu.memory_space<vmem>>
      %dma_start3A_64 = tpu.memref_squeeze %dma_start3A_63 : memref<1x64xf32, #tpu.memory_space<vmem>> -> memref<64xf32, #tpu.memory_space<vmem>>
      %dma_start3A_65 = arith.constant 0 : i32
      %dma_start3A_66 = tpu.memref_slice %arg7[%squeeze3A, %dma_start3A_65] : memref<1000x64xf32, #tpu.memory_space<hbm>> -> memref<1x64xf32, #tpu.memory_space<hbm>>
      %dma_start3A_67 = tpu.memref_squeeze %dma_start3A_66 : memref<1x64xf32, #tpu.memory_space<hbm>> -> memref<64xf32, #tpu.memory_space<hbm>>
      tpu.enqueue_dma source(%dma_start3A_67 : memref<64xf32, #tpu.memory_space<hbm>>) target(%dma_start3A_64 : memref<64xf32, #tpu.memory_space<vmem>>) target_semaphore(%arg13 : memref<!tpu.dma_semaphore, #tpu.memory_space<semaphore_mem>>)
      %slice3A_68 = vector.extract_strided_slice %get3A_52 {offsets = [1], sizes = [1], strides = [1]} : vector<16xi32> to vector<1xi32>
      %squeeze3A_69 = vector.extract %slice3A_68[0] : i32 from vector<1xi32>
      %mul3A_70 = arith.constant 16 : i32
      %mul3A_71 = arith.muli %scan3A_48, %mul3A_70 : i32
      %add3A_72 = arith.constant 1 : i32
      %add3A_73 = arith.addi %mul3A_71, %add3A_72 : i32
      %dma_start3A_74 = arith.constant 0 : i32
      %dma_start3A_75 = tpu.memref_slice %arg12[%add3A_73, %dma_start3A_74] : memref<512x64xf32, #tpu.memory_space<vmem>> -> memref<1x64xf32, #tpu.memory_space<vmem>>
      %dma_start3A_76 = tpu.memref_squeeze %dma_start3A_75 : memref<1x64xf32, #tpu.memory_space<vmem>> -> memref<64xf32, #tpu.memory_space<vmem>>
      %dma_start3A_77 = arith.constant 0 : i32
      %dma_start3A_78 = tpu.memref_slice %arg7[%squeeze3A_69, %dma_start3A_77] : memref<1000x64xf32, #tpu.memory_space<hbm>> -> memref<1x64xf32, #tpu.memory_space<hbm>>
      %dma_start3A_79 = tpu.memref_squeeze %dma_start3A_78 : memref<1x64xf32, #tpu.memory_space<hbm>> -> memref<64xf32, #tpu.memory_space<hbm>>
      %dma_start3A_80 = arith.constant 0 : i32
      %dma_start3A_81 = tpu.memref_slice %arg12[%add3A_73, %dma_start3A_80] : memref<512x64xf32, #tpu.memory_space<vmem>> -> memref<1x64xf32, #tpu.memory_space<vmem>>
      %dma_start3A_82 = tpu.memref_squeeze %dma_start3A_81 : memref<1x64xf32, #tpu.memory_space<vmem>> -> memref<64xf32, #tpu.memory_space<vmem>>
      %dma_start3A_83 = arith.constant 0 : i32
      %dma_start3A_84 = tpu.memref_slice %arg7[%squeeze3A_69, %dma_start3A_83] : memref<1000x64xf32, #tpu.memory_space<hbm>> -> memref<1x64xf32, #tpu.memory_space<hbm>>
      %dma_start3A_85 = tpu.memref_squeeze %dma_start3A_84 : memref<1x64xf32, #tpu.memory_space<hbm>> -> memref<64xf32, #tpu.memory_space<hbm>>
      tpu.enqueue_dma source(%dma_start3A_85 : memref<64xf32, #tpu.memory_space<hbm>>) target(%dma_start3A_82 : memref<64xf32, #tpu.memory_space<vmem>>) target_semaphore(%arg13 : memref<!tpu.dma_semaphore, #tpu.memory_space<semaphore_mem>>)
      %slice3A_86 = vector.extract_strided_slice %get3A_52 {offsets = [2], sizes = [1], strides = [1]} : vector<16xi32> to vector<1xi32>
      %squeeze3A_87 = vector.extract %slice3A_86[0] : i32 from vector<1xi32>
      %mul3A_88 = arith.constant 16 : i32
      %mul3A_89 = arith.muli %scan3A_48, %mul3A_88 : i32
      %add3A_90 = arith.constant 2 : i32
      %add3A_91 = arith.addi %mul3A_89, %add3A_90 : i32
      %dma_start3A_92 = arith.constant 0 : i32
      %dma_start3A_93 = tpu.memref_slice %arg12[%add3A_91, %dma_start3A_92] : memref<512x64xf32, #tpu.memory_space<vmem>> -> memref<1x64xf32, #tpu.memory_space<vmem>>
      %dma_start3A_94 = tpu.memref_squeeze %dma_start3A_93 : memref<1x64xf32, #tpu.memory_space<vmem>> -> memref<64xf32, #tpu.memory_space<vmem>>
      %dma_start3A_95 = arith.constant 0 : i32
      %dma_start3A_96 = tpu.memref_slice %arg7[%squeeze3A_87, %dma_start3A_95] : memref<1000x64xf32, #tpu.memory_space<hbm>> -> memref<1x64xf32, #tpu.memory_space<hbm>>
      %dma_start3A_97 = tpu.memref_squeeze %dma_start3A_96 : memref<1x64xf32, #tpu.memory_space<hbm>> -> memref<64xf32, #tpu.memory_space<hbm>>
      %dma_start3A_98 = arith.constant 0 : i32
      %dma_start3A_99 = tpu.memref_slice %arg12[%add3A_91, %dma_start3A_98] : memref<512x64xf32, #tpu.memory_space<vmem>> -> memref<1x64xf32, #tpu.memory_space<vmem>>
      %dma_start3A_100 = tpu.memref_squeeze %dma_start3A_99 : memref<1x64xf32, #tpu.memory_space<vmem>> -> memref<64xf32, #tpu.memory_space<vmem>>
      %dma_start3A_101 = arith.constant 0 : i32
      %dma_start3A_102 = tpu.memref_slice %arg7[%squeeze3A_87, %dma_start3A_101] : memref<1000x64xf32, #tpu.memory_space<hbm>> -> memref<1x64xf32, #tpu.memory_space<hbm>>
      %dma_start3A_103 = tpu.memref_squeeze %dma_start3A_102 : memref<1x64xf32, #tpu.memory_space<hbm>> -> memref<64xf32, #tpu.memory_space<hbm>>
      tpu.enqueue_dma source(%dma_start3A_103 : memref<64xf32, #tpu.memory_space<hbm>>) target(%dma_start3A_100 : memref<64xf32, #tpu.memory_space<vmem>>) target_semaphore(%arg13 : memref<!tpu.dma_semaphore, #tpu.memory_space<semaphore_mem>>)
      %slice3A_104 = vector.extract_strided_slice %get3A_52 {offsets = [3], sizes = [1], strides = [1]} : vector<16xi32> to vector<1xi32>
      %squeeze3A_105 = vector.extract %slice3A_104[0] : i32 from vector<1xi32>
      %mul3A_106 = arith.constant 16 : i32
      %mul3A_107 = arith.muli %scan3A_48, %mul3A_106 : i32
      %add3A_108 = arith.constant 3 : i32
      %add3A_109 = arith.addi %mul3A_107, %add3A_108 : i32
      %dma_start3A_110 = arith.constant 0 : i32
      %dma_start3A_111 = tpu.memref_slice %arg12[%add3A_109, %dma_start3A_110] : memref<512x64xf32, #tpu.memory_space<vmem>> -> memref<1x64xf32, #tpu.memory_space<vmem>>
      %dma_start3A_112 = tpu.memref_squeeze %dma_start3A_111 : memref<1x64xf32, #tpu.memory_space<vmem>> -> memref<64xf32, #tpu.memory_space<vmem>>
      %dma_start3A_113 = arith.constant 0 : i32
      %dma_start3A_114 = tpu.memref_slice %arg7[%squeeze3A_105, %dma_start3A_113] : memref<1000x64xf32, #tpu.memory_space<hbm>> -> memref<1x64xf32, #tpu.memory_space<hbm>>
      %dma_start3A_115 = tpu.memref_squeeze %dma_start3A_114 : memref<1x64xf32, #tpu.memory_space<hbm>> -> memref<64xf32, #tpu.memory_space<hbm>>
      %dma_start3A_116 = arith.constant 0 : i32
      %dma_start3A_117 = tpu.memref_slice %arg12[%add3A_109, %dma_start3A_116] : memref<512x64xf32, #tpu.memory_space<vmem>> -> memref<1x64xf32, #tpu.memory_space<vmem>>
      %dma_start3A_118 = tpu.memref_squeeze %dma_start3A_117 : memref<1x64xf32, #tpu.memory_space<vmem>> -> memref<64xf32, #tpu.memory_space<vmem>>
      %dma_start3A_119 = arith.constant 0 : i32
      %dma_start3A_120 = tpu.memref_slice %arg7[%squeeze3A_105, %dma_start3A_119] : memref<1000x64xf32, #tpu.memory_space<hbm>> -> memref<1x64xf32, #tpu.memory_space<hbm>>
      %dma_start3A_121 = tpu.memref_squeeze %dma_start3A_120 : memref<1x64xf32, #tpu.memory_space<hbm>> -> memref<64xf32, #tpu.memory_space<hbm>>
      tpu.enqueue_dma source(%dma_start3A_121 : memref<64xf32, #tpu.memory_space<hbm>>) target(%dma_start3A_118 : memref<64xf32, #tpu.memory_space<vmem>>) target_semaphore(%arg13 : memref<!tpu.dma_semaphore, #tpu.memory_space<semaphore_mem>>)
      %slice3A_122 = vector.extract_strided_slice %get3A_52 {offsets = [4], sizes = [1], strides = [1]} : vector<16xi32> to vector<1xi32>
      %squeeze3A_123 = vector.extract %slice3A_122[0] : i32 from vector<1xi32>
      %mul3A_124 = arith.constant 16 : i32
      %mul3A_125 = arith.muli %scan3A_48, %mul3A_124 : i32
      %add3A_126 = arith.constant 4 : i32
      %add3A_127 = arith.addi %mul3A_125, %add3A_126 : i32
      %dma_start3A_128 = arith.constant 0 : i32
      %dma_start3A_129 = tpu.memref_slice %arg12[%add3A_127, %dma_start3A_128] : memref<512x64xf32, #tpu.memory_space<vmem>> -> memref<1x64xf32, #tpu.memory_space<vmem>>
      %dma_start3A_130 = tpu.memref_squeeze %dma_start3A_129 : memref<1x64xf32, #tpu.memory_space<vmem>> -> memref<64xf32, #tpu.memory_space<vmem>>
      %dma_start3A_131 = arith.constant 0 : i32
      %dma_start3A_132 = tpu.memref_slice %arg7[%squeeze3A_123, %dma_start3A_131] : memref<1000x64xf32, #tpu.memory_space<hbm>> -> memref<1x64xf32, #tpu.memory_space<hbm>>
      %dma_start3A_133 = tpu.memref_squeeze %dma_start3A_132 : memref<1x64xf32, #tpu.memory_space<hbm>> -> memref<64xf32, #tpu.memory_space<hbm>>
      %dma_start3A_134 = arith.constant 0 : i32
      %dma_start3A_135 = tpu.memref_slice %arg12[%add3A_127, %dma_start3A_134] : memref<512x64xf32, #tpu.memory_space<vmem>> -> memref<1x64xf32, #tpu.memory_space<vmem>>
      %dma_start3A_136 = tpu.memref_squeeze %dma_start3A_135 : memref<1x64xf32, #tpu.memory_space<vmem>> -> memref<64xf32, #tpu.memory_space<vmem>>
      %dma_start3A_137 = arith.constant 0 : i32
      %dma_start3A_138 = tpu.memref_slice %arg7[%squeeze3A_123, %dma_start3A_137] : memref<1000x64xf32, #tpu.memory_space<hbm>> -> memref<1x64xf32, #tpu.memory_space<hbm>>
      %dma_start3A_139 = tpu.memref_squeeze %dma_start3A_138 : memref<1x64xf32, #tpu.memory_space<hbm>> -> memref<64xf32, #tpu.memory_space<hbm>>
      tpu.enqueue_dma source(%dma_start3A_139 : memref<64xf32, #tpu.memory_space<hbm>>) target(%dma_start3A_136 : memref<64xf32, #tpu.memory_space<vmem>>) target_semaphore(%arg13 : memref<!tpu.dma_semaphore, #tpu.memory_space<semaphore_mem>>)
      %slice3A_140 = vector.extract_strided_slice %get3A_52 {offsets = [5], sizes = [1], strides = [1]} : vector<16xi32> to vector<1xi32>
      %squeeze3A_141 = vector.extract %slice3A_140[0] : i32 from vector<1xi32>
      %mul3A_142 = arith.constant 16 : i32
      %mul3A_143 = arith.muli %scan3A_48, %mul3A_142 : i32
      %add3A_144 = arith.constant 5 : i32
      %add3A_145 = arith.addi %mul3A_143, %add3A_144 : i32
      %dma_start3A_146 = arith.constant 0 : i32
      %dma_start3A_147 = tpu.memref_slice %arg12[%add3A_145, %dma_start3A_146] : memref<512x64xf32, #tpu.memory_space<vmem>> -> memref<1x64xf32, #tpu.memory_space<vmem>>
      %dma_start3A_148 = tpu.memref_squeeze %dma_start3A_147 : memref<1x64xf32, #tpu.memory_space<vmem>> -> memref<64xf32, #tpu.memory_space<vmem>>
      %dma_start3A_149 = arith.constant 0 : i32
      %dma_start3A_150 = tpu.memref_slice %arg7[%squeeze3A_141, %dma_start3A_149] : memref<1000x64xf32, #tpu.memory_space<hbm>> -> memref<1x64xf32, #tpu.memory_space<hbm>>
      %dma_start3A_151 = tpu.memref_squeeze %dma_start3A_150 : memref<1x64xf32, #tpu.memory_space<hbm>> -> memref<64xf32, #tpu.memory_space<hbm>>
      %dma_start3A_152 = arith.constant 0 : i32
      %dma_start3A_153 = tpu.memref_slice %arg12[%add3A_145, %dma_start3A_152] : memref<512x64xf32, #tpu.memory_space<vmem>> -> memref<1x64xf32, #tpu.memory_space<vmem>>
      %dma_start3A_154 = tpu.memref_squeeze %dma_start3A_153 : memref<1x64xf32, #tpu.memory_space<vmem>> -> memref<64xf32, #tpu.memory_space<vmem>>
      %dma_start3A_155 = arith.constant 0 : i32
      %dma_start3A_156 = tpu.memref_slice %arg7[%squeeze3A_141, %dma_start3A_155] : memref<1000x64xf32, #tpu.memory_space<hbm>> -> memref<1x64xf32, #tpu.memory_space<hbm>>
      %dma_start3A_157 = tpu.memref_squeeze %dma_start3A_156 : memref<1x64xf32, #tpu.memory_space<hbm>> -> memref<64xf32, #tpu.memory_space<hbm>>
      tpu.enqueue_dma source(%dma_start3A_157 : memref<64xf32, #tpu.memory_space<hbm>>) target(%dma_start3A_154 : memref<64xf32, #tpu.memory_space<vmem>>) target_semaphore(%arg13 : memref<!tpu.dma_semaphore, #tpu.memory_space<semaphore_mem>>)
      %slice3A_158 = vector.extract_strided_slice %get3A_52 {offsets = [6], sizes = [1], strides = [1]} : vector<16xi32> to vector<1xi32>
      %squeeze3A_159 = vector.extract %slice3A_158[0] : i32 from vector<1xi32>
      %mul3A_160 = arith.constant 16 : i32
      %mul3A_161 = arith.muli %scan3A_48, %mul3A_160 : i32
      %add3A_162 = arith.constant 6 : i32
      %add3A_163 = arith.addi %mul3A_161, %add3A_162 : i32
      %dma_start3A_164 = arith.constant 0 : i32
      %dma_start3A_165 = tpu.memref_slice %arg12[%add3A_163, %dma_start3A_164] : memref<512x64xf32, #tpu.memory_space<vmem>> -> memref<1x64xf32, #tpu.memory_space<vmem>>
      %dma_start3A_166 = tpu.memref_squeeze %dma_start3A_165 : memref<1x64xf32, #tpu.memory_space<vmem>> -> memref<64xf32, #tpu.memory_space<vmem>>
      %dma_start3A_167 = arith.constant 0 : i32
      %dma_start3A_168 = tpu.memref_slice %arg7[%squeeze3A_159, %dma_start3A_167] : memref<1000x64xf32, #tpu.memory_space<hbm>> -> memref<1x64xf32, #tpu.memory_space<hbm>>
      %dma_start3A_169 = tpu.memref_squeeze %dma_start3A_168 : memref<1x64xf32, #tpu.memory_space<hbm>> -> memref<64xf32, #tpu.memory_space<hbm>>
      %dma_start3A_170 = arith.constant 0 : i32
      %dma_start3A_171 = tpu.memref_slice %arg12[%add3A_163, %dma_start3A_170] : memref<512x64xf32, #tpu.memory_space<vmem>> -> memref<1x64xf32, #tpu.memory_space<vmem>>
      %dma_start3A_172 = tpu.memref_squeeze %dma_start3A_171 : memref<1x64xf32, #tpu.memory_space<vmem>> -> memref<64xf32, #tpu.memory_space<vmem>>
      %dma_start3A_173 = arith.constant 0 : i32
      %dma_start3A_174 = tpu.memref_slice %arg7[%squeeze3A_159, %dma_start3A_173] : memref<1000x64xf32, #tpu.memory_space<hbm>> -> memref<1x64xf32, #tpu.memory_space<hbm>>
      %dma_start3A_175 = tpu.memref_squeeze %dma_start3A_174 : memref<1x64xf32, #tpu.memory_space<hbm>> -> memref<64xf32, #tpu.memory_space<hbm>>
      tpu.enqueue_dma source(%dma_start3A_175 : memref<64xf32, #tpu.memory_space<hbm>>) target(%dma_start3A_172 : memref<64xf32, #tpu.memory_space<vmem>>) target_semaphore(%arg13 : memref<!tpu.dma_semaphore, #tpu.memory_space<semaphore_mem>>)
      %slice3A_176 = vector.extract_strided_slice %get3A_52 {offsets = [7], sizes = [1], strides = [1]} : vector<16xi32> to vector<1xi32>
      %squeeze3A_177 = vector.extract %slice3A_176[0] : i32 from vector<1xi32>
      %mul3A_178 = arith.constant 16 : i32
      %mul3A_179 = arith.muli %scan3A_48, %mul3A_178 : i32
      %add3A_180 = arith.constant 7 : i32
      %add3A_181 = arith.addi %mul3A_179, %add3A_180 : i32
      %dma_start3A_182 = arith.constant 0 : i32
      %dma_start3A_183 = tpu.memref_slice %arg12[%add3A_181, %dma_start3A_182] : memref<512x64xf32, #tpu.memory_space<vmem>> -> memref<1x64xf32, #tpu.memory_space<vmem>>
      %dma_start3A_184 = tpu.memref_squeeze %dma_start3A_183 : memref<1x64xf32, #tpu.memory_space<vmem>> -> memref<64xf32, #tpu.memory_space<vmem>>
      %dma_start3A_185 = arith.constant 0 : i32
      %dma_start3A_186 = tpu.memref_slice %arg7[%squeeze3A_177, %dma_start3A_185] : memref<1000x64xf32, #tpu.memory_space<hbm>> -> memref<1x64xf32, #tpu.memory_space<hbm>>
      %dma_start3A_187 = tpu.memref_squeeze %dma_start3A_186 : memref<1x64xf32, #tpu.memory_space<hbm>> -> memref<64xf32, #tpu.memory_space<hbm>>
      %dma_start3A_188 = arith.constant 0 : i32
      %dma_start3A_189 = tpu.memref_slice %arg12[%add3A_181, %dma_start3A_188] : memref<512x64xf32, #tpu.memory_space<vmem>> -> memref<1x64xf32, #tpu.memory_space<vmem>>
      %dma_start3A_190 = tpu.memref_squeeze %dma_start3A_189 : memref<1x64xf32, #tpu.memory_space<vmem>> -> memref<64xf32, #tpu.memory_space<vmem>>
      %dma_start3A_191 = arith.constant 0 : i32
      %dma_start3A_192 = tpu.memref_slice %arg7[%squeeze3A_177, %dma_start3A_191] : memref<1000x64xf32, #tpu.memory_space<hbm>> -> memref<1x64xf32, #tpu.memory_space<hbm>>
      %dma_start3A_193 = tpu.memref_squeeze %dma_start3A_192 : memref<1x64xf32, #tpu.memory_space<hbm>> -> memref<64xf32, #tpu.memory_space<hbm>>
      tpu.enqueue_dma source(%dma_start3A_193 : memref<64xf32, #tpu.memory_space<hbm>>) target(%dma_start3A_190 : memref<64xf32, #tpu.memory_space<vmem>>) target_semaphore(%arg13 : memref<!tpu.dma_semaphore, #tpu.memory_space<semaphore_mem>>)
      %slice3A_194 = vector.extract_strided_slice %get3A_52 {offsets = [8], sizes = [1], strides = [1]} : vector<16xi32> to vector<1xi32>
      %squeeze3A_195 = vector.extract %slice3A_194[0] : i32 from vector<1xi32>
      %mul3A_196 = arith.constant 16 : i32
      %mul3A_197 = arith.muli %scan3A_48, %mul3A_196 : i32
      %add3A_198 = arith.constant 8 : i32
      %add3A_199 = arith.addi %mul3A_197, %add3A_198 : i32
      %dma_start3A_200 = arith.constant 0 : i32
      %dma_start3A_201 = tpu.memref_slice %arg12[%add3A_199, %dma_start3A_200] : memref<512x64xf32, #tpu.memory_space<vmem>> -> memref<1x64xf32, #tpu.memory_space<vmem>>
      %dma_start3A_202 = tpu.memref_squeeze %dma_start3A_201 : memref<1x64xf32, #tpu.memory_space<vmem>> -> memref<64xf32, #tpu.memory_space<vmem>>
      %dma_start3A_203 = arith.constant 0 : i32
      %dma_start3A_204 = tpu.memref_slice %arg7[%squeeze3A_195, %dma_start3A_203] : memref<1000x64xf32, #tpu.memory_space<hbm>> -> memref<1x64xf32, #tpu.memory_space<hbm>>
      %dma_start3A_205 = tpu.memref_squeeze %dma_start3A_204 : memref<1x64xf32, #tpu.memory_space<hbm>> -> memref<64xf32, #tpu.memory_space<hbm>>
      %dma_start3A_206 = arith.constant 0 : i32
      %dma_start3A_207 = tpu.memref_slice %arg12[%add3A_199, %dma_start3A_206] : memref<512x64xf32, #tpu.memory_space<vmem>> -> memref<1x64xf32, #tpu.memory_space<vmem>>
      %dma_start3A_208 = tpu.memref_squeeze %dma_start3A_207 : memref<1x64xf32, #tpu.memory_space<vmem>> -> memref<64xf32, #tpu.memory_space<vmem>>
      %dma_start3A_209 = arith.constant 0 : i32
      %dma_start3A_210 = tpu.memref_slice %arg7[%squeeze3A_195, %dma_start3A_209] : memref<1000x64xf32, #tpu.memory_space<hbm>> -> memref<1x64xf32, #tpu.memory_space<hbm>>
      %dma_start3A_211 = tpu.memref_squeeze %dma_start3A_210 : memref<1x64xf32, #tpu.memory_space<hbm>> -> memref<64xf32, #tpu.memory_space<hbm>>
      tpu.enqueue_dma source(%dma_start3A_211 : memref<64xf32, #tpu.memory_space<hbm>>) target(%dma_start3A_208 : memref<64xf32, #tpu.memory_space<vmem>>) target_semaphore(%arg13 : memref<!tpu.dma_semaphore, #tpu.memory_space<semaphore_mem>>)
      %slice3A_212 = vector.extract_strided_slice %get3A_52 {offsets = [9], sizes = [1], strides = [1]} : vector<16xi32> to vector<1xi32>
      %squeeze3A_213 = vector.extract %slice3A_212[0] : i32 from vector<1xi32>
      %mul3A_214 = arith.constant 16 : i32
      %mul3A_215 = arith.muli %scan3A_48, %mul3A_214 : i32
      %add3A_216 = arith.constant 9 : i32
      %add3A_217 = arith.addi %mul3A_215, %add3A_216 : i32
      %dma_start3A_218 = arith.constant 0 : i32
      %dma_start3A_219 = tpu.memref_slice %arg12[%add3A_217, %dma_start3A_218] : memref<512x64xf32, #tpu.memory_space<vmem>> -> memref<1x64xf32, #tpu.memory_space<vmem>>
      %dma_start3A_220 = tpu.memref_squeeze %dma_start3A_219 : memref<1x64xf32, #tpu.memory_space<vmem>> -> memref<64xf32, #tpu.memory_space<vmem>>
      %dma_start3A_221 = arith.constant 0 : i32
      %dma_start3A_222 = tpu.memref_slice %arg7[%squeeze3A_213, %dma_start3A_221] : memref<1000x64xf32, #tpu.memory_space<hbm>> -> memref<1x64xf32, #tpu.memory_space<hbm>>
      %dma_start3A_223 = tpu.memref_squeeze %dma_start3A_222 : memref<1x64xf32, #tpu.memory_space<hbm>> -> memref<64xf32, #tpu.memory_space<hbm>>
      %dma_start3A_224 = arith.constant 0 : i32
      %dma_start3A_225 = tpu.memref_slice %arg12[%add3A_217, %dma_start3A_224] : memref<512x64xf32, #tpu.memory_space<vmem>> -> memref<1x64xf32, #tpu.memory_space<vmem>>
      %dma_start3A_226 = tpu.memref_squeeze %dma_start3A_225 : memref<1x64xf32, #tpu.memory_space<vmem>> -> memref<64xf32, #tpu.memory_space<vmem>>
      %dma_start3A_227 = arith.constant 0 : i32
      %dma_start3A_228 = tpu.memref_slice %arg7[%squeeze3A_213, %dma_start3A_227] : memref<1000x64xf32, #tpu.memory_space<hbm>> -> memref<1x64xf32, #tpu.memory_space<hbm>>
      %dma_start3A_229 = tpu.memref_squeeze %dma_start3A_228 : memref<1x64xf32, #tpu.memory_space<hbm>> -> memref<64xf32, #tpu.memory_space<hbm>>
      tpu.enqueue_dma source(%dma_start3A_229 : memref<64xf32, #tpu.memory_space<hbm>>) target(%dma_start3A_226 : memref<64xf32, #tpu.memory_space<vmem>>) target_semaphore(%arg13 : memref<!tpu.dma_semaphore, #tpu.memory_space<semaphore_mem>>)
      %slice3A_230 = vector.extract_strided_slice %get3A_52 {offsets = [10], sizes = [1], strides = [1]} : vector<16xi32> to vector<1xi32>
      %squeeze3A_231 = vector.extract %slice3A_230[0] : i32 from vector<1xi32>
      %mul3A_232 = arith.constant 16 : i32
      %mul3A_233 = arith.muli %scan3A_48, %mul3A_232 : i32
      %add3A_234 = arith.constant 10 : i32
      %add3A_235 = arith.addi %mul3A_233, %add3A_234 : i32
      %dma_start3A_236 = arith.constant 0 : i32
      %dma_start3A_237 = tpu.memref_slice %arg12[%add3A_235, %dma_start3A_236] : memref<512x64xf32, #tpu.memory_space<vmem>> -> memref<1x64xf32, #tpu.memory_space<vmem>>
      %dma_start3A_238 = tpu.memref_squeeze %dma_start3A_237 : memref<1x64xf32, #tpu.memory_space<vmem>> -> memref<64xf32, #tpu.memory_space<vmem>>
      %dma_start3A_239 = arith.constant 0 : i32
      %dma_start3A_240 = tpu.memref_slice %arg7[%squeeze3A_231, %dma_start3A_239] : memref<1000x64xf32, #tpu.memory_space<hbm>> -> memref<1x64xf32, #tpu.memory_space<hbm>>
      %dma_start3A_241 = tpu.memref_squeeze %dma_start3A_240 : memref<1x64xf32, #tpu.memory_space<hbm>> -> memref<64xf32, #tpu.memory_space<hbm>>
      %dma_start3A_242 = arith.constant 0 : i32
      %dma_start3A_243 = tpu.memref_slice %arg12[%add3A_235, %dma_start3A_242] : memref<512x64xf32, #tpu.memory_space<vmem>> -> memref<1x64xf32, #tpu.memory_space<vmem>>
      %dma_start3A_244 = tpu.memref_squeeze %dma_start3A_243 : memref<1x64xf32, #tpu.memory_space<vmem>> -> memref<64xf32, #tpu.memory_space<vmem>>
      %dma_start3A_245 = arith.constant 0 : i32
      %dma_start3A_246 = tpu.memref_slice %arg7[%squeeze3A_231, %dma_start3A_245] : memref<1000x64xf32, #tpu.memory_space<hbm>> -> memref<1x64xf32, #tpu.memory_space<hbm>>
      %dma_start3A_247 = tpu.memref_squeeze %dma_start3A_246 : memref<1x64xf32, #tpu.memory_space<hbm>> -> memref<64xf32, #tpu.memory_space<hbm>>
      tpu.enqueue_dma source(%dma_start3A_247 : memref<64xf32, #tpu.memory_space<hbm>>) target(%dma_start3A_244 : memref<64xf32, #tpu.memory_space<vmem>>) target_semaphore(%arg13 : memref<!tpu.dma_semaphore, #tpu.memory_space<semaphore_mem>>)
      %slice3A_248 = vector.extract_strided_slice %get3A_52 {offsets = [11], sizes = [1], strides = [1]} : vector<16xi32> to vector<1xi32>
      %squeeze3A_249 = vector.extract %slice3A_248[0] : i32 from vector<1xi32>
      %mul3A_250 = arith.constant 16 : i32
      %mul3A_251 = arith.muli %scan3A_48, %mul3A_250 : i32
      %add3A_252 = arith.constant 11 : i32
      %add3A_253 = arith.addi %mul3A_251, %add3A_252 : i32
      %dma_start3A_254 = arith.constant 0 : i32
      %dma_start3A_255 = tpu.memref_slice %arg12[%add3A_253, %dma_start3A_254] : memref<512x64xf32, #tpu.memory_space<vmem>> -> memref<1x64xf32, #tpu.memory_space<vmem>>
      %dma_start3A_256 = tpu.memref_squeeze %dma_start3A_255 : memref<1x64xf32, #tpu.memory_space<vmem>> -> memref<64xf32, #tpu.memory_space<vmem>>
      %dma_start3A_257 = arith.constant 0 : i32
      %dma_start3A_258 = tpu.memref_slice %arg7[%squeeze3A_249, %dma_start3A_257] : memref<1000x64xf32, #tpu.memory_space<hbm>> -> memref<1x64xf32, #tpu.memory_space<hbm>>
      %dma_start3A_259 = tpu.memref_squeeze %dma_start3A_258 : memref<1x64xf32, #tpu.memory_space<hbm>> -> memref<64xf32, #tpu.memory_space<hbm>>
      %dma_start3A_260 = arith.constant 0 : i32
      %dma_start3A_261 = tpu.memref_slice %arg12[%add3A_253, %dma_start3A_260] : memref<512x64xf32, #tpu.memory_space<vmem>> -> memref<1x64xf32, #tpu.memory_space<vmem>>
      %dma_start3A_262 = tpu.memref_squeeze %dma_start3A_261 : memref<1x64xf32, #tpu.memory_space<vmem>> -> memref<64xf32, #tpu.memory_space<vmem>>
      %dma_start3A_263 = arith.constant 0 : i32
      %dma_start3A_264 = tpu.memref_slice %arg7[%squeeze3A_249, %dma_start3A_263] : memref<1000x64xf32, #tpu.memory_space<hbm>> -> memref<1x64xf32, #tpu.memory_space<hbm>>
      %dma_start3A_265 = tpu.memref_squeeze %dma_start3A_264 : memref<1x64xf32, #tpu.memory_space<hbm>> -> memref<64xf32, #tpu.memory_space<hbm>>
      tpu.enqueue_dma source(%dma_start3A_265 : memref<64xf32, #tpu.memory_space<hbm>>) target(%dma_start3A_262 : memref<64xf32, #tpu.memory_space<vmem>>) target_semaphore(%arg13 : memref<!tpu.dma_semaphore, #tpu.memory_space<semaphore_mem>>)
      %slice3A_266 = vector.extract_strided_slice %get3A_52 {offsets = [12], sizes = [1], strides = [1]} : vector<16xi32> to vector<1xi32>
      %squeeze3A_267 = vector.extract %slice3A_266[0] : i32 from vector<1xi32>
      %mul3A_268 = arith.constant 16 : i32
      %mul3A_269 = arith.muli %scan3A_48, %mul3A_268 : i32
      %add3A_270 = arith.constant 12 : i32
      %add3A_271 = arith.addi %mul3A_269, %add3A_270 : i32
      %dma_start3A_272 = arith.constant 0 : i32
      %dma_start3A_273 = tpu.memref_slice %arg12[%add3A_271, %dma_start3A_272] : memref<512x64xf32, #tpu.memory_space<vmem>> -> memref<1x64xf32, #tpu.memory_space<vmem>>
      %dma_start3A_274 = tpu.memref_squeeze %dma_start3A_273 : memref<1x64xf32, #tpu.memory_space<vmem>> -> memref<64xf32, #tpu.memory_space<vmem>>
      %dma_start3A_275 = arith.constant 0 : i32
      %dma_start3A_276 = tpu.memref_slice %arg7[%squeeze3A_267, %dma_start3A_275] : memref<1000x64xf32, #tpu.memory_space<hbm>> -> memref<1x64xf32, #tpu.memory_space<hbm>>
      %dma_start3A_277 = tpu.memref_squeeze %dma_start3A_276 : memref<1x64xf32, #tpu.memory_space<hbm>> -> memref<64xf32, #tpu.memory_space<hbm>>
      %dma_start3A_278 = arith.constant 0 : i32
      %dma_start3A_279 = tpu.memref_slice %arg12[%add3A_271, %dma_start3A_278] : memref<512x64xf32, #tpu.memory_space<vmem>> -> memref<1x64xf32, #tpu.memory_space<vmem>>
      %dma_start3A_280 = tpu.memref_squeeze %dma_start3A_279 : memref<1x64xf32, #tpu.memory_space<vmem>> -> memref<64xf32, #tpu.memory_space<vmem>>
      %dma_start3A_281 = arith.constant 0 : i32
      %dma_start3A_282 = tpu.memref_slice %arg7[%squeeze3A_267, %dma_start3A_281] : memref<1000x64xf32, #tpu.memory_space<hbm>> -> memref<1x64xf32, #tpu.memory_space<hbm>>
      %dma_start3A_283 = tpu.memref_squeeze %dma_start3A_282 : memref<1x64xf32, #tpu.memory_space<hbm>> -> memref<64xf32, #tpu.memory_space<hbm>>
      tpu.enqueue_dma source(%dma_start3A_283 : memref<64xf32, #tpu.memory_space<hbm>>) target(%dma_start3A_280 : memref<64xf32, #tpu.memory_space<vmem>>) target_semaphore(%arg13 : memref<!tpu.dma_semaphore, #tpu.memory_space<semaphore_mem>>)
      %slice3A_284 = vector.extract_strided_slice %get3A_52 {offsets = [13], sizes = [1], strides = [1]} : vector<16xi32> to vector<1xi32>
      %squeeze3A_285 = vector.extract %slice3A_284[0] : i32 from vector<1xi32>
      %mul3A_286 = arith.constant 16 : i32
      %mul3A_287 = arith.muli %scan3A_48, %mul3A_286 : i32
      %add3A_288 = arith.constant 13 : i32
      %add3A_289 = arith.addi %mul3A_287, %add3A_288 : i32
      %dma_start3A_290 = arith.constant 0 : i32
      %dma_start3A_291 = tpu.memref_slice %arg12[%add3A_289, %dma_start3A_290] : memref<512x64xf32, #tpu.memory_space<vmem>> -> memref<1x64xf32, #tpu.memory_space<vmem>>
      %dma_start3A_292 = tpu.memref_squeeze %dma_start3A_291 : memref<1x64xf32, #tpu.memory_space<vmem>> -> memref<64xf32, #tpu.memory_space<vmem>>
      %dma_start3A_293 = arith.constant 0 : i32
      %dma_start3A_294 = tpu.memref_slice %arg7[%squeeze3A_285, %dma_start3A_293] : memref<1000x64xf32, #tpu.memory_space<hbm>> -> memref<1x64xf32, #tpu.memory_space<hbm>>
      %dma_start3A_295 = tpu.memref_squeeze %dma_start3A_294 : memref<1x64xf32, #tpu.memory_space<hbm>> -> memref<64xf32, #tpu.memory_space<hbm>>
      %dma_start3A_296 = arith.constant 0 : i32
      %dma_start3A_297 = tpu.memref_slice %arg12[%add3A_289, %dma_start3A_296] : memref<512x64xf32, #tpu.memory_space<vmem>> -> memref<1x64xf32, #tpu.memory_space<vmem>>
      %dma_start3A_298 = tpu.memref_squeeze %dma_start3A_297 : memref<1x64xf32, #tpu.memory_space<vmem>> -> memref<64xf32, #tpu.memory_space<vmem>>
      %dma_start3A_299 = arith.constant 0 : i32
      %dma_start3A_300 = tpu.memref_slice %arg7[%squeeze3A_285, %dma_start3A_299] : memref<1000x64xf32, #tpu.memory_space<hbm>> -> memref<1x64xf32, #tpu.memory_space<hbm>>
      %dma_start3A_301 = tpu.memref_squeeze %dma_start3A_300 : memref<1x64xf32, #tpu.memory_space<hbm>> -> memref<64xf32, #tpu.memory_space<hbm>>
      tpu.enqueue_dma source(%dma_start3A_301 : memref<64xf32, #tpu.memory_space<hbm>>) target(%dma_start3A_298 : memref<64xf32, #tpu.memory_space<vmem>>) target_semaphore(%arg13 : memref<!tpu.dma_semaphore, #tpu.memory_space<semaphore_mem>>)
      %slice3A_302 = vector.extract_strided_slice %get3A_52 {offsets = [14], sizes = [1], strides = [1]} : vector<16xi32> to vector<1xi32>
      %squeeze3A_303 = vector.extract %slice3A_302[0] : i32 from vector<1xi32>
      %mul3A_304 = arith.constant 16 : i32
      %mul3A_305 = arith.muli %scan3A_48, %mul3A_304 : i32
      %add3A_306 = arith.constant 14 : i32
      %add3A_307 = arith.addi %mul3A_305, %add3A_306 : i32
      %dma_start3A_308 = arith.constant 0 : i32
      %dma_start3A_309 = tpu.memref_slice %arg12[%add3A_307, %dma_start3A_308] : memref<512x64xf32, #tpu.memory_space<vmem>> -> memref<1x64xf32, #tpu.memory_space<vmem>>
      %dma_start3A_310 = tpu.memref_squeeze %dma_start3A_309 : memref<1x64xf32, #tpu.memory_space<vmem>> -> memref<64xf32, #tpu.memory_space<vmem>>
      %dma_start3A_311 = arith.constant 0 : i32
      %dma_start3A_312 = tpu.memref_slice %arg7[%squeeze3A_303, %dma_start3A_311] : memref<1000x64xf32, #tpu.memory_space<hbm>> -> memref<1x64xf32, #tpu.memory_space<hbm>>
      %dma_start3A_313 = tpu.memref_squeeze %dma_start3A_312 : memref<1x64xf32, #tpu.memory_space<hbm>> -> memref<64xf32, #tpu.memory_space<hbm>>
      %dma_start3A_314 = arith.constant 0 : i32
      %dma_start3A_315 = tpu.memref_slice %arg12[%add3A_307, %dma_start3A_314] : memref<512x64xf32, #tpu.memory_space<vmem>> -> memref<1x64xf32, #tpu.memory_space<vmem>>
      %dma_start3A_316 = tpu.memref_squeeze %dma_start3A_315 : memref<1x64xf32, #tpu.memory_space<vmem>> -> memref<64xf32, #tpu.memory_space<vmem>>
      %dma_start3A_317 = arith.constant 0 : i32
      %dma_start3A_318 = tpu.memref_slice %arg7[%squeeze3A_303, %dma_start3A_317] : memref<1000x64xf32, #tpu.memory_space<hbm>> -> memref<1x64xf32, #tpu.memory_space<hbm>>
      %dma_start3A_319 = tpu.memref_squeeze %dma_start3A_318 : memref<1x64xf32, #tpu.memory_space<hbm>> -> memref<64xf32, #tpu.memory_space<hbm>>
      tpu.enqueue_dma source(%dma_start3A_319 : memref<64xf32, #tpu.memory_space<hbm>>) target(%dma_start3A_316 : memref<64xf32, #tpu.memory_space<vmem>>) target_semaphore(%arg13 : memref<!tpu.dma_semaphore, #tpu.memory_space<semaphore_mem>>)
      %slice3A_320 = vector.extract_strided_slice %get3A_52 {offsets = [15], sizes = [1], strides = [1]} : vector<16xi32> to vector<1xi32>
      %squeeze3A_321 = vector.extract %slice3A_320[0] : i32 from vector<1xi32>
      %mul3A_322 = arith.constant 16 : i32
      %mul3A_323 = arith.muli %scan3A_48, %mul3A_322 : i32
      %add3A_324 = arith.constant 15 : i32
      %add3A_325 = arith.addi %mul3A_323, %add3A_324 : i32
      %dma_start3A_326 = arith.constant 0 : i32
      %dma_start3A_327 = tpu.memref_slice %arg12[%add3A_325, %dma_start3A_326] : memref<512x64xf32, #tpu.memory_space<vmem>> -> memref<1x64xf32, #tpu.memory_space<vmem>>
      %dma_start3A_328 = tpu.memref_squeeze %dma_start3A_327 : memref<1x64xf32, #tpu.memory_space<vmem>> -> memref<64xf32, #tpu.memory_space<vmem>>
      %dma_start3A_329 = arith.constant 0 : i32
      %dma_start3A_330 = tpu.memref_slice %arg7[%squeeze3A_321, %dma_start3A_329] : memref<1000x64xf32, #tpu.memory_space<hbm>> -> memref<1x64xf32, #tpu.memory_space<hbm>>
      %dma_start3A_331 = tpu.memref_squeeze %dma_start3A_330 : memref<1x64xf32, #tpu.memory_space<hbm>> -> memref<64xf32, #tpu.memory_space<hbm>>
      %dma_start3A_332 = arith.constant 0 : i32
      %dma_start3A_333 = tpu.memref_slice %arg12[%add3A_325, %dma_start3A_332] : memref<512x64xf32, #tpu.memory_space<vmem>> -> memref<1x64xf32, #tpu.memory_space<vmem>>
      %dma_start3A_334 = tpu.memref_squeeze %dma_start3A_333 : memref<1x64xf32, #tpu.memory_space<vmem>> -> memref<64xf32, #tpu.memory_space<vmem>>
      %dma_start3A_335 = arith.constant 0 : i32
      %dma_start3A_336 = tpu.memref_slice %arg7[%squeeze3A_321, %dma_start3A_335] : memref<1000x64xf32, #tpu.memory_space<hbm>> -> memref<1x64xf32, #tpu.memory_space<hbm>>
      %dma_start3A_337 = tpu.memref_squeeze %dma_start3A_336 : memref<1x64xf32, #tpu.memory_space<hbm>> -> memref<64xf32, #tpu.memory_space<hbm>>
      tpu.enqueue_dma source(%dma_start3A_337 : memref<64xf32, #tpu.memory_space<hbm>>) target(%dma_start3A_334 : memref<64xf32, #tpu.memory_space<vmem>>) target_semaphore(%arg13 : memref<!tpu.dma_semaphore, #tpu.memory_space<semaphore_mem>>)
    }
    %scan3A_16 = arith.constant 32 : i32
    %dma_wait3A_17 = arith.constant 0 : i32
    %dma_wait3A_18 = arith.constant 0 : i32
    %dma_wait3A_19 = tpu.memref_slice %arg7[%dma_wait3A_17, %dma_wait3A_18] : memref<1000x64xf32, #tpu.memory_space<hbm>> -> memref<512x64xf32, #tpu.memory_space<hbm>>
    %dma_wait3A_20 = arith.constant 0 : i32
    %dma_wait3A_21 = arith.constant 0 : i32
    %dma_wait3A_22 = tpu.memref_slice %arg7[%dma_wait3A_20, %dma_wait3A_21] : memref<1000x64xf32, #tpu.memory_space<hbm>> -> memref<512x64xf32, #tpu.memory_space<hbm>>
    tpu.wait_dma2 semaphore(%arg13 : memref<!tpu.dma_semaphore, #tpu.memory_space<semaphore_mem>>) src(%dma_wait3A_22 : memref<512x64xf32, #tpu.memory_space<hbm>>) dst(%arg12 : memref<512x64xf32, #tpu.memory_space<vmem>>)
    %run_scoped3A_23 = arith.constant 1 : i32
    "tpu.region"() ({
      %run_scoped3A_48 = tpu.sem_alloc : memref<!tpu.dma_semaphore, #tpu.memory_space<semaphore_mem>>
      %dma_start3A = arith.constant 0 : i32
      %dma_start3A_49 = tpu.memref_slice %arg10[%run_scoped3A_23, %mul3A_2, %dma_start3A] : memref<4x16384x64xf32, #tpu.memory_space<hbm>> -> memref<1x512x64xf32, #tpu.memory_space<hbm>>
      %dma_start3A_50 = tpu.memref_squeeze %dma_start3A_49 : memref<1x512x64xf32, #tpu.memory_space<hbm>> -> memref<512x64xf32, #tpu.memory_space<hbm>>
      %dma_start3A_51 = arith.constant 0 : i32
      %dma_start3A_52 = tpu.memref_slice %arg10[%run_scoped3A_23, %mul3A_2, %dma_start3A_51] : memref<4x16384x64xf32, #tpu.memory_space<hbm>> -> memref<1x512x64xf32, #tpu.memory_space<hbm>>
      %dma_start3A_53 = tpu.memref_squeeze %dma_start3A_52 : memref<1x512x64xf32, #tpu.memory_space<hbm>> -> memref<512x64xf32, #tpu.memory_space<hbm>>
      tpu.enqueue_dma source(%arg12 : memref<512x64xf32, #tpu.memory_space<vmem>>) target(%dma_start3A_53 : memref<512x64xf32, #tpu.memory_space<hbm>>) target_semaphore(%run_scoped3A_48 : memref<!tpu.dma_semaphore, #tpu.memory_space<semaphore_mem>>)
      %dma_wait3A_54 = arith.constant 0 : i32
      %dma_wait3A_55 = tpu.memref_slice %arg10[%run_scoped3A_23, %mul3A_2, %dma_wait3A_54] : memref<4x16384x64xf32, #tpu.memory_space<hbm>> -> memref<1x512x64xf32, #tpu.memory_space<hbm>>
      %dma_wait3A_56 = tpu.memref_squeeze %dma_wait3A_55 : memref<1x512x64xf32, #tpu.memory_space<hbm>> -> memref<512x64xf32, #tpu.memory_space<hbm>>
      %dma_wait3A_57 = arith.constant 0 : i32
      %dma_wait3A_58 = tpu.memref_slice %arg10[%run_scoped3A_23, %mul3A_2, %dma_wait3A_57] : memref<4x16384x64xf32, #tpu.memory_space<hbm>> -> memref<1x512x64xf32, #tpu.memory_space<hbm>>
      %dma_wait3A_59 = tpu.memref_squeeze %dma_wait3A_58 : memref<1x512x64xf32, #tpu.memory_space<hbm>> -> memref<512x64xf32, #tpu.memory_space<hbm>>
      tpu.wait_dma2 semaphore(%run_scoped3A_48 : memref<!tpu.dma_semaphore, #tpu.memory_space<semaphore_mem>>) src(%arg12 : memref<512x64xf32, #tpu.memory_space<vmem>>) dst(%dma_wait3A_59 : memref<512x64xf32, #tpu.memory_space<hbm>>)
      tpu.yield
    }) : () -> ()
    "tpu.region"() ({
      %run_scoped3A_48 = tpu.sem_alloc : memref<!tpu.dma_semaphore, #tpu.memory_space<semaphore_mem>>
      %dma_start3A = tpu.memref_slice %arg4[%mul3A_2] : memref<16384xi32, #tpu.memory_space<hbm>> -> memref<512xi32, #tpu.memory_space<hbm>>
      %dma_start3A_49 = tpu.memref_slice %arg4[%mul3A_2] : memref<16384xi32, #tpu.memory_space<hbm>> -> memref<512xi32, #tpu.memory_space<hbm>>
      tpu.enqueue_dma source(%dma_start3A_49 : memref<512xi32, #tpu.memory_space<hbm>>) target(%arg11 : memref<512xi32, #tpu.memory_space<vmem>>) target_semaphore(%run_scoped3A_48 : memref<!tpu.dma_semaphore, #tpu.memory_space<semaphore_mem>>)
      %dma_wait3A_50 = tpu.memref_slice %arg4[%mul3A_2] : memref<16384xi32, #tpu.memory_space<hbm>> -> memref<512xi32, #tpu.memory_space<hbm>>
      %dma_wait3A_51 = tpu.memref_slice %arg4[%mul3A_2] : memref<16384xi32, #tpu.memory_space<hbm>> -> memref<512xi32, #tpu.memory_space<hbm>>
      tpu.wait_dma2 semaphore(%run_scoped3A_48 : memref<!tpu.dma_semaphore, #tpu.memory_space<semaphore_mem>>) src(%dma_wait3A_51 : memref<512xi32, #tpu.memory_space<hbm>>) dst(%arg11 : memref<512xi32, #tpu.memory_space<vmem>>)
      tpu.yield
    }) : () -> ()
    %scan3A_24 = arith.constant 0 : i32
    %scan3A_25 = arith.constant 32 : i32
    %scan3A_26 = arith.addi %scan3A_24, %scan3A_25 : i32
    %scan3A_27 = arith.constant 1 : i32
    scf.for %scan3A_48 = %scan3A_24 to %scan3A_26 step %scan3A_27  : i32 {
      %mul3A_49 = arith.constant 16 : i32
      %mul3A_50 = arith.muli %scan3A_48, %mul3A_49 : i32
      %get3A = arith.index_cast %mul3A_50 : i32 to index
      %get3A_51 = tpu.vector_load %arg11[%get3A] {strides = array<i32>} : memref<512xi32, #tpu.memory_space<vmem>>, vector<16xi32>,
      %get3A_52 = vector.shape_cast %get3A_51 : vector<16xi32> to vector<16xi32>
      %slice3A = vector.extract_strided_slice %get3A_52 {offsets = [0], sizes = [1], strides = [1]} : vector<16xi32> to vector<1xi32>
      %squeeze3A = vector.extract %slice3A[0] : i32 from vector<1xi32>
      %mul3A_53 = arith.constant 16 : i32
      %mul3A_54 = arith.muli %scan3A_48, %mul3A_53 : i32
      %add3A_55 = arith.constant 0 : i32
      %add3A_56 = arith.addi %mul3A_54, %add3A_55 : i32
      %dma_start3A = arith.constant 0 : i32
      %dma_start3A_57 = tpu.memref_slice %arg12[%add3A_56, %dma_start3A] : memref<512x64xf32, #tpu.memory_space<vmem>> -> memref<1x64xf32, #tpu.memory_space<vmem>>
      %dma_start3A_58 = tpu.memref_squeeze %dma_start3A_57 : memref<1x64xf32, #tpu.memory_space<vmem>> -> memref<64xf32, #tpu.memory_space<vmem>>
      %dma_start3A_59 = arith.constant 0 : i32
      %dma_start3A_60 = tpu.memref_slice %arg8[%squeeze3A, %dma_start3A_59] : memref<100000x64xf32, #tpu.memory_space<hbm>> -> memref<1x64xf32, #tpu.memory_space<hbm>>
      %dma_start3A_61 = tpu.memref_squeeze %dma_start3A_60 : memref<1x64xf32, #tpu.memory_space<hbm>> -> memref<64xf32, #tpu.memory_space<hbm>>
      %dma_start3A_62 = arith.constant 0 : i32
      %dma_start3A_63 = tpu.memref_slice %arg12[%add3A_56, %dma_start3A_62] : memref<512x64xf32, #tpu.memory_space<vmem>> -> memref<1x64xf32, #tpu.memory_space<vmem>>
      %dma_start3A_64 = tpu.memref_squeeze %dma_start3A_63 : memref<1x64xf32, #tpu.memory_space<vmem>> -> memref<64xf32, #tpu.memory_space<vmem>>
      %dma_start3A_65 = arith.constant 0 : i32
      %dma_start3A_66 = tpu.memref_slice %arg8[%squeeze3A, %dma_start3A_65] : memref<100000x64xf32, #tpu.memory_space<hbm>> -> memref<1x64xf32, #tpu.memory_space<hbm>>
      %dma_start3A_67 = tpu.memref_squeeze %dma_start3A_66 : memref<1x64xf32, #tpu.memory_space<hbm>> -> memref<64xf32, #tpu.memory_space<hbm>>
      tpu.enqueue_dma source(%dma_start3A_67 : memref<64xf32, #tpu.memory_space<hbm>>) target(%dma_start3A_64 : memref<64xf32, #tpu.memory_space<vmem>>) target_semaphore(%arg13 : memref<!tpu.dma_semaphore, #tpu.memory_space<semaphore_mem>>)
      %slice3A_68 = vector.extract_strided_slice %get3A_52 {offsets = [1], sizes = [1], strides = [1]} : vector<16xi32> to vector<1xi32>
      %squeeze3A_69 = vector.extract %slice3A_68[0] : i32 from vector<1xi32>
      %mul3A_70 = arith.constant 16 : i32
      %mul3A_71 = arith.muli %scan3A_48, %mul3A_70 : i32
      %add3A_72 = arith.constant 1 : i32
      %add3A_73 = arith.addi %mul3A_71, %add3A_72 : i32
      %dma_start3A_74 = arith.constant 0 : i32
      %dma_start3A_75 = tpu.memref_slice %arg12[%add3A_73, %dma_start3A_74] : memref<512x64xf32, #tpu.memory_space<vmem>> -> memref<1x64xf32, #tpu.memory_space<vmem>>
      %dma_start3A_76 = tpu.memref_squeeze %dma_start3A_75 : memref<1x64xf32, #tpu.memory_space<vmem>> -> memref<64xf32, #tpu.memory_space<vmem>>
      %dma_start3A_77 = arith.constant 0 : i32
      %dma_start3A_78 = tpu.memref_slice %arg8[%squeeze3A_69, %dma_start3A_77] : memref<100000x64xf32, #tpu.memory_space<hbm>> -> memref<1x64xf32, #tpu.memory_space<hbm>>
      %dma_start3A_79 = tpu.memref_squeeze %dma_start3A_78 : memref<1x64xf32, #tpu.memory_space<hbm>> -> memref<64xf32, #tpu.memory_space<hbm>>
      %dma_start3A_80 = arith.constant 0 : i32
      %dma_start3A_81 = tpu.memref_slice %arg12[%add3A_73, %dma_start3A_80] : memref<512x64xf32, #tpu.memory_space<vmem>> -> memref<1x64xf32, #tpu.memory_space<vmem>>
      %dma_start3A_82 = tpu.memref_squeeze %dma_start3A_81 : memref<1x64xf32, #tpu.memory_space<vmem>> -> memref<64xf32, #tpu.memory_space<vmem>>
      %dma_start3A_83 = arith.constant 0 : i32
      %dma_start3A_84 = tpu.memref_slice %arg8[%squeeze3A_69, %dma_start3A_83] : memref<100000x64xf32, #tpu.memory_space<hbm>> -> memref<1x64xf32, #tpu.memory_space<hbm>>
      %dma_start3A_85 = tpu.memref_squeeze %dma_start3A_84 : memref<1x64xf32, #tpu.memory_space<hbm>> -> memref<64xf32, #tpu.memory_space<hbm>>
      tpu.enqueue_dma source(%dma_start3A_85 : memref<64xf32, #tpu.memory_space<hbm>>) target(%dma_start3A_82 : memref<64xf32, #tpu.memory_space<vmem>>) target_semaphore(%arg13 : memref<!tpu.dma_semaphore, #tpu.memory_space<semaphore_mem>>)
      %slice3A_86 = vector.extract_strided_slice %get3A_52 {offsets = [2], sizes = [1], strides = [1]} : vector<16xi32> to vector<1xi32>
      %squeeze3A_87 = vector.extract %slice3A_86[0] : i32 from vector<1xi32>
      %mul3A_88 = arith.constant 16 : i32
      %mul3A_89 = arith.muli %scan3A_48, %mul3A_88 : i32
      %add3A_90 = arith.constant 2 : i32
      %add3A_91 = arith.addi %mul3A_89, %add3A_90 : i32
      %dma_start3A_92 = arith.constant 0 : i32
      %dma_start3A_93 = tpu.memref_slice %arg12[%add3A_91, %dma_start3A_92] : memref<512x64xf32, #tpu.memory_space<vmem>> -> memref<1x64xf32, #tpu.memory_space<vmem>>
      %dma_start3A_94 = tpu.memref_squeeze %dma_start3A_93 : memref<1x64xf32, #tpu.memory_space<vmem>> -> memref<64xf32, #tpu.memory_space<vmem>>
      %dma_start3A_95 = arith.constant 0 : i32
      %dma_start3A_96 = tpu.memref_slice %arg8[%squeeze3A_87, %dma_start3A_95] : memref<100000x64xf32, #tpu.memory_space<hbm>> -> memref<1x64xf32, #tpu.memory_space<hbm>>
      %dma_start3A_97 = tpu.memref_squeeze %dma_start3A_96 : memref<1x64xf32, #tpu.memory_space<hbm>> -> memref<64xf32, #tpu.memory_space<hbm>>
      %dma_start3A_98 = arith.constant 0 : i32
      %dma_start3A_99 = tpu.memref_slice %arg12[%add3A_91, %dma_start3A_98] : memref<512x64xf32, #tpu.memory_space<vmem>> -> memref<1x64xf32, #tpu.memory_space<vmem>>
      %dma_start3A_100 = tpu.memref_squeeze %dma_start3A_99 : memref<1x64xf32, #tpu.memory_space<vmem>> -> memref<64xf32, #tpu.memory_space<vmem>>
      %dma_start3A_101 = arith.constant 0 : i32
      %dma_start3A_102 = tpu.memref_slice %arg8[%squeeze3A_87, %dma_start3A_101] : memref<100000x64xf32, #tpu.memory_space<hbm>> -> memref<1x64xf32, #tpu.memory_space<hbm>>
      %dma_start3A_103 = tpu.memref_squeeze %dma_start3A_102 : memref<1x64xf32, #tpu.memory_space<hbm>> -> memref<64xf32, #tpu.memory_space<hbm>>
      tpu.enqueue_dma source(%dma_start3A_103 : memref<64xf32, #tpu.memory_space<hbm>>) target(%dma_start3A_100 : memref<64xf32, #tpu.memory_space<vmem>>) target_semaphore(%arg13 : memref<!tpu.dma_semaphore, #tpu.memory_space<semaphore_mem>>)
      %slice3A_104 = vector.extract_strided_slice %get3A_52 {offsets = [3], sizes = [1], strides = [1]} : vector<16xi32> to vector<1xi32>
      %squeeze3A_105 = vector.extract %slice3A_104[0] : i32 from vector<1xi32>
      %mul3A_106 = arith.constant 16 : i32
      %mul3A_107 = arith.muli %scan3A_48, %mul3A_106 : i32
      %add3A_108 = arith.constant 3 : i32
      %add3A_109 = arith.addi %mul3A_107, %add3A_108 : i32
      %dma_start3A_110 = arith.constant 0 : i32
      %dma_start3A_111 = tpu.memref_slice %arg12[%add3A_109, %dma_start3A_110] : memref<512x64xf32, #tpu.memory_space<vmem>> -> memref<1x64xf32, #tpu.memory_space<vmem>>
      %dma_start3A_112 = tpu.memref_squeeze %dma_start3A_111 : memref<1x64xf32, #tpu.memory_space<vmem>> -> memref<64xf32, #tpu.memory_space<vmem>>
      %dma_start3A_113 = arith.constant 0 : i32
      %dma_start3A_114 = tpu.memref_slice %arg8[%squeeze3A_105, %dma_start3A_113] : memref<100000x64xf32, #tpu.memory_space<hbm>> -> memref<1x64xf32, #tpu.memory_space<hbm>>
      %dma_start3A_115 = tpu.memref_squeeze %dma_start3A_114 : memref<1x64xf32, #tpu.memory_space<hbm>> -> memref<64xf32, #tpu.memory_space<hbm>>
      %dma_start3A_116 = arith.constant 0 : i32
      %dma_start3A_117 = tpu.memref_slice %arg12[%add3A_109, %dma_start3A_116] : memref<512x64xf32, #tpu.memory_space<vmem>> -> memref<1x64xf32, #tpu.memory_space<vmem>>
      %dma_start3A_118 = tpu.memref_squeeze %dma_start3A_117 : memref<1x64xf32, #tpu.memory_space<vmem>> -> memref<64xf32, #tpu.memory_space<vmem>>
      %dma_start3A_119 = arith.constant 0 : i32
      %dma_start3A_120 = tpu.memref_slice %arg8[%squeeze3A_105, %dma_start3A_119] : memref<100000x64xf32, #tpu.memory_space<hbm>> -> memref<1x64xf32, #tpu.memory_space<hbm>>
      %dma_start3A_121 = tpu.memref_squeeze %dma_start3A_120 : memref<1x64xf32, #tpu.memory_space<hbm>> -> memref<64xf32, #tpu.memory_space<hbm>>
      tpu.enqueue_dma source(%dma_start3A_121 : memref<64xf32, #tpu.memory_space<hbm>>) target(%dma_start3A_118 : memref<64xf32, #tpu.memory_space<vmem>>) target_semaphore(%arg13 : memref<!tpu.dma_semaphore, #tpu.memory_space<semaphore_mem>>)
      %slice3A_122 = vector.extract_strided_slice %get3A_52 {offsets = [4], sizes = [1], strides = [1]} : vector<16xi32> to vector<1xi32>
      %squeeze3A_123 = vector.extract %slice3A_122[0] : i32 from vector<1xi32>
      %mul3A_124 = arith.constant 16 : i32
      %mul3A_125 = arith.muli %scan3A_48, %mul3A_124 : i32
      %add3A_126 = arith.constant 4 : i32
      %add3A_127 = arith.addi %mul3A_125, %add3A_126 : i32
      %dma_start3A_128 = arith.constant 0 : i32
      %dma_start3A_129 = tpu.memref_slice %arg12[%add3A_127, %dma_start3A_128] : memref<512x64xf32, #tpu.memory_space<vmem>> -> memref<1x64xf32, #tpu.memory_space<vmem>>
      %dma_start3A_130 = tpu.memref_squeeze %dma_start3A_129 : memref<1x64xf32, #tpu.memory_space<vmem>> -> memref<64xf32, #tpu.memory_space<vmem>>
      %dma_start3A_131 = arith.constant 0 : i32
      %dma_start3A_132 = tpu.memref_slice %arg8[%squeeze3A_123, %dma_start3A_131] : memref<100000x64xf32, #tpu.memory_space<hbm>> -> memref<1x64xf32, #tpu.memory_space<hbm>>
      %dma_start3A_133 = tpu.memref_squeeze %dma_start3A_132 : memref<1x64xf32, #tpu.memory_space<hbm>> -> memref<64xf32, #tpu.memory_space<hbm>>
      %dma_start3A_134 = arith.constant 0 : i32
      %dma_start3A_135 = tpu.memref_slice %arg12[%add3A_127, %dma_start3A_134] : memref<512x64xf32, #tpu.memory_space<vmem>> -> memref<1x64xf32, #tpu.memory_space<vmem>>
      %dma_start3A_136 = tpu.memref_squeeze %dma_start3A_135 : memref<1x64xf32, #tpu.memory_space<vmem>> -> memref<64xf32, #tpu.memory_space<vmem>>
      %dma_start3A_137 = arith.constant 0 : i32
      %dma_start3A_138 = tpu.memref_slice %arg8[%squeeze3A_123, %dma_start3A_137] : memref<100000x64xf32, #tpu.memory_space<hbm>> -> memref<1x64xf32, #tpu.memory_space<hbm>>
      %dma_start3A_139 = tpu.memref_squeeze %dma_start3A_138 : memref<1x64xf32, #tpu.memory_space<hbm>> -> memref<64xf32, #tpu.memory_space<hbm>>
      tpu.enqueue_dma source(%dma_start3A_139 : memref<64xf32, #tpu.memory_space<hbm>>) target(%dma_start3A_136 : memref<64xf32, #tpu.memory_space<vmem>>) target_semaphore(%arg13 : memref<!tpu.dma_semaphore, #tpu.memory_space<semaphore_mem>>)
      %slice3A_140 = vector.extract_strided_slice %get3A_52 {offsets = [5], sizes = [1], strides = [1]} : vector<16xi32> to vector<1xi32>
      %squeeze3A_141 = vector.extract %slice3A_140[0] : i32 from vector<1xi32>
      %mul3A_142 = arith.constant 16 : i32
      %mul3A_143 = arith.muli %scan3A_48, %mul3A_142 : i32
      %add3A_144 = arith.constant 5 : i32
      %add3A_145 = arith.addi %mul3A_143, %add3A_144 : i32
      %dma_start3A_146 = arith.constant 0 : i32
      %dma_start3A_147 = tpu.memref_slice %arg12[%add3A_145, %dma_start3A_146] : memref<512x64xf32, #tpu.memory_space<vmem>> -> memref<1x64xf32, #tpu.memory_space<vmem>>
      %dma_start3A_148 = tpu.memref_squeeze %dma_start3A_147 : memref<1x64xf32, #tpu.memory_space<vmem>> -> memref<64xf32, #tpu.memory_space<vmem>>
      %dma_start3A_149 = arith.constant 0 : i32
      %dma_start3A_150 = tpu.memref_slice %arg8[%squeeze3A_141, %dma_start3A_149] : memref<100000x64xf32, #tpu.memory_space<hbm>> -> memref<1x64xf32, #tpu.memory_space<hbm>>
      %dma_start3A_151 = tpu.memref_squeeze %dma_start3A_150 : memref<1x64xf32, #tpu.memory_space<hbm>> -> memref<64xf32, #tpu.memory_space<hbm>>
      %dma_start3A_152 = arith.constant 0 : i32
      %dma_start3A_153 = tpu.memref_slice %arg12[%add3A_145, %dma_start3A_152] : memref<512x64xf32, #tpu.memory_space<vmem>> -> memref<1x64xf32, #tpu.memory_space<vmem>>
      %dma_start3A_154 = tpu.memref_squeeze %dma_start3A_153 : memref<1x64xf32, #tpu.memory_space<vmem>> -> memref<64xf32, #tpu.memory_space<vmem>>
      %dma_start3A_155 = arith.constant 0 : i32
      %dma_start3A_156 = tpu.memref_slice %arg8[%squeeze3A_141, %dma_start3A_155] : memref<100000x64xf32, #tpu.memory_space<hbm>> -> memref<1x64xf32, #tpu.memory_space<hbm>>
      %dma_start3A_157 = tpu.memref_squeeze %dma_start3A_156 : memref<1x64xf32, #tpu.memory_space<hbm>> -> memref<64xf32, #tpu.memory_space<hbm>>
      tpu.enqueue_dma source(%dma_start3A_157 : memref<64xf32, #tpu.memory_space<hbm>>) target(%dma_start3A_154 : memref<64xf32, #tpu.memory_space<vmem>>) target_semaphore(%arg13 : memref<!tpu.dma_semaphore, #tpu.memory_space<semaphore_mem>>)
      %slice3A_158 = vector.extract_strided_slice %get3A_52 {offsets = [6], sizes = [1], strides = [1]} : vector<16xi32> to vector<1xi32>
      %squeeze3A_159 = vector.extract %slice3A_158[0] : i32 from vector<1xi32>
      %mul3A_160 = arith.constant 16 : i32
      %mul3A_161 = arith.muli %scan3A_48, %mul3A_160 : i32
      %add3A_162 = arith.constant 6 : i32
      %add3A_163 = arith.addi %mul3A_161, %add3A_162 : i32
      %dma_start3A_164 = arith.constant 0 : i32
      %dma_start3A_165 = tpu.memref_slice %arg12[%add3A_163, %dma_start3A_164] : memref<512x64xf32, #tpu.memory_space<vmem>> -> memref<1x64xf32, #tpu.memory_space<vmem>>
      %dma_start3A_166 = tpu.memref_squeeze %dma_start3A_165 : memref<1x64xf32, #tpu.memory_space<vmem>> -> memref<64xf32, #tpu.memory_space<vmem>>
      %dma_start3A_167 = arith.constant 0 : i32
      %dma_start3A_168 = tpu.memref_slice %arg8[%squeeze3A_159, %dma_start3A_167] : memref<100000x64xf32, #tpu.memory_space<hbm>> -> memref<1x64xf32, #tpu.memory_space<hbm>>
      %dma_start3A_169 = tpu.memref_squeeze %dma_start3A_168 : memref<1x64xf32, #tpu.memory_space<hbm>> -> memref<64xf32, #tpu.memory_space<hbm>>
      %dma_start3A_170 = arith.constant 0 : i32
      %dma_start3A_171 = tpu.memref_slice %arg12[%add3A_163, %dma_start3A_170] : memref<512x64xf32, #tpu.memory_space<vmem>> -> memref<1x64xf32, #tpu.memory_space<vmem>>
      %dma_start3A_172 = tpu.memref_squeeze %dma_start3A_171 : memref<1x64xf32, #tpu.memory_space<vmem>> -> memref<64xf32, #tpu.memory_space<vmem>>
      %dma_start3A_173 = arith.constant 0 : i32
      %dma_start3A_174 = tpu.memref_slice %arg8[%squeeze3A_159, %dma_start3A_173] : memref<100000x64xf32, #tpu.memory_space<hbm>> -> memref<1x64xf32, #tpu.memory_space<hbm>>
      %dma_start3A_175 = tpu.memref_squeeze %dma_start3A_174 : memref<1x64xf32, #tpu.memory_space<hbm>> -> memref<64xf32, #tpu.memory_space<hbm>>
      tpu.enqueue_dma source(%dma_start3A_175 : memref<64xf32, #tpu.memory_space<hbm>>) target(%dma_start3A_172 : memref<64xf32, #tpu.memory_space<vmem>>) target_semaphore(%arg13 : memref<!tpu.dma_semaphore, #tpu.memory_space<semaphore_mem>>)
      %slice3A_176 = vector.extract_strided_slice %get3A_52 {offsets = [7], sizes = [1], strides = [1]} : vector<16xi32> to vector<1xi32>
      %squeeze3A_177 = vector.extract %slice3A_176[0] : i32 from vector<1xi32>
      %mul3A_178 = arith.constant 16 : i32
      %mul3A_179 = arith.muli %scan3A_48, %mul3A_178 : i32
      %add3A_180 = arith.constant 7 : i32
      %add3A_181 = arith.addi %mul3A_179, %add3A_180 : i32
      %dma_start3A_182 = arith.constant 0 : i32
      %dma_start3A_183 = tpu.memref_slice %arg12[%add3A_181, %dma_start3A_182] : memref<512x64xf32, #tpu.memory_space<vmem>> -> memref<1x64xf32, #tpu.memory_space<vmem>>
      %dma_start3A_184 = tpu.memref_squeeze %dma_start3A_183 : memref<1x64xf32, #tpu.memory_space<vmem>> -> memref<64xf32, #tpu.memory_space<vmem>>
      %dma_start3A_185 = arith.constant 0 : i32
      %dma_start3A_186 = tpu.memref_slice %arg8[%squeeze3A_177, %dma_start3A_185] : memref<100000x64xf32, #tpu.memory_space<hbm>> -> memref<1x64xf32, #tpu.memory_space<hbm>>
      %dma_start3A_187 = tpu.memref_squeeze %dma_start3A_186 : memref<1x64xf32, #tpu.memory_space<hbm>> -> memref<64xf32, #tpu.memory_space<hbm>>
      %dma_start3A_188 = arith.constant 0 : i32
      %dma_start3A_189 = tpu.memref_slice %arg12[%add3A_181, %dma_start3A_188] : memref<512x64xf32, #tpu.memory_space<vmem>> -> memref<1x64xf32, #tpu.memory_space<vmem>>
      %dma_start3A_190 = tpu.memref_squeeze %dma_start3A_189 : memref<1x64xf32, #tpu.memory_space<vmem>> -> memref<64xf32, #tpu.memory_space<vmem>>
      %dma_start3A_191 = arith.constant 0 : i32
      %dma_start3A_192 = tpu.memref_slice %arg8[%squeeze3A_177, %dma_start3A_191] : memref<100000x64xf32, #tpu.memory_space<hbm>> -> memref<1x64xf32, #tpu.memory_space<hbm>>
      %dma_start3A_193 = tpu.memref_squeeze %dma_start3A_192 : memref<1x64xf32, #tpu.memory_space<hbm>> -> memref<64xf32, #tpu.memory_space<hbm>>
      tpu.enqueue_dma source(%dma_start3A_193 : memref<64xf32, #tpu.memory_space<hbm>>) target(%dma_start3A_190 : memref<64xf32, #tpu.memory_space<vmem>>) target_semaphore(%arg13 : memref<!tpu.dma_semaphore, #tpu.memory_space<semaphore_mem>>)
      %slice3A_194 = vector.extract_strided_slice %get3A_52 {offsets = [8], sizes = [1], strides = [1]} : vector<16xi32> to vector<1xi32>
      %squeeze3A_195 = vector.extract %slice3A_194[0] : i32 from vector<1xi32>
      %mul3A_196 = arith.constant 16 : i32
      %mul3A_197 = arith.muli %scan3A_48, %mul3A_196 : i32
      %add3A_198 = arith.constant 8 : i32
      %add3A_199 = arith.addi %mul3A_197, %add3A_198 : i32
      %dma_start3A_200 = arith.constant 0 : i32
      %dma_start3A_201 = tpu.memref_slice %arg12[%add3A_199, %dma_start3A_200] : memref<512x64xf32, #tpu.memory_space<vmem>> -> memref<1x64xf32, #tpu.memory_space<vmem>>
      %dma_start3A_202 = tpu.memref_squeeze %dma_start3A_201 : memref<1x64xf32, #tpu.memory_space<vmem>> -> memref<64xf32, #tpu.memory_space<vmem>>
      %dma_start3A_203 = arith.constant 0 : i32
      %dma_start3A_204 = tpu.memref_slice %arg8[%squeeze3A_195, %dma_start3A_203] : memref<100000x64xf32, #tpu.memory_space<hbm>> -> memref<1x64xf32, #tpu.memory_space<hbm>>
      %dma_start3A_205 = tpu.memref_squeeze %dma_start3A_204 : memref<1x64xf32, #tpu.memory_space<hbm>> -> memref<64xf32, #tpu.memory_space<hbm>>
      %dma_start3A_206 = arith.constant 0 : i32
      %dma_start3A_207 = tpu.memref_slice %arg12[%add3A_199, %dma_start3A_206] : memref<512x64xf32, #tpu.memory_space<vmem>> -> memref<1x64xf32, #tpu.memory_space<vmem>>
      %dma_start3A_208 = tpu.memref_squeeze %dma_start3A_207 : memref<1x64xf32, #tpu.memory_space<vmem>> -> memref<64xf32, #tpu.memory_space<vmem>>
      %dma_start3A_209 = arith.constant 0 : i32
      %dma_start3A_210 = tpu.memref_slice %arg8[%squeeze3A_195, %dma_start3A_209] : memref<100000x64xf32, #tpu.memory_space<hbm>> -> memref<1x64xf32, #tpu.memory_space<hbm>>
      %dma_start3A_211 = tpu.memref_squeeze %dma_start3A_210 : memref<1x64xf32, #tpu.memory_space<hbm>> -> memref<64xf32, #tpu.memory_space<hbm>>
      tpu.enqueue_dma source(%dma_start3A_211 : memref<64xf32, #tpu.memory_space<hbm>>) target(%dma_start3A_208 : memref<64xf32, #tpu.memory_space<vmem>>) target_semaphore(%arg13 : memref<!tpu.dma_semaphore, #tpu.memory_space<semaphore_mem>>)
      %slice3A_212 = vector.extract_strided_slice %get3A_52 {offsets = [9], sizes = [1], strides = [1]} : vector<16xi32> to vector<1xi32>
      %squeeze3A_213 = vector.extract %slice3A_212[0] : i32 from vector<1xi32>
      %mul3A_214 = arith.constant 16 : i32
      %mul3A_215 = arith.muli %scan3A_48, %mul3A_214 : i32
      %add3A_216 = arith.constant 9 : i32
      %add3A_217 = arith.addi %mul3A_215, %add3A_216 : i32
      %dma_start3A_218 = arith.constant 0 : i32
      %dma_start3A_219 = tpu.memref_slice %arg12[%add3A_217, %dma_start3A_218] : memref<512x64xf32, #tpu.memory_space<vmem>> -> memref<1x64xf32, #tpu.memory_space<vmem>>
      %dma_start3A_220 = tpu.memref_squeeze %dma_start3A_219 : memref<1x64xf32, #tpu.memory_space<vmem>> -> memref<64xf32, #tpu.memory_space<vmem>>
      %dma_start3A_221 = arith.constant 0 : i32
      %dma_start3A_222 = tpu.memref_slice %arg8[%squeeze3A_213, %dma_start3A_221] : memref<100000x64xf32, #tpu.memory_space<hbm>> -> memref<1x64xf32, #tpu.memory_space<hbm>>
      %dma_start3A_223 = tpu.memref_squeeze %dma_start3A_222 : memref<1x64xf32, #tpu.memory_space<hbm>> -> memref<64xf32, #tpu.memory_space<hbm>>
      %dma_start3A_224 = arith.constant 0 : i32
      %dma_start3A_225 = tpu.memref_slice %arg12[%add3A_217, %dma_start3A_224] : memref<512x64xf32, #tpu.memory_space<vmem>> -> memref<1x64xf32, #tpu.memory_space<vmem>>
      %dma_start3A_226 = tpu.memref_squeeze %dma_start3A_225 : memref<1x64xf32, #tpu.memory_space<vmem>> -> memref<64xf32, #tpu.memory_space<vmem>>
      %dma_start3A_227 = arith.constant 0 : i32
      %dma_start3A_228 = tpu.memref_slice %arg8[%squeeze3A_213, %dma_start3A_227] : memref<100000x64xf32, #tpu.memory_space<hbm>> -> memref<1x64xf32, #tpu.memory_space<hbm>>
      %dma_start3A_229 = tpu.memref_squeeze %dma_start3A_228 : memref<1x64xf32, #tpu.memory_space<hbm>> -> memref<64xf32, #tpu.memory_space<hbm>>
      tpu.enqueue_dma source(%dma_start3A_229 : memref<64xf32, #tpu.memory_space<hbm>>) target(%dma_start3A_226 : memref<64xf32, #tpu.memory_space<vmem>>) target_semaphore(%arg13 : memref<!tpu.dma_semaphore, #tpu.memory_space<semaphore_mem>>)
      %slice3A_230 = vector.extract_strided_slice %get3A_52 {offsets = [10], sizes = [1], strides = [1]} : vector<16xi32> to vector<1xi32>
      %squeeze3A_231 = vector.extract %slice3A_230[0] : i32 from vector<1xi32>
      %mul3A_232 = arith.constant 16 : i32
      %mul3A_233 = arith.muli %scan3A_48, %mul3A_232 : i32
      %add3A_234 = arith.constant 10 : i32
      %add3A_235 = arith.addi %mul3A_233, %add3A_234 : i32
      %dma_start3A_236 = arith.constant 0 : i32
      %dma_start3A_237 = tpu.memref_slice %arg12[%add3A_235, %dma_start3A_236] : memref<512x64xf32, #tpu.memory_space<vmem>> -> memref<1x64xf32, #tpu.memory_space<vmem>>
      %dma_start3A_238 = tpu.memref_squeeze %dma_start3A_237 : memref<1x64xf32, #tpu.memory_space<vmem>> -> memref<64xf32, #tpu.memory_space<vmem>>
      %dma_start3A_239 = arith.constant 0 : i32
      %dma_start3A_240 = tpu.memref_slice %arg8[%squeeze3A_231, %dma_start3A_239] : memref<100000x64xf32, #tpu.memory_space<hbm>> -> memref<1x64xf32, #tpu.memory_space<hbm>>
      %dma_start3A_241 = tpu.memref_squeeze %dma_start3A_240 : memref<1x64xf32, #tpu.memory_space<hbm>> -> memref<64xf32, #tpu.memory_space<hbm>>
      %dma_start3A_242 = arith.constant 0 : i32
      %dma_start3A_243 = tpu.memref_slice %arg12[%add3A_235, %dma_start3A_242] : memref<512x64xf32, #tpu.memory_space<vmem>> -> memref<1x64xf32, #tpu.memory_space<vmem>>
      %dma_start3A_244 = tpu.memref_squeeze %dma_start3A_243 : memref<1x64xf32, #tpu.memory_space<vmem>> -> memref<64xf32, #tpu.memory_space<vmem>>
      %dma_start3A_245 = arith.constant 0 : i32
      %dma_start3A_246 = tpu.memref_slice %arg8[%squeeze3A_231, %dma_start3A_245] : memref<100000x64xf32, #tpu.memory_space<hbm>> -> memref<1x64xf32, #tpu.memory_space<hbm>>
      %dma_start3A_247 = tpu.memref_squeeze %dma_start3A_246 : memref<1x64xf32, #tpu.memory_space<hbm>> -> memref<64xf32, #tpu.memory_space<hbm>>
      tpu.enqueue_dma source(%dma_start3A_247 : memref<64xf32, #tpu.memory_space<hbm>>) target(%dma_start3A_244 : memref<64xf32, #tpu.memory_space<vmem>>) target_semaphore(%arg13 : memref<!tpu.dma_semaphore, #tpu.memory_space<semaphore_mem>>)
      %slice3A_248 = vector.extract_strided_slice %get3A_52 {offsets = [11], sizes = [1], strides = [1]} : vector<16xi32> to vector<1xi32>
      %squeeze3A_249 = vector.extract %slice3A_248[0] : i32 from vector<1xi32>
      %mul3A_250 = arith.constant 16 : i32
      %mul3A_251 = arith.muli %scan3A_48, %mul3A_250 : i32
      %add3A_252 = arith.constant 11 : i32
      %add3A_253 = arith.addi %mul3A_251, %add3A_252 : i32
      %dma_start3A_254 = arith.constant 0 : i32
      %dma_start3A_255 = tpu.memref_slice %arg12[%add3A_253, %dma_start3A_254] : memref<512x64xf32, #tpu.memory_space<vmem>> -> memref<1x64xf32, #tpu.memory_space<vmem>>
      %dma_start3A_256 = tpu.memref_squeeze %dma_start3A_255 : memref<1x64xf32, #tpu.memory_space<vmem>> -> memref<64xf32, #tpu.memory_space<vmem>>
      %dma_start3A_257 = arith.constant 0 : i32
      %dma_start3A_258 = tpu.memref_slice %arg8[%squeeze3A_249, %dma_start3A_257] : memref<100000x64xf32, #tpu.memory_space<hbm>> -> memref<1x64xf32, #tpu.memory_space<hbm>>
      %dma_start3A_259 = tpu.memref_squeeze %dma_start3A_258 : memref<1x64xf32, #tpu.memory_space<hbm>> -> memref<64xf32, #tpu.memory_space<hbm>>
      %dma_start3A_260 = arith.constant 0 : i32
      %dma_start3A_261 = tpu.memref_slice %arg12[%add3A_253, %dma_start3A_260] : memref<512x64xf32, #tpu.memory_space<vmem>> -> memref<1x64xf32, #tpu.memory_space<vmem>>
      %dma_start3A_262 = tpu.memref_squeeze %dma_start3A_261 : memref<1x64xf32, #tpu.memory_space<vmem>> -> memref<64xf32, #tpu.memory_space<vmem>>
      %dma_start3A_263 = arith.constant 0 : i32
      %dma_start3A_264 = tpu.memref_slice %arg8[%squeeze3A_249, %dma_start3A_263] : memref<100000x64xf32, #tpu.memory_space<hbm>> -> memref<1x64xf32, #tpu.memory_space<hbm>>
      %dma_start3A_265 = tpu.memref_squeeze %dma_start3A_264 : memref<1x64xf32, #tpu.memory_space<hbm>> -> memref<64xf32, #tpu.memory_space<hbm>>
      tpu.enqueue_dma source(%dma_start3A_265 : memref<64xf32, #tpu.memory_space<hbm>>) target(%dma_start3A_262 : memref<64xf32, #tpu.memory_space<vmem>>) target_semaphore(%arg13 : memref<!tpu.dma_semaphore, #tpu.memory_space<semaphore_mem>>)
      %slice3A_266 = vector.extract_strided_slice %get3A_52 {offsets = [12], sizes = [1], strides = [1]} : vector<16xi32> to vector<1xi32>
      %squeeze3A_267 = vector.extract %slice3A_266[0] : i32 from vector<1xi32>
      %mul3A_268 = arith.constant 16 : i32
      %mul3A_269 = arith.muli %scan3A_48, %mul3A_268 : i32
      %add3A_270 = arith.constant 12 : i32
      %add3A_271 = arith.addi %mul3A_269, %add3A_270 : i32
      %dma_start3A_272 = arith.constant 0 : i32
      %dma_start3A_273 = tpu.memref_slice %arg12[%add3A_271, %dma_start3A_272] : memref<512x64xf32, #tpu.memory_space<vmem>> -> memref<1x64xf32, #tpu.memory_space<vmem>>
      %dma_start3A_274 = tpu.memref_squeeze %dma_start3A_273 : memref<1x64xf32, #tpu.memory_space<vmem>> -> memref<64xf32, #tpu.memory_space<vmem>>
      %dma_start3A_275 = arith.constant 0 : i32
      %dma_start3A_276 = tpu.memref_slice %arg8[%squeeze3A_267, %dma_start3A_275] : memref<100000x64xf32, #tpu.memory_space<hbm>> -> memref<1x64xf32, #tpu.memory_space<hbm>>
      %dma_start3A_277 = tpu.memref_squeeze %dma_start3A_276 : memref<1x64xf32, #tpu.memory_space<hbm>> -> memref<64xf32, #tpu.memory_space<hbm>>
      %dma_start3A_278 = arith.constant 0 : i32
      %dma_start3A_279 = tpu.memref_slice %arg12[%add3A_271, %dma_start3A_278] : memref<512x64xf32, #tpu.memory_space<vmem>> -> memref<1x64xf32, #tpu.memory_space<vmem>>
      %dma_start3A_280 = tpu.memref_squeeze %dma_start3A_279 : memref<1x64xf32, #tpu.memory_space<vmem>> -> memref<64xf32, #tpu.memory_space<vmem>>
      %dma_start3A_281 = arith.constant 0 : i32
      %dma_start3A_282 = tpu.memref_slice %arg8[%squeeze3A_267, %dma_start3A_281] : memref<100000x64xf32, #tpu.memory_space<hbm>> -> memref<1x64xf32, #tpu.memory_space<hbm>>
      %dma_start3A_283 = tpu.memref_squeeze %dma_start3A_282 : memref<1x64xf32, #tpu.memory_space<hbm>> -> memref<64xf32, #tpu.memory_space<hbm>>
      tpu.enqueue_dma source(%dma_start3A_283 : memref<64xf32, #tpu.memory_space<hbm>>) target(%dma_start3A_280 : memref<64xf32, #tpu.memory_space<vmem>>) target_semaphore(%arg13 : memref<!tpu.dma_semaphore, #tpu.memory_space<semaphore_mem>>)
      %slice3A_284 = vector.extract_strided_slice %get3A_52 {offsets = [13], sizes = [1], strides = [1]} : vector<16xi32> to vector<1xi32>
      %squeeze3A_285 = vector.extract %slice3A_284[0] : i32 from vector<1xi32>
      %mul3A_286 = arith.constant 16 : i32
      %mul3A_287 = arith.muli %scan3A_48, %mul3A_286 : i32
      %add3A_288 = arith.constant 13 : i32
      %add3A_289 = arith.addi %mul3A_287, %add3A_288 : i32
      %dma_start3A_290 = arith.constant 0 : i32
      %dma_start3A_291 = tpu.memref_slice %arg12[%add3A_289, %dma_start3A_290] : memref<512x64xf32, #tpu.memory_space<vmem>> -> memref<1x64xf32, #tpu.memory_space<vmem>>
      %dma_start3A_292 = tpu.memref_squeeze %dma_start3A_291 : memref<1x64xf32, #tpu.memory_space<vmem>> -> memref<64xf32, #tpu.memory_space<vmem>>
      %dma_start3A_293 = arith.constant 0 : i32
      %dma_start3A_294 = tpu.memref_slice %arg8[%squeeze3A_285, %dma_start3A_293] : memref<100000x64xf32, #tpu.memory_space<hbm>> -> memref<1x64xf32, #tpu.memory_space<hbm>>
      %dma_start3A_295 = tpu.memref_squeeze %dma_start3A_294 : memref<1x64xf32, #tpu.memory_space<hbm>> -> memref<64xf32, #tpu.memory_space<hbm>>
      %dma_start3A_296 = arith.constant 0 : i32
      %dma_start3A_297 = tpu.memref_slice %arg12[%add3A_289, %dma_start3A_296] : memref<512x64xf32, #tpu.memory_space<vmem>> -> memref<1x64xf32, #tpu.memory_space<vmem>>
      %dma_start3A_298 = tpu.memref_squeeze %dma_start3A_297 : memref<1x64xf32, #tpu.memory_space<vmem>> -> memref<64xf32, #tpu.memory_space<vmem>>
      %dma_start3A_299 = arith.constant 0 : i32
      %dma_start3A_300 = tpu.memref_slice %arg8[%squeeze3A_285, %dma_start3A_299] : memref<100000x64xf32, #tpu.memory_space<hbm>> -> memref<1x64xf32, #tpu.memory_space<hbm>>
      %dma_start3A_301 = tpu.memref_squeeze %dma_start3A_300 : memref<1x64xf32, #tpu.memory_space<hbm>> -> memref<64xf32, #tpu.memory_space<hbm>>
      tpu.enqueue_dma source(%dma_start3A_301 : memref<64xf32, #tpu.memory_space<hbm>>) target(%dma_start3A_298 : memref<64xf32, #tpu.memory_space<vmem>>) target_semaphore(%arg13 : memref<!tpu.dma_semaphore, #tpu.memory_space<semaphore_mem>>)
      %slice3A_302 = vector.extract_strided_slice %get3A_52 {offsets = [14], sizes = [1], strides = [1]} : vector<16xi32> to vector<1xi32>
      %squeeze3A_303 = vector.extract %slice3A_302[0] : i32 from vector<1xi32>
      %mul3A_304 = arith.constant 16 : i32
      %mul3A_305 = arith.muli %scan3A_48, %mul3A_304 : i32
      %add3A_306 = arith.constant 14 : i32
      %add3A_307 = arith.addi %mul3A_305, %add3A_306 : i32
      %dma_start3A_308 = arith.constant 0 : i32
      %dma_start3A_309 = tpu.memref_slice %arg12[%add3A_307, %dma_start3A_308] : memref<512x64xf32, #tpu.memory_space<vmem>> -> memref<1x64xf32, #tpu.memory_space<vmem>>
      %dma_start3A_310 = tpu.memref_squeeze %dma_start3A_309 : memref<1x64xf32, #tpu.memory_space<vmem>> -> memref<64xf32, #tpu.memory_space<vmem>>
      %dma_start3A_311 = arith.constant 0 : i32
      %dma_start3A_312 = tpu.memref_slice %arg8[%squeeze3A_303, %dma_start3A_311] : memref<100000x64xf32, #tpu.memory_space<hbm>> -> memref<1x64xf32, #tpu.memory_space<hbm>>
      %dma_start3A_313 = tpu.memref_squeeze %dma_start3A_312 : memref<1x64xf32, #tpu.memory_space<hbm>> -> memref<64xf32, #tpu.memory_space<hbm>>
      %dma_start3A_314 = arith.constant 0 : i32
      %dma_start3A_315 = tpu.memref_slice %arg12[%add3A_307, %dma_start3A_314] : memref<512x64xf32, #tpu.memory_space<vmem>> -> memref<1x64xf32, #tpu.memory_space<vmem>>
      %dma_start3A_316 = tpu.memref_squeeze %dma_start3A_315 : memref<1x64xf32, #tpu.memory_space<vmem>> -> memref<64xf32, #tpu.memory_space<vmem>>
      %dma_start3A_317 = arith.constant 0 : i32
      %dma_start3A_318 = tpu.memref_slice %arg8[%squeeze3A_303, %dma_start3A_317] : memref<100000x64xf32, #tpu.memory_space<hbm>> -> memref<1x64xf32, #tpu.memory_space<hbm>>
      %dma_start3A_319 = tpu.memref_squeeze %dma_start3A_318 : memref<1x64xf32, #tpu.memory_space<hbm>> -> memref<64xf32, #tpu.memory_space<hbm>>
      tpu.enqueue_dma source(%dma_start3A_319 : memref<64xf32, #tpu.memory_space<hbm>>) target(%dma_start3A_316 : memref<64xf32, #tpu.memory_space<vmem>>) target_semaphore(%arg13 : memref<!tpu.dma_semaphore, #tpu.memory_space<semaphore_mem>>)
      %slice3A_320 = vector.extract_strided_slice %get3A_52 {offsets = [15], sizes = [1], strides = [1]} : vector<16xi32> to vector<1xi32>
      %squeeze3A_321 = vector.extract %slice3A_320[0] : i32 from vector<1xi32>
      %mul3A_322 = arith.constant 16 : i32
      %mul3A_323 = arith.muli %scan3A_48, %mul3A_322 : i32
      %add3A_324 = arith.constant 15 : i32
      %add3A_325 = arith.addi %mul3A_323, %add3A_324 : i32
      %dma_start3A_326 = arith.constant 0 : i32
      %dma_start3A_327 = tpu.memref_slice %arg12[%add3A_325, %dma_start3A_326] : memref<512x64xf32, #tpu.memory_space<vmem>> -> memref<1x64xf32, #tpu.memory_space<vmem>>
      %dma_start3A_328 = tpu.memref_squeeze %dma_start3A_327 : memref<1x64xf32, #tpu.memory_space<vmem>> -> memref<64xf32, #tpu.memory_space<vmem>>
      %dma_start3A_329 = arith.constant 0 : i32
      %dma_start3A_330 = tpu.memref_slice %arg8[%squeeze3A_321, %dma_start3A_329] : memref<100000x64xf32, #tpu.memory_space<hbm>> -> memref<1x64xf32, #tpu.memory_space<hbm>>
      %dma_start3A_331 = tpu.memref_squeeze %dma_start3A_330 : memref<1x64xf32, #tpu.memory_space<hbm>> -> memref<64xf32, #tpu.memory_space<hbm>>
      %dma_start3A_332 = arith.constant 0 : i32
      %dma_start3A_333 = tpu.memref_slice %arg12[%add3A_325, %dma_start3A_332] : memref<512x64xf32, #tpu.memory_space<vmem>> -> memref<1x64xf32, #tpu.memory_space<vmem>>
      %dma_start3A_334 = tpu.memref_squeeze %dma_start3A_333 : memref<1x64xf32, #tpu.memory_space<vmem>> -> memref<64xf32, #tpu.memory_space<vmem>>
      %dma_start3A_335 = arith.constant 0 : i32
      %dma_start3A_336 = tpu.memref_slice %arg8[%squeeze3A_321, %dma_start3A_335] : memref<100000x64xf32, #tpu.memory_space<hbm>> -> memref<1x64xf32, #tpu.memory_space<hbm>>
      %dma_start3A_337 = tpu.memref_squeeze %dma_start3A_336 : memref<1x64xf32, #tpu.memory_space<hbm>> -> memref<64xf32, #tpu.memory_space<hbm>>
      tpu.enqueue_dma source(%dma_start3A_337 : memref<64xf32, #tpu.memory_space<hbm>>) target(%dma_start3A_334 : memref<64xf32, #tpu.memory_space<vmem>>) target_semaphore(%arg13 : memref<!tpu.dma_semaphore, #tpu.memory_space<semaphore_mem>>)
    }
    %scan3A_28 = arith.constant 32 : i32
    %dma_wait3A_29 = arith.constant 0 : i32
    %dma_wait3A_30 = arith.constant 0 : i32
    %dma_wait3A_31 = tpu.memref_slice %arg8[%dma_wait3A_29, %dma_wait3A_30] : memref<100000x64xf32, #tpu.memory_space<hbm>> -> memref<512x64xf32, #tpu.memory_space<hbm>>
    %dma_wait3A_32 = arith.constant 0 : i32
    %dma_wait3A_33 = arith.constant 0 : i32
    %dma_wait3A_34 = tpu.memref_slice %arg8[%dma_wait3A_32, %dma_wait3A_33] : memref<100000x64xf32, #tpu.memory_space<hbm>> -> memref<512x64xf32, #tpu.memory_space<hbm>>
    tpu.wait_dma2 semaphore(%arg13 : memref<!tpu.dma_semaphore, #tpu.memory_space<semaphore_mem>>) src(%dma_wait3A_34 : memref<512x64xf32, #tpu.memory_space<hbm>>) dst(%arg12 : memref<512x64xf32, #tpu.memory_space<vmem>>)
    %run_scoped3A_35 = arith.constant 2 : i32
    "tpu.region"() ({
      %run_scoped3A_48 = tpu.sem_alloc : memref<!tpu.dma_semaphore, #tpu.memory_space<semaphore_mem>>
      %dma_start3A = arith.constant 0 : i32
      %dma_start3A_49 = tpu.memref_slice %arg10[%run_scoped3A_35, %mul3A_2, %dma_start3A] : memref<4x16384x64xf32, #tpu.memory_space<hbm>> -> memref<1x512x64xf32, #tpu.memory_space<hbm>>
      %dma_start3A_50 = tpu.memref_squeeze %dma_start3A_49 : memref<1x512x64xf32, #tpu.memory_space<hbm>> -> memref<512x64xf32, #tpu.memory_space<hbm>>
      %dma_start3A_51 = arith.constant 0 : i32
      %dma_start3A_52 = tpu.memref_slice %arg10[%run_scoped3A_35, %mul3A_2, %dma_start3A_51] : memref<4x16384x64xf32, #tpu.memory_space<hbm>> -> memref<1x512x64xf32, #tpu.memory_space<hbm>>
      %dma_start3A_53 = tpu.memref_squeeze %dma_start3A_52 : memref<1x512x64xf32, #tpu.memory_space<hbm>> -> memref<512x64xf32, #tpu.memory_space<hbm>>
      tpu.enqueue_dma source(%arg12 : memref<512x64xf32, #tpu.memory_space<vmem>>) target(%dma_start3A_53 : memref<512x64xf32, #tpu.memory_space<hbm>>) target_semaphore(%run_scoped3A_48 : memref<!tpu.dma_semaphore, #tpu.memory_space<semaphore_mem>>)
      %dma_wait3A_54 = arith.constant 0 : i32
      %dma_wait3A_55 = tpu.memref_slice %arg10[%run_scoped3A_35, %mul3A_2, %dma_wait3A_54] : memref<4x16384x64xf32, #tpu.memory_space<hbm>> -> memref<1x512x64xf32, #tpu.memory_space<hbm>>
      %dma_wait3A_56 = tpu.memref_squeeze %dma_wait3A_55 : memref<1x512x64xf32, #tpu.memory_space<hbm>> -> memref<512x64xf32, #tpu.memory_space<hbm>>
      %dma_wait3A_57 = arith.constant 0 : i32
      %dma_wait3A_58 = tpu.memref_slice %arg10[%run_scoped3A_35, %mul3A_2, %dma_wait3A_57] : memref<4x16384x64xf32, #tpu.memory_space<hbm>> -> memref<1x512x64xf32, #tpu.memory_space<hbm>>
      %dma_wait3A_59 = tpu.memref_squeeze %dma_wait3A_58 : memref<1x512x64xf32, #tpu.memory_space<hbm>> -> memref<512x64xf32, #tpu.memory_space<hbm>>
      tpu.wait_dma2 semaphore(%run_scoped3A_48 : memref<!tpu.dma_semaphore, #tpu.memory_space<semaphore_mem>>) src(%arg12 : memref<512x64xf32, #tpu.memory_space<vmem>>) dst(%dma_wait3A_59 : memref<512x64xf32, #tpu.memory_space<hbm>>)
      tpu.yield
    }) : () -> ()
    "tpu.region"() ({
      %run_scoped3A_48 = tpu.sem_alloc : memref<!tpu.dma_semaphore, #tpu.memory_space<semaphore_mem>>
      %dma_start3A = tpu.memref_slice %arg5[%mul3A_2] : memref<16384xi32, #tpu.memory_space<hbm>> -> memref<512xi32, #tpu.memory_space<hbm>>
      %dma_start3A_49 = tpu.memref_slice %arg5[%mul3A_2] : memref<16384xi32, #tpu.memory_space<hbm>> -> memref<512xi32, #tpu.memory_space<hbm>>
      tpu.enqueue_dma source(%dma_start3A_49 : memref<512xi32, #tpu.memory_space<hbm>>) target(%arg11 : memref<512xi32, #tpu.memory_space<vmem>>) target_semaphore(%run_scoped3A_48 : memref<!tpu.dma_semaphore, #tpu.memory_space<semaphore_mem>>)
      %dma_wait3A_50 = tpu.memref_slice %arg5[%mul3A_2] : memref<16384xi32, #tpu.memory_space<hbm>> -> memref<512xi32, #tpu.memory_space<hbm>>
      %dma_wait3A_51 = tpu.memref_slice %arg5[%mul3A_2] : memref<16384xi32, #tpu.memory_space<hbm>> -> memref<512xi32, #tpu.memory_space<hbm>>
      tpu.wait_dma2 semaphore(%run_scoped3A_48 : memref<!tpu.dma_semaphore, #tpu.memory_space<semaphore_mem>>) src(%dma_wait3A_51 : memref<512xi32, #tpu.memory_space<hbm>>) dst(%arg11 : memref<512xi32, #tpu.memory_space<vmem>>)
      tpu.yield
    }) : () -> ()
    %scan3A_36 = arith.constant 0 : i32
    %scan3A_37 = arith.constant 32 : i32
    %scan3A_38 = arith.addi %scan3A_36, %scan3A_37 : i32
    %scan3A_39 = arith.constant 1 : i32
    scf.for %scan3A_48 = %scan3A_36 to %scan3A_38 step %scan3A_39  : i32 {
      %mul3A_49 = arith.constant 16 : i32
      %mul3A_50 = arith.muli %scan3A_48, %mul3A_49 : i32
      %get3A = arith.index_cast %mul3A_50 : i32 to index
      %get3A_51 = tpu.vector_load %arg11[%get3A] {strides = array<i32>} : memref<512xi32, #tpu.memory_space<vmem>>, vector<16xi32>,
      %get3A_52 = vector.shape_cast %get3A_51 : vector<16xi32> to vector<16xi32>
      %slice3A = vector.extract_strided_slice %get3A_52 {offsets = [0], sizes = [1], strides = [1]} : vector<16xi32> to vector<1xi32>
      %squeeze3A = vector.extract %slice3A[0] : i32 from vector<1xi32>
      %mul3A_53 = arith.constant 16 : i32
      %mul3A_54 = arith.muli %scan3A_48, %mul3A_53 : i32
      %add3A_55 = arith.constant 0 : i32
      %add3A_56 = arith.addi %mul3A_54, %add3A_55 : i32
      %dma_start3A = arith.constant 0 : i32
      %dma_start3A_57 = tpu.memref_slice %arg12[%add3A_56, %dma_start3A] : memref<512x64xf32, #tpu.memory_space<vmem>> -> memref<1x64xf32, #tpu.memory_space<vmem>>
      %dma_start3A_58 = tpu.memref_squeeze %dma_start3A_57 : memref<1x64xf32, #tpu.memory_space<vmem>> -> memref<64xf32, #tpu.memory_space<vmem>>
      %dma_start3A_59 = arith.constant 0 : i32
      %dma_start3A_60 = tpu.memref_slice %arg9[%squeeze3A, %dma_start3A_59] : memref<1000000x64xf32, #tpu.memory_space<hbm>> -> memref<1x64xf32, #tpu.memory_space<hbm>>
      %dma_start3A_61 = tpu.memref_squeeze %dma_start3A_60 : memref<1x64xf32, #tpu.memory_space<hbm>> -> memref<64xf32, #tpu.memory_space<hbm>>
      %dma_start3A_62 = arith.constant 0 : i32
      %dma_start3A_63 = tpu.memref_slice %arg12[%add3A_56, %dma_start3A_62] : memref<512x64xf32, #tpu.memory_space<vmem>> -> memref<1x64xf32, #tpu.memory_space<vmem>>
      %dma_start3A_64 = tpu.memref_squeeze %dma_start3A_63 : memref<1x64xf32, #tpu.memory_space<vmem>> -> memref<64xf32, #tpu.memory_space<vmem>>
      %dma_start3A_65 = arith.constant 0 : i32
      %dma_start3A_66 = tpu.memref_slice %arg9[%squeeze3A, %dma_start3A_65] : memref<1000000x64xf32, #tpu.memory_space<hbm>> -> memref<1x64xf32, #tpu.memory_space<hbm>>
      %dma_start3A_67 = tpu.memref_squeeze %dma_start3A_66 : memref<1x64xf32, #tpu.memory_space<hbm>> -> memref<64xf32, #tpu.memory_space<hbm>>
      tpu.enqueue_dma source(%dma_start3A_67 : memref<64xf32, #tpu.memory_space<hbm>>) target(%dma_start3A_64 : memref<64xf32, #tpu.memory_space<vmem>>) target_semaphore(%arg13 : memref<!tpu.dma_semaphore, #tpu.memory_space<semaphore_mem>>)
      %slice3A_68 = vector.extract_strided_slice %get3A_52 {offsets = [1], sizes = [1], strides = [1]} : vector<16xi32> to vector<1xi32>
      %squeeze3A_69 = vector.extract %slice3A_68[0] : i32 from vector<1xi32>
      %mul3A_70 = arith.constant 16 : i32
      %mul3A_71 = arith.muli %scan3A_48, %mul3A_70 : i32
      %add3A_72 = arith.constant 1 : i32
      %add3A_73 = arith.addi %mul3A_71, %add3A_72 : i32
      %dma_start3A_74 = arith.constant 0 : i32
      %dma_start3A_75 = tpu.memref_slice %arg12[%add3A_73, %dma_start3A_74] : memref<512x64xf32, #tpu.memory_space<vmem>> -> memref<1x64xf32, #tpu.memory_space<vmem>>
      %dma_start3A_76 = tpu.memref_squeeze %dma_start3A_75 : memref<1x64xf32, #tpu.memory_space<vmem>> -> memref<64xf32, #tpu.memory_space<vmem>>
      %dma_start3A_77 = arith.constant 0 : i32
      %dma_start3A_78 = tpu.memref_slice %arg9[%squeeze3A_69, %dma_start3A_77] : memref<1000000x64xf32, #tpu.memory_space<hbm>> -> memref<1x64xf32, #tpu.memory_space<hbm>>
      %dma_start3A_79 = tpu.memref_squeeze %dma_start3A_78 : memref<1x64xf32, #tpu.memory_space<hbm>> -> memref<64xf32, #tpu.memory_space<hbm>>
      %dma_start3A_80 = arith.constant 0 : i32
      %dma_start3A_81 = tpu.memref_slice %arg12[%add3A_73, %dma_start3A_80] : memref<512x64xf32, #tpu.memory_space<vmem>> -> memref<1x64xf32, #tpu.memory_space<vmem>>
      %dma_start3A_82 = tpu.memref_squeeze %dma_start3A_81 : memref<1x64xf32, #tpu.memory_space<vmem>> -> memref<64xf32, #tpu.memory_space<vmem>>
      %dma_start3A_83 = arith.constant 0 : i32
      %dma_start3A_84 = tpu.memref_slice %arg9[%squeeze3A_69, %dma_start3A_83] : memref<1000000x64xf32, #tpu.memory_space<hbm>> -> memref<1x64xf32, #tpu.memory_space<hbm>>
      %dma_start3A_85 = tpu.memref_squeeze %dma_start3A_84 : memref<1x64xf32, #tpu.memory_space<hbm>> -> memref<64xf32, #tpu.memory_space<hbm>>
      tpu.enqueue_dma source(%dma_start3A_85 : memref<64xf32, #tpu.memory_space<hbm>>) target(%dma_start3A_82 : memref<64xf32, #tpu.memory_space<vmem>>) target_semaphore(%arg13 : memref<!tpu.dma_semaphore, #tpu.memory_space<semaphore_mem>>)
      %slice3A_86 = vector.extract_strided_slice %get3A_52 {offsets = [2], sizes = [1], strides = [1]} : vector<16xi32> to vector<1xi32>
      %squeeze3A_87 = vector.extract %slice3A_86[0] : i32 from vector<1xi32>
      %mul3A_88 = arith.constant 16 : i32
      %mul3A_89 = arith.muli %scan3A_48, %mul3A_88 : i32
      %add3A_90 = arith.constant 2 : i32
      %add3A_91 = arith.addi %mul3A_89, %add3A_90 : i32
      %dma_start3A_92 = arith.constant 0 : i32
      %dma_start3A_93 = tpu.memref_slice %arg12[%add3A_91, %dma_start3A_92] : memref<512x64xf32, #tpu.memory_space<vmem>> -> memref<1x64xf32, #tpu.memory_space<vmem>>
      %dma_start3A_94 = tpu.memref_squeeze %dma_start3A_93 : memref<1x64xf32, #tpu.memory_space<vmem>> -> memref<64xf32, #tpu.memory_space<vmem>>
      %dma_start3A_95 = arith.constant 0 : i32
      %dma_start3A_96 = tpu.memref_slice %arg9[%squeeze3A_87, %dma_start3A_95] : memref<1000000x64xf32, #tpu.memory_space<hbm>> -> memref<1x64xf32, #tpu.memory_space<hbm>>
      %dma_start3A_97 = tpu.memref_squeeze %dma_start3A_96 : memref<1x64xf32, #tpu.memory_space<hbm>> -> memref<64xf32, #tpu.memory_space<hbm>>
      %dma_start3A_98 = arith.constant 0 : i32
      %dma_start3A_99 = tpu.memref_slice %arg12[%add3A_91, %dma_start3A_98] : memref<512x64xf32, #tpu.memory_space<vmem>> -> memref<1x64xf32, #tpu.memory_space<vmem>>
      %dma_start3A_100 = tpu.memref_squeeze %dma_start3A_99 : memref<1x64xf32, #tpu.memory_space<vmem>> -> memref<64xf32, #tpu.memory_space<vmem>>
      %dma_start3A_101 = arith.constant 0 : i32
      %dma_start3A_102 = tpu.memref_slice %arg9[%squeeze3A_87, %dma_start3A_101] : memref<1000000x64xf32, #tpu.memory_space<hbm>> -> memref<1x64xf32, #tpu.memory_space<hbm>>
      %dma_start3A_103 = tpu.memref_squeeze %dma_start3A_102 : memref<1x64xf32, #tpu.memory_space<hbm>> -> memref<64xf32, #tpu.memory_space<hbm>>
      tpu.enqueue_dma source(%dma_start3A_103 : memref<64xf32, #tpu.memory_space<hbm>>) target(%dma_start3A_100 : memref<64xf32, #tpu.memory_space<vmem>>) target_semaphore(%arg13 : memref<!tpu.dma_semaphore, #tpu.memory_space<semaphore_mem>>)
      %slice3A_104 = vector.extract_strided_slice %get3A_52 {offsets = [3], sizes = [1], strides = [1]} : vector<16xi32> to vector<1xi32>
      %squeeze3A_105 = vector.extract %slice3A_104[0] : i32 from vector<1xi32>
      %mul3A_106 = arith.constant 16 : i32
      %mul3A_107 = arith.muli %scan3A_48, %mul3A_106 : i32
      %add3A_108 = arith.constant 3 : i32
      %add3A_109 = arith.addi %mul3A_107, %add3A_108 : i32
      %dma_start3A_110 = arith.constant 0 : i32
      %dma_start3A_111 = tpu.memref_slice %arg12[%add3A_109, %dma_start3A_110] : memref<512x64xf32, #tpu.memory_space<vmem>> -> memref<1x64xf32, #tpu.memory_space<vmem>>
      %dma_start3A_112 = tpu.memref_squeeze %dma_start3A_111 : memref<1x64xf32, #tpu.memory_space<vmem>> -> memref<64xf32, #tpu.memory_space<vmem>>
      %dma_start3A_113 = arith.constant 0 : i32
      %dma_start3A_114 = tpu.memref_slice %arg9[%squeeze3A_105, %dma_start3A_113] : memref<1000000x64xf32, #tpu.memory_space<hbm>> -> memref<1x64xf32, #tpu.memory_space<hbm>>
      %dma_start3A_115 = tpu.memref_squeeze %dma_start3A_114 : memref<1x64xf32, #tpu.memory_space<hbm>> -> memref<64xf32, #tpu.memory_space<hbm>>
      %dma_start3A_116 = arith.constant 0 : i32
      %dma_start3A_117 = tpu.memref_slice %arg12[%add3A_109, %dma_start3A_116] : memref<512x64xf32, #tpu.memory_space<vmem>> -> memref<1x64xf32, #tpu.memory_space<vmem>>
      %dma_start3A_118 = tpu.memref_squeeze %dma_start3A_117 : memref<1x64xf32, #tpu.memory_space<vmem>> -> memref<64xf32, #tpu.memory_space<vmem>>
      %dma_start3A_119 = arith.constant 0 : i32
      %dma_start3A_120 = tpu.memref_slice %arg9[%squeeze3A_105, %dma_start3A_119] : memref<1000000x64xf32, #tpu.memory_space<hbm>> -> memref<1x64xf32, #tpu.memory_space<hbm>>
      %dma_start3A_121 = tpu.memref_squeeze %dma_start3A_120 : memref<1x64xf32, #tpu.memory_space<hbm>> -> memref<64xf32, #tpu.memory_space<hbm>>
      tpu.enqueue_dma source(%dma_start3A_121 : memref<64xf32, #tpu.memory_space<hbm>>) target(%dma_start3A_118 : memref<64xf32, #tpu.memory_space<vmem>>) target_semaphore(%arg13 : memref<!tpu.dma_semaphore, #tpu.memory_space<semaphore_mem>>)
      %slice3A_122 = vector.extract_strided_slice %get3A_52 {offsets = [4], sizes = [1], strides = [1]} : vector<16xi32> to vector<1xi32>
      %squeeze3A_123 = vector.extract %slice3A_122[0] : i32 from vector<1xi32>
      %mul3A_124 = arith.constant 16 : i32
      %mul3A_125 = arith.muli %scan3A_48, %mul3A_124 : i32
      %add3A_126 = arith.constant 4 : i32
      %add3A_127 = arith.addi %mul3A_125, %add3A_126 : i32
      %dma_start3A_128 = arith.constant 0 : i32
      %dma_start3A_129 = tpu.memref_slice %arg12[%add3A_127, %dma_start3A_128] : memref<512x64xf32, #tpu.memory_space<vmem>> -> memref<1x64xf32, #tpu.memory_space<vmem>>
      %dma_start3A_130 = tpu.memref_squeeze %dma_start3A_129 : memref<1x64xf32, #tpu.memory_space<vmem>> -> memref<64xf32, #tpu.memory_space<vmem>>
      %dma_start3A_131 = arith.constant 0 : i32
      %dma_start3A_132 = tpu.memref_slice %arg9[%squeeze3A_123, %dma_start3A_131] : memref<1000000x64xf32, #tpu.memory_space<hbm>> -> memref<1x64xf32, #tpu.memory_space<hbm>>
      %dma_start3A_133 = tpu.memref_squeeze %dma_start3A_132 : memref<1x64xf32, #tpu.memory_space<hbm>> -> memref<64xf32, #tpu.memory_space<hbm>>
      %dma_start3A_134 = arith.constant 0 : i32
      %dma_start3A_135 = tpu.memref_slice %arg12[%add3A_127, %dma_start3A_134] : memref<512x64xf32, #tpu.memory_space<vmem>> -> memref<1x64xf32, #tpu.memory_space<vmem>>
      %dma_start3A_136 = tpu.memref_squeeze %dma_start3A_135 : memref<1x64xf32, #tpu.memory_space<vmem>> -> memref<64xf32, #tpu.memory_space<vmem>>
      %dma_start3A_137 = arith.constant 0 : i32
      %dma_start3A_138 = tpu.memref_slice %arg9[%squeeze3A_123, %dma_start3A_137] : memref<1000000x64xf32, #tpu.memory_space<hbm>> -> memref<1x64xf32, #tpu.memory_space<hbm>>
      %dma_start3A_139 = tpu.memref_squeeze %dma_start3A_138 : memref<1x64xf32, #tpu.memory_space<hbm>> -> memref<64xf32, #tpu.memory_space<hbm>>
      tpu.enqueue_dma source(%dma_start3A_139 : memref<64xf32, #tpu.memory_space<hbm>>) target(%dma_start3A_136 : memref<64xf32, #tpu.memory_space<vmem>>) target_semaphore(%arg13 : memref<!tpu.dma_semaphore, #tpu.memory_space<semaphore_mem>>)
      %slice3A_140 = vector.extract_strided_slice %get3A_52 {offsets = [5], sizes = [1], strides = [1]} : vector<16xi32> to vector<1xi32>
      %squeeze3A_141 = vector.extract %slice3A_140[0] : i32 from vector<1xi32>
      %mul3A_142 = arith.constant 16 : i32
      %mul3A_143 = arith.muli %scan3A_48, %mul3A_142 : i32
      %add3A_144 = arith.constant 5 : i32
      %add3A_145 = arith.addi %mul3A_143, %add3A_144 : i32
      %dma_start3A_146 = arith.constant 0 : i32
      %dma_start3A_147 = tpu.memref_slice %arg12[%add3A_145, %dma_start3A_146] : memref<512x64xf32, #tpu.memory_space<vmem>> -> memref<1x64xf32, #tpu.memory_space<vmem>>
      %dma_start3A_148 = tpu.memref_squeeze %dma_start3A_147 : memref<1x64xf32, #tpu.memory_space<vmem>> -> memref<64xf32, #tpu.memory_space<vmem>>
      %dma_start3A_149 = arith.constant 0 : i32
      %dma_start3A_150 = tpu.memref_slice %arg9[%squeeze3A_141, %dma_start3A_149] : memref<1000000x64xf32, #tpu.memory_space<hbm>> -> memref<1x64xf32, #tpu.memory_space<hbm>>
      %dma_start3A_151 = tpu.memref_squeeze %dma_start3A_150 : memref<1x64xf32, #tpu.memory_space<hbm>> -> memref<64xf32, #tpu.memory_space<hbm>>
      %dma_start3A_152 = arith.constant 0 : i32
      %dma_start3A_153 = tpu.memref_slice %arg12[%add3A_145, %dma_start3A_152] : memref<512x64xf32, #tpu.memory_space<vmem>> -> memref<1x64xf32, #tpu.memory_space<vmem>>
      %dma_start3A_154 = tpu.memref_squeeze %dma_start3A_153 : memref<1x64xf32, #tpu.memory_space<vmem>> -> memref<64xf32, #tpu.memory_space<vmem>>
      %dma_start3A_155 = arith.constant 0 : i32
      %dma_start3A_156 = tpu.memref_slice %arg9[%squeeze3A_141, %dma_start3A_155] : memref<1000000x64xf32, #tpu.memory_space<hbm>> -> memref<1x64xf32, #tpu.memory_space<hbm>>
      %dma_start3A_157 = tpu.memref_squeeze %dma_start3A_156 : memref<1x64xf32, #tpu.memory_space<hbm>> -> memref<64xf32, #tpu.memory_space<hbm>>
      tpu.enqueue_dma source(%dma_start3A_157 : memref<64xf32, #tpu.memory_space<hbm>>) target(%dma_start3A_154 : memref<64xf32, #tpu.memory_space<vmem>>) target_semaphore(%arg13 : memref<!tpu.dma_semaphore, #tpu.memory_space<semaphore_mem>>)
      %slice3A_158 = vector.extract_strided_slice %get3A_52 {offsets = [6], sizes = [1], strides = [1]} : vector<16xi32> to vector<1xi32>
      %squeeze3A_159 = vector.extract %slice3A_158[0] : i32 from vector<1xi32>
      %mul3A_160 = arith.constant 16 : i32
      %mul3A_161 = arith.muli %scan3A_48, %mul3A_160 : i32
      %add3A_162 = arith.constant 6 : i32
      %add3A_163 = arith.addi %mul3A_161, %add3A_162 : i32
      %dma_start3A_164 = arith.constant 0 : i32
      %dma_start3A_165 = tpu.memref_slice %arg12[%add3A_163, %dma_start3A_164] : memref<512x64xf32, #tpu.memory_space<vmem>> -> memref<1x64xf32, #tpu.memory_space<vmem>>
      %dma_start3A_166 = tpu.memref_squeeze %dma_start3A_165 : memref<1x64xf32, #tpu.memory_space<vmem>> -> memref<64xf32, #tpu.memory_space<vmem>>
      %dma_start3A_167 = arith.constant 0 : i32
      %dma_start3A_168 = tpu.memref_slice %arg9[%squeeze3A_159, %dma_start3A_167] : memref<1000000x64xf32, #tpu.memory_space<hbm>> -> memref<1x64xf32, #tpu.memory_space<hbm>>
      %dma_start3A_169 = tpu.memref_squeeze %dma_start3A_168 : memref<1x64xf32, #tpu.memory_space<hbm>> -> memref<64xf32, #tpu.memory_space<hbm>>
      %dma_start3A_170 = arith.constant 0 : i32
      %dma_start3A_171 = tpu.memref_slice %arg12[%add3A_163, %dma_start3A_170] : memref<512x64xf32, #tpu.memory_space<vmem>> -> memref<1x64xf32, #tpu.memory_space<vmem>>
      %dma_start3A_172 = tpu.memref_squeeze %dma_start3A_171 : memref<1x64xf32, #tpu.memory_space<vmem>> -> memref<64xf32, #tpu.memory_space<vmem>>
      %dma_start3A_173 = arith.constant 0 : i32
      %dma_start3A_174 = tpu.memref_slice %arg9[%squeeze3A_159, %dma_start3A_173] : memref<1000000x64xf32, #tpu.memory_space<hbm>> -> memref<1x64xf32, #tpu.memory_space<hbm>>
      %dma_start3A_175 = tpu.memref_squeeze %dma_start3A_174 : memref<1x64xf32, #tpu.memory_space<hbm>> -> memref<64xf32, #tpu.memory_space<hbm>>
      tpu.enqueue_dma source(%dma_start3A_175 : memref<64xf32, #tpu.memory_space<hbm>>) target(%dma_start3A_172 : memref<64xf32, #tpu.memory_space<vmem>>) target_semaphore(%arg13 : memref<!tpu.dma_semaphore, #tpu.memory_space<semaphore_mem>>)
      %slice3A_176 = vector.extract_strided_slice %get3A_52 {offsets = [7], sizes = [1], strides = [1]} : vector<16xi32> to vector<1xi32>
      %squeeze3A_177 = vector.extract %slice3A_176[0] : i32 from vector<1xi32>
      %mul3A_178 = arith.constant 16 : i32
      %mul3A_179 = arith.muli %scan3A_48, %mul3A_178 : i32
      %add3A_180 = arith.constant 7 : i32
      %add3A_181 = arith.addi %mul3A_179, %add3A_180 : i32
      %dma_start3A_182 = arith.constant 0 : i32
      %dma_start3A_183 = tpu.memref_slice %arg12[%add3A_181, %dma_start3A_182] : memref<512x64xf32, #tpu.memory_space<vmem>> -> memref<1x64xf32, #tpu.memory_space<vmem>>
      %dma_start3A_184 = tpu.memref_squeeze %dma_start3A_183 : memref<1x64xf32, #tpu.memory_space<vmem>> -> memref<64xf32, #tpu.memory_space<vmem>>
      %dma_start3A_185 = arith.constant 0 : i32
      %dma_start3A_186 = tpu.memref_slice %arg9[%squeeze3A_177, %dma_start3A_185] : memref<1000000x64xf32, #tpu.memory_space<hbm>> -> memref<1x64xf32, #tpu.memory_space<hbm>>
      %dma_start3A_187 = tpu.memref_squeeze %dma_start3A_186 : memref<1x64xf32, #tpu.memory_space<hbm>> -> memref<64xf32, #tpu.memory_space<hbm>>
      %dma_start3A_188 = arith.constant 0 : i32
      %dma_start3A_189 = tpu.memref_slice %arg12[%add3A_181, %dma_start3A_188] : memref<512x64xf32, #tpu.memory_space<vmem>> -> memref<1x64xf32, #tpu.memory_space<vmem>>
      %dma_start3A_190 = tpu.memref_squeeze %dma_start3A_189 : memref<1x64xf32, #tpu.memory_space<vmem>> -> memref<64xf32, #tpu.memory_space<vmem>>
      %dma_start3A_191 = arith.constant 0 : i32
      %dma_start3A_192 = tpu.memref_slice %arg9[%squeeze3A_177, %dma_start3A_191] : memref<1000000x64xf32, #tpu.memory_space<hbm>> -> memref<1x64xf32, #tpu.memory_space<hbm>>
      %dma_start3A_193 = tpu.memref_squeeze %dma_start3A_192 : memref<1x64xf32, #tpu.memory_space<hbm>> -> memref<64xf32, #tpu.memory_space<hbm>>
      tpu.enqueue_dma source(%dma_start3A_193 : memref<64xf32, #tpu.memory_space<hbm>>) target(%dma_start3A_190 : memref<64xf32, #tpu.memory_space<vmem>>) target_semaphore(%arg13 : memref<!tpu.dma_semaphore, #tpu.memory_space<semaphore_mem>>)
      %slice3A_194 = vector.extract_strided_slice %get3A_52 {offsets = [8], sizes = [1], strides = [1]} : vector<16xi32> to vector<1xi32>
      %squeeze3A_195 = vector.extract %slice3A_194[0] : i32 from vector<1xi32>
      %mul3A_196 = arith.constant 16 : i32
      %mul3A_197 = arith.muli %scan3A_48, %mul3A_196 : i32
      %add3A_198 = arith.constant 8 : i32
      %add3A_199 = arith.addi %mul3A_197, %add3A_198 : i32
      %dma_start3A_200 = arith.constant 0 : i32
      %dma_start3A_201 = tpu.memref_slice %arg12[%add3A_199, %dma_start3A_200] : memref<512x64xf32, #tpu.memory_space<vmem>> -> memref<1x64xf32, #tpu.memory_space<vmem>>
      %dma_start3A_202 = tpu.memref_squeeze %dma_start3A_201 : memref<1x64xf32, #tpu.memory_space<vmem>> -> memref<64xf32, #tpu.memory_space<vmem>>
      %dma_start3A_203 = arith.constant 0 : i32
      %dma_start3A_204 = tpu.memref_slice %arg9[%squeeze3A_195, %dma_start3A_203] : memref<1000000x64xf32, #tpu.memory_space<hbm>> -> memref<1x64xf32, #tpu.memory_space<hbm>>
      %dma_start3A_205 = tpu.memref_squeeze %dma_start3A_204 : memref<1x64xf32, #tpu.memory_space<hbm>> -> memref<64xf32, #tpu.memory_space<hbm>>
      %dma_start3A_206 = arith.constant 0 : i32
      %dma_start3A_207 = tpu.memref_slice %arg12[%add3A_199, %dma_start3A_206] : memref<512x64xf32, #tpu.memory_space<vmem>> -> memref<1x64xf32, #tpu.memory_space<vmem>>
      %dma_start3A_208 = tpu.memref_squeeze %dma_start3A_207 : memref<1x64xf32, #tpu.memory_space<vmem>> -> memref<64xf32, #tpu.memory_space<vmem>>
      %dma_start3A_209 = arith.constant 0 : i32
      %dma_start3A_210 = tpu.memref_slice %arg9[%squeeze3A_195, %dma_start3A_209] : memref<1000000x64xf32, #tpu.memory_space<hbm>> -> memref<1x64xf32, #tpu.memory_space<hbm>>
      %dma_start3A_211 = tpu.memref_squeeze %dma_start3A_210 : memref<1x64xf32, #tpu.memory_space<hbm>> -> memref<64xf32, #tpu.memory_space<hbm>>
      tpu.enqueue_dma source(%dma_start3A_211 : memref<64xf32, #tpu.memory_space<hbm>>) target(%dma_start3A_208 : memref<64xf32, #tpu.memory_space<vmem>>) target_semaphore(%arg13 : memref<!tpu.dma_semaphore, #tpu.memory_space<semaphore_mem>>)
      %slice3A_212 = vector.extract_strided_slice %get3A_52 {offsets = [9], sizes = [1], strides = [1]} : vector<16xi32> to vector<1xi32>
      %squeeze3A_213 = vector.extract %slice3A_212[0] : i32 from vector<1xi32>
      %mul3A_214 = arith.constant 16 : i32
      %mul3A_215 = arith.muli %scan3A_48, %mul3A_214 : i32
      %add3A_216 = arith.constant 9 : i32
      %add3A_217 = arith.addi %mul3A_215, %add3A_216 : i32
      %dma_start3A_218 = arith.constant 0 : i32
      %dma_start3A_219 = tpu.memref_slice %arg12[%add3A_217, %dma_start3A_218] : memref<512x64xf32, #tpu.memory_space<vmem>> -> memref<1x64xf32, #tpu.memory_space<vmem>>
      %dma_start3A_220 = tpu.memref_squeeze %dma_start3A_219 : memref<1x64xf32, #tpu.memory_space<vmem>> -> memref<64xf32, #tpu.memory_space<vmem>>
      %dma_start3A_221 = arith.constant 0 : i32
      %dma_start3A_222 = tpu.memref_slice %arg9[%squeeze3A_213, %dma_start3A_221] : memref<1000000x64xf32, #tpu.memory_space<hbm>> -> memref<1x64xf32, #tpu.memory_space<hbm>>
      %dma_start3A_223 = tpu.memref_squeeze %dma_start3A_222 : memref<1x64xf32, #tpu.memory_space<hbm>> -> memref<64xf32, #tpu.memory_space<hbm>>
      %dma_start3A_224 = arith.constant 0 : i32
      %dma_start3A_225 = tpu.memref_slice %arg12[%add3A_217, %dma_start3A_224] : memref<512x64xf32, #tpu.memory_space<vmem>> -> memref<1x64xf32, #tpu.memory_space<vmem>>
      %dma_start3A_226 = tpu.memref_squeeze %dma_start3A_225 : memref<1x64xf32, #tpu.memory_space<vmem>> -> memref<64xf32, #tpu.memory_space<vmem>>
      %dma_start3A_227 = arith.constant 0 : i32
      %dma_start3A_228 = tpu.memref_slice %arg9[%squeeze3A_213, %dma_start3A_227] : memref<1000000x64xf32, #tpu.memory_space<hbm>> -> memref<1x64xf32, #tpu.memory_space<hbm>>
      %dma_start3A_229 = tpu.memref_squeeze %dma_start3A_228 : memref<1x64xf32, #tpu.memory_space<hbm>> -> memref<64xf32, #tpu.memory_space<hbm>>
      tpu.enqueue_dma source(%dma_start3A_229 : memref<64xf32, #tpu.memory_space<hbm>>) target(%dma_start3A_226 : memref<64xf32, #tpu.memory_space<vmem>>) target_semaphore(%arg13 : memref<!tpu.dma_semaphore, #tpu.memory_space<semaphore_mem>>)
      %slice3A_230 = vector.extract_strided_slice %get3A_52 {offsets = [10], sizes = [1], strides = [1]} : vector<16xi32> to vector<1xi32>
      %squeeze3A_231 = vector.extract %slice3A_230[0] : i32 from vector<1xi32>
      %mul3A_232 = arith.constant 16 : i32
      %mul3A_233 = arith.muli %scan3A_48, %mul3A_232 : i32
      %add3A_234 = arith.constant 10 : i32
      %add3A_235 = arith.addi %mul3A_233, %add3A_234 : i32
      %dma_start3A_236 = arith.constant 0 : i32
      %dma_start3A_237 = tpu.memref_slice %arg12[%add3A_235, %dma_start3A_236] : memref<512x64xf32, #tpu.memory_space<vmem>> -> memref<1x64xf32, #tpu.memory_space<vmem>>
      %dma_start3A_238 = tpu.memref_squeeze %dma_start3A_237 : memref<1x64xf32, #tpu.memory_space<vmem>> -> memref<64xf32, #tpu.memory_space<vmem>>
      %dma_start3A_239 = arith.constant 0 : i32
      %dma_start3A_240 = tpu.memref_slice %arg9[%squeeze3A_231, %dma_start3A_239] : memref<1000000x64xf32, #tpu.memory_space<hbm>> -> memref<1x64xf32, #tpu.memory_space<hbm>>
      %dma_start3A_241 = tpu.memref_squeeze %dma_start3A_240 : memref<1x64xf32, #tpu.memory_space<hbm>> -> memref<64xf32, #tpu.memory_space<hbm>>
      %dma_start3A_242 = arith.constant 0 : i32
      %dma_start3A_243 = tpu.memref_slice %arg12[%add3A_235, %dma_start3A_242] : memref<512x64xf32, #tpu.memory_space<vmem>> -> memref<1x64xf32, #tpu.memory_space<vmem>>
      %dma_start3A_244 = tpu.memref_squeeze %dma_start3A_243 : memref<1x64xf32, #tpu.memory_space<vmem>> -> memref<64xf32, #tpu.memory_space<vmem>>
      %dma_start3A_245 = arith.constant 0 : i32
      %dma_start3A_246 = tpu.memref_slice %arg9[%squeeze3A_231, %dma_start3A_245] : memref<1000000x64xf32, #tpu.memory_space<hbm>> -> memref<1x64xf32, #tpu.memory_space<hbm>>
      %dma_start3A_247 = tpu.memref_squeeze %dma_start3A_246 : memref<1x64xf32, #tpu.memory_space<hbm>> -> memref<64xf32, #tpu.memory_space<hbm>>
      tpu.enqueue_dma source(%dma_start3A_247 : memref<64xf32, #tpu.memory_space<hbm>>) target(%dma_start3A_244 : memref<64xf32, #tpu.memory_space<vmem>>) target_semaphore(%arg13 : memref<!tpu.dma_semaphore, #tpu.memory_space<semaphore_mem>>)
      %slice3A_248 = vector.extract_strided_slice %get3A_52 {offsets = [11], sizes = [1], strides = [1]} : vector<16xi32> to vector<1xi32>
      %squeeze3A_249 = vector.extract %slice3A_248[0] : i32 from vector<1xi32>
      %mul3A_250 = arith.constant 16 : i32
      %mul3A_251 = arith.muli %scan3A_48, %mul3A_250 : i32
      %add3A_252 = arith.constant 11 : i32
      %add3A_253 = arith.addi %mul3A_251, %add3A_252 : i32
      %dma_start3A_254 = arith.constant 0 : i32
      %dma_start3A_255 = tpu.memref_slice %arg12[%add3A_253, %dma_start3A_254] : memref<512x64xf32, #tpu.memory_space<vmem>> -> memref<1x64xf32, #tpu.memory_space<vmem>>
      %dma_start3A_256 = tpu.memref_squeeze %dma_start3A_255 : memref<1x64xf32, #tpu.memory_space<vmem>> -> memref<64xf32, #tpu.memory_space<vmem>>
      %dma_start3A_257 = arith.constant 0 : i32
      %dma_start3A_258 = tpu.memref_slice %arg9[%squeeze3A_249, %dma_start3A_257] : memref<1000000x64xf32, #tpu.memory_space<hbm>> -> memref<1x64xf32, #tpu.memory_space<hbm>>
      %dma_start3A_259 = tpu.memref_squeeze %dma_start3A_258 : memref<1x64xf32, #tpu.memory_space<hbm>> -> memref<64xf32, #tpu.memory_space<hbm>>
      %dma_start3A_260 = arith.constant 0 : i32
      %dma_start3A_261 = tpu.memref_slice %arg12[%add3A_253, %dma_start3A_260] : memref<512x64xf32, #tpu.memory_space<vmem>> -> memref<1x64xf32, #tpu.memory_space<vmem>>
      %dma_start3A_262 = tpu.memref_squeeze %dma_start3A_261 : memref<1x64xf32, #tpu.memory_space<vmem>> -> memref<64xf32, #tpu.memory_space<vmem>>
      %dma_start3A_263 = arith.constant 0 : i32
      %dma_start3A_264 = tpu.memref_slice %arg9[%squeeze3A_249, %dma_start3A_263] : memref<1000000x64xf32, #tpu.memory_space<hbm>> -> memref<1x64xf32, #tpu.memory_space<hbm>>
      %dma_start3A_265 = tpu.memref_squeeze %dma_start3A_264 : memref<1x64xf32, #tpu.memory_space<hbm>> -> memref<64xf32, #tpu.memory_space<hbm>>
      tpu.enqueue_dma source(%dma_start3A_265 : memref<64xf32, #tpu.memory_space<hbm>>) target(%dma_start3A_262 : memref<64xf32, #tpu.memory_space<vmem>>) target_semaphore(%arg13 : memref<!tpu.dma_semaphore, #tpu.memory_space<semaphore_mem>>)
      %slice3A_266 = vector.extract_strided_slice %get3A_52 {offsets = [12], sizes = [1], strides = [1]} : vector<16xi32> to vector<1xi32>
      %squeeze3A_267 = vector.extract %slice3A_266[0] : i32 from vector<1xi32>
      %mul3A_268 = arith.constant 16 : i32
      %mul3A_269 = arith.muli %scan3A_48, %mul3A_268 : i32
      %add3A_270 = arith.constant 12 : i32
      %add3A_271 = arith.addi %mul3A_269, %add3A_270 : i32
      %dma_start3A_272 = arith.constant 0 : i32
      %dma_start3A_273 = tpu.memref_slice %arg12[%add3A_271, %dma_start3A_272] : memref<512x64xf32, #tpu.memory_space<vmem>> -> memref<1x64xf32, #tpu.memory_space<vmem>>
      %dma_start3A_274 = tpu.memref_squeeze %dma_start3A_273 : memref<1x64xf32, #tpu.memory_space<vmem>> -> memref<64xf32, #tpu.memory_space<vmem>>
      %dma_start3A_275 = arith.constant 0 : i32
      %dma_start3A_276 = tpu.memref_slice %arg9[%squeeze3A_267, %dma_start3A_275] : memref<1000000x64xf32, #tpu.memory_space<hbm>> -> memref<1x64xf32, #tpu.memory_space<hbm>>
      %dma_start3A_277 = tpu.memref_squeeze %dma_start3A_276 : memref<1x64xf32, #tpu.memory_space<hbm>> -> memref<64xf32, #tpu.memory_space<hbm>>
      %dma_start3A_278 = arith.constant 0 : i32
      %dma_start3A_279 = tpu.memref_slice %arg12[%add3A_271, %dma_start3A_278] : memref<512x64xf32, #tpu.memory_space<vmem>> -> memref<1x64xf32, #tpu.memory_space<vmem>>
      %dma_start3A_280 = tpu.memref_squeeze %dma_start3A_279 : memref<1x64xf32, #tpu.memory_space<vmem>> -> memref<64xf32, #tpu.memory_space<vmem>>
      %dma_start3A_281 = arith.constant 0 : i32
      %dma_start3A_282 = tpu.memref_slice %arg9[%squeeze3A_267, %dma_start3A_281] : memref<1000000x64xf32, #tpu.memory_space<hbm>> -> memref<1x64xf32, #tpu.memory_space<hbm>>
      %dma_start3A_283 = tpu.memref_squeeze %dma_start3A_282 : memref<1x64xf32, #tpu.memory_space<hbm>> -> memref<64xf32, #tpu.memory_space<hbm>>
      tpu.enqueue_dma source(%dma_start3A_283 : memref<64xf32, #tpu.memory_space<hbm>>) target(%dma_start3A_280 : memref<64xf32, #tpu.memory_space<vmem>>) target_semaphore(%arg13 : memref<!tpu.dma_semaphore, #tpu.memory_space<semaphore_mem>>)
      %slice3A_284 = vector.extract_strided_slice %get3A_52 {offsets = [13], sizes = [1], strides = [1]} : vector<16xi32> to vector<1xi32>
      %squeeze3A_285 = vector.extract %slice3A_284[0] : i32 from vector<1xi32>
      %mul3A_286 = arith.constant 16 : i32
      %mul3A_287 = arith.muli %scan3A_48, %mul3A_286 : i32
      %add3A_288 = arith.constant 13 : i32
      %add3A_289 = arith.addi %mul3A_287, %add3A_288 : i32
      %dma_start3A_290 = arith.constant 0 : i32
      %dma_start3A_291 = tpu.memref_slice %arg12[%add3A_289, %dma_start3A_290] : memref<512x64xf32, #tpu.memory_space<vmem>> -> memref<1x64xf32, #tpu.memory_space<vmem>>
      %dma_start3A_292 = tpu.memref_squeeze %dma_start3A_291 : memref<1x64xf32, #tpu.memory_space<vmem>> -> memref<64xf32, #tpu.memory_space<vmem>>
      %dma_start3A_293 = arith.constant 0 : i32
      %dma_start3A_294 = tpu.memref_slice %arg9[%squeeze3A_285, %dma_start3A_293] : memref<1000000x64xf32, #tpu.memory_space<hbm>> -> memref<1x64xf32, #tpu.memory_space<hbm>>
      %dma_start3A_295 = tpu.memref_squeeze %dma_start3A_294 : memref<1x64xf32, #tpu.memory_space<hbm>> -> memref<64xf32, #tpu.memory_space<hbm>>
      %dma_start3A_296 = arith.constant 0 : i32
      %dma_start3A_297 = tpu.memref_slice %arg12[%add3A_289, %dma_start3A_296] : memref<512x64xf32, #tpu.memory_space<vmem>> -> memref<1x64xf32, #tpu.memory_space<vmem>>
      %dma_start3A_298 = tpu.memref_squeeze %dma_start3A_297 : memref<1x64xf32, #tpu.memory_space<vmem>> -> memref<64xf32, #tpu.memory_space<vmem>>
      %dma_start3A_299 = arith.constant 0 : i32
      %dma_start3A_300 = tpu.memref_slice %arg9[%squeeze3A_285, %dma_start3A_299] : memref<1000000x64xf32, #tpu.memory_space<hbm>> -> memref<1x64xf32, #tpu.memory_space<hbm>>
      %dma_start3A_301 = tpu.memref_squeeze %dma_start3A_300 : memref<1x64xf32, #tpu.memory_space<hbm>> -> memref<64xf32, #tpu.memory_space<hbm>>
      tpu.enqueue_dma source(%dma_start3A_301 : memref<64xf32, #tpu.memory_space<hbm>>) target(%dma_start3A_298 : memref<64xf32, #tpu.memory_space<vmem>>) target_semaphore(%arg13 : memref<!tpu.dma_semaphore, #tpu.memory_space<semaphore_mem>>)
      %slice3A_302 = vector.extract_strided_slice %get3A_52 {offsets = [14], sizes = [1], strides = [1]} : vector<16xi32> to vector<1xi32>
      %squeeze3A_303 = vector.extract %slice3A_302[0] : i32 from vector<1xi32>
      %mul3A_304 = arith.constant 16 : i32
      %mul3A_305 = arith.muli %scan3A_48, %mul3A_304 : i32
      %add3A_306 = arith.constant 14 : i32
      %add3A_307 = arith.addi %mul3A_305, %add3A_306 : i32
      %dma_start3A_308 = arith.constant 0 : i32
      %dma_start3A_309 = tpu.memref_slice %arg12[%add3A_307, %dma_start3A_308] : memref<512x64xf32, #tpu.memory_space<vmem>> -> memref<1x64xf32, #tpu.memory_space<vmem>>
      %dma_start3A_310 = tpu.memref_squeeze %dma_start3A_309 : memref<1x64xf32, #tpu.memory_space<vmem>> -> memref<64xf32, #tpu.memory_space<vmem>>
      %dma_start3A_311 = arith.constant 0 : i32
      %dma_start3A_312 = tpu.memref_slice %arg9[%squeeze3A_303, %dma_start3A_311] : memref<1000000x64xf32, #tpu.memory_space<hbm>> -> memref<1x64xf32, #tpu.memory_space<hbm>>
      %dma_start3A_313 = tpu.memref_squeeze %dma_start3A_312 : memref<1x64xf32, #tpu.memory_space<hbm>> -> memref<64xf32, #tpu.memory_space<hbm>>
      %dma_start3A_314 = arith.constant 0 : i32
      %dma_start3A_315 = tpu.memref_slice %arg12[%add3A_307, %dma_start3A_314] : memref<512x64xf32, #tpu.memory_space<vmem>> -> memref<1x64xf32, #tpu.memory_space<vmem>>
      %dma_start3A_316 = tpu.memref_squeeze %dma_start3A_315 : memref<1x64xf32, #tpu.memory_space<vmem>> -> memref<64xf32, #tpu.memory_space<vmem>>
      %dma_start3A_317 = arith.constant 0 : i32
      %dma_start3A_318 = tpu.memref_slice %arg9[%squeeze3A_303, %dma_start3A_317] : memref<1000000x64xf32, #tpu.memory_space<hbm>> -> memref<1x64xf32, #tpu.memory_space<hbm>>
      %dma_start3A_319 = tpu.memref_squeeze %dma_start3A_318 : memref<1x64xf32, #tpu.memory_space<hbm>> -> memref<64xf32, #tpu.memory_space<hbm>>
      tpu.enqueue_dma source(%dma_start3A_319 : memref<64xf32, #tpu.memory_space<hbm>>) target(%dma_start3A_316 : memref<64xf32, #tpu.memory_space<vmem>>) target_semaphore(%arg13 : memref<!tpu.dma_semaphore, #tpu.memory_space<semaphore_mem>>)
      %slice3A_320 = vector.extract_strided_slice %get3A_52 {offsets = [15], sizes = [1], strides = [1]} : vector<16xi32> to vector<1xi32>
      %squeeze3A_321 = vector.extract %slice3A_320[0] : i32 from vector<1xi32>
      %mul3A_322 = arith.constant 16 : i32
      %mul3A_323 = arith.muli %scan3A_48, %mul3A_322 : i32
      %add3A_324 = arith.constant 15 : i32
      %add3A_325 = arith.addi %mul3A_323, %add3A_324 : i32
      %dma_start3A_326 = arith.constant 0 : i32
      %dma_start3A_327 = tpu.memref_slice %arg12[%add3A_325, %dma_start3A_326] : memref<512x64xf32, #tpu.memory_space<vmem>> -> memref<1x64xf32, #tpu.memory_space<vmem>>
      %dma_start3A_328 = tpu.memref_squeeze %dma_start3A_327 : memref<1x64xf32, #tpu.memory_space<vmem>> -> memref<64xf32, #tpu.memory_space<vmem>>
      %dma_start3A_329 = arith.constant 0 : i32
      %dma_start3A_330 = tpu.memref_slice %arg9[%squeeze3A_321, %dma_start3A_329] : memref<1000000x64xf32, #tpu.memory_space<hbm>> -> memref<1x64xf32, #tpu.memory_space<hbm>>
      %dma_start3A_331 = tpu.memref_squeeze %dma_start3A_330 : memref<1x64xf32, #tpu.memory_space<hbm>> -> memref<64xf32, #tpu.memory_space<hbm>>
      %dma_start3A_332 = arith.constant 0 : i32
      %dma_start3A_333 = tpu.memref_slice %arg12[%add3A_325, %dma_start3A_332] : memref<512x64xf32, #tpu.memory_space<vmem>> -> memref<1x64xf32, #tpu.memory_space<vmem>>
      %dma_start3A_334 = tpu.memref_squeeze %dma_start3A_333 : memref<1x64xf32, #tpu.memory_space<vmem>> -> memref<64xf32, #tpu.memory_space<vmem>>
      %dma_start3A_335 = arith.constant 0 : i32
      %dma_start3A_336 = tpu.memref_slice %arg9[%squeeze3A_321, %dma_start3A_335] : memref<1000000x64xf32, #tpu.memory_space<hbm>> -> memref<1x64xf32, #tpu.memory_space<hbm>>
      %dma_start3A_337 = tpu.memref_squeeze %dma_start3A_336 : memref<1x64xf32, #tpu.memory_space<hbm>> -> memref<64xf32, #tpu.memory_space<hbm>>
      tpu.enqueue_dma source(%dma_start3A_337 : memref<64xf32, #tpu.memory_space<hbm>>) target(%dma_start3A_334 : memref<64xf32, #tpu.memory_space<vmem>>) target_semaphore(%arg13 : memref<!tpu.dma_semaphore, #tpu.memory_space<semaphore_mem>>)
    }
    %scan3A_40 = arith.constant 32 : i32
    %dma_wait3A_41 = arith.constant 0 : i32
    %dma_wait3A_42 = arith.constant 0 : i32
    %dma_wait3A_43 = tpu.memref_slice %arg9[%dma_wait3A_41, %dma_wait3A_42] : memref<1000000x64xf32, #tpu.memory_space<hbm>> -> memref<512x64xf32, #tpu.memory_space<hbm>>
    %dma_wait3A_44 = arith.constant 0 : i32
    %dma_wait3A_45 = arith.constant 0 : i32
    %dma_wait3A_46 = tpu.memref_slice %arg9[%dma_wait3A_44, %dma_wait3A_45] : memref<1000000x64xf32, #tpu.memory_space<hbm>> -> memref<512x64xf32, #tpu.memory_space<hbm>>
    tpu.wait_dma2 semaphore(%arg13 : memref<!tpu.dma_semaphore, #tpu.memory_space<semaphore_mem>>) src(%dma_wait3A_46 : memref<512x64xf32, #tpu.memory_space<hbm>>) dst(%arg12 : memref<512x64xf32, #tpu.memory_space<vmem>>)
    %run_scoped3A_47 = arith.constant 3 : i32
    "tpu.region"() ({
      %run_scoped3A_48 = tpu.sem_alloc : memref<!tpu.dma_semaphore, #tpu.memory_space<semaphore_mem>>
      %dma_start3A = arith.constant 0 : i32
      %dma_start3A_49 = tpu.memref_slice %arg10[%run_scoped3A_47, %mul3A_2, %dma_start3A] : memref<4x16384x64xf32, #tpu.memory_space<hbm>> -> memref<1x512x64xf32, #tpu.memory_space<hbm>>
      %dma_start3A_50 = tpu.memref_squeeze %dma_start3A_49 : memref<1x512x64xf32, #tpu.memory_space<hbm>> -> memref<512x64xf32, #tpu.memory_space<hbm>>
      %dma_start3A_51 = arith.constant 0 : i32
      %dma_start3A_52 = tpu.memref_slice %arg10[%run_scoped3A_47, %mul3A_2, %dma_start3A_51] : memref<4x16384x64xf32, #tpu.memory_space<hbm>> -> memref<1x512x64xf32, #tpu.memory_space<hbm>>
      %dma_start3A_53 = tpu.memref_squeeze %dma_start3A_52 : memref<1x512x64xf32, #tpu.memory_space<hbm>> -> memref<512x64xf32, #tpu.memory_space<hbm>>
      tpu.enqueue_dma source(%arg12 : memref<512x64xf32, #tpu.memory_space<vmem>>) target(%dma_start3A_53 : memref<512x64xf32, #tpu.memory_space<hbm>>) target_semaphore(%run_scoped3A_48 : memref<!tpu.dma_semaphore, #tpu.memory_space<semaphore_mem>>)
      %dma_wait3A_54 = arith.constant 0 : i32
      %dma_wait3A_55 = tpu.memref_slice %arg10[%run_scoped3A_47, %mul3A_2, %dma_wait3A_54] : memref<4x16384x64xf32, #tpu.memory_space<hbm>> -> memref<1x512x64xf32, #tpu.memory_space<hbm>>
      %dma_wait3A_56 = tpu.memref_squeeze %dma_wait3A_55 : memref<1x512x64xf32, #tpu.memory_space<hbm>> -> memref<512x64xf32, #tpu.memory_space<hbm>>
      %dma_wait3A_57 = arith.constant 0 : i32
      %dma_wait3A_58 = tpu.memref_slice %arg10[%run_scoped3A_47, %mul3A_2, %dma_wait3A_57] : memref<4x16384x64xf32, #tpu.memory_space<hbm>> -> memref<1x512x64xf32, #tpu.memory_space<hbm>>
      %dma_wait3A_59 = tpu.memref_squeeze %dma_wait3A_58 : memref<1x512x64xf32, #tpu.memory_space<hbm>> -> memref<512x64xf32, #tpu.memory_space<hbm>>
      tpu.wait_dma2 semaphore(%run_scoped3A_48 : memref<!tpu.dma_semaphore, #tpu.memory_space<semaphore_mem>>) src(%arg12 : memref<512x64xf32, #tpu.memory_space<vmem>>) dst(%dma_wait3A_59 : memref<512x64xf32, #tpu.memory_space<hbm>>)
      tpu.yield
    }) : () -> ()
    return
  }
}

module attributes {stable_mosaic.version = 14 : i64} {
  func.func @_mm_body(%arg0: i32, %arg1: memref<4x1024x64xf32, #tpu.memory_space<vmem>>, %arg2: memref<4x64x64xf32, #tpu.memory_space<vmem>>, %arg3: memref<1x64xf32, #tpu.memory_space<vmem>>, %arg4: memref<1024x64xf32, #tpu.memory_space<vmem>>) attributes {dimension_semantics = [#tpu.dimension_semantics<arbitrary>], iteration_bounds = array<i64: 16>, scalar_prefetch = 0 : i64, scratch_operands = 0 : i64, tpu.core_type = #tpu.core_type<tc>, window_params = [{transform_indices = @transform_0, window_bounds = array<i64: 4, 1024, 64>}, {pipeline_mode = #tpu.pipeline_mode<synchronous>, transform_indices = @transform_1, window_bounds = array<i64: 4, 64, 64>}, {pipeline_mode = #tpu.pipeline_mode<synchronous>, transform_indices = @transform_2, window_bounds = array<i64: 1, 64>}, {transform_indices = @transform_3, window_bounds = array<i64: 1024, 64>}]} {
    %get3A = arith.constant 0 : index
    %get3A_0 = arith.constant 0 : index
    %get3A_1 = vector.load %arg3[%get3A, %get3A_0] : memref<1x64xf32, #tpu.memory_space<vmem>>, vector<1x64xf32>
    %broadcast_in_dim3A = vector.shape_cast %get3A_1 : vector<1x64xf32> to vector<1x64xf32>
    %broadcast_in_dim3A_2 = vector.broadcast %broadcast_in_dim3A : vector<1x64xf32> to vector<1024x64xf32>
    %get3A_3 = arith.constant 0 : index
    %get3A_4 = arith.constant 0 : index
    %get3A_5 = arith.constant 0 : index
    %get3A_6 = vector.load %arg1[%get3A_3, %get3A_4, %get3A_5] : memref<4x1024x64xf32, #tpu.memory_space<vmem>>, vector<1x1024x64xf32>
    %get3A_7 = vector.shape_cast %get3A_6 : vector<1x1024x64xf32> to vector<1024x64xf32>
    %get3A_8 = arith.constant 0 : index
    %get3A_9 = arith.constant 0 : index
    %get3A_10 = arith.constant 0 : index
    %get3A_11 = vector.load %arg2[%get3A_8, %get3A_9, %get3A_10] : memref<4x64x64xf32, #tpu.memory_space<vmem>>, vector<1x64x64xf32>
    %get3A_12 = vector.shape_cast %get3A_11 : vector<1x64x64xf32> to vector<64x64xf32>
    %dot_general3A = arith.constant dense<0.000000e+00> : vector<1024x64xf32>
    %dot_general3A_13 = tpu.matmul %get3A_7, %get3A_12, %dot_general3A {dimension_numbers = #tpu.dot_dimension_numbers<[1], [0], [0], [1], [0, 0, 1, 1], [], []>, transpose_lhs_hint = false} : vector<1024x64xf32>, vector<64x64xf32>, vector<1024x64xf32> -> vector<1024x64xf32>
    %add3A = arith.addf %broadcast_in_dim3A_2, %dot_general3A_13 : vector<1024x64xf32>
    %get3A_14 = arith.constant 1 : index
    %get3A_15 = arith.constant 0 : index
    %get3A_16 = arith.constant 0 : index
    %get3A_17 = vector.load %arg1[%get3A_14, %get3A_15, %get3A_16] : memref<4x1024x64xf32, #tpu.memory_space<vmem>>, vector<1x1024x64xf32>
    %get3A_18 = vector.shape_cast %get3A_17 : vector<1x1024x64xf32> to vector<1024x64xf32>
    %get3A_19 = arith.constant 1 : index
    %get3A_20 = arith.constant 0 : index
    %get3A_21 = arith.constant 0 : index
    %get3A_22 = vector.load %arg2[%get3A_19, %get3A_20, %get3A_21] : memref<4x64x64xf32, #tpu.memory_space<vmem>>, vector<1x64x64xf32>
    %get3A_23 = vector.shape_cast %get3A_22 : vector<1x64x64xf32> to vector<64x64xf32>
    %dot_general3A_24 = arith.constant dense<0.000000e+00> : vector<1024x64xf32>
    %dot_general3A_25 = tpu.matmul %get3A_18, %get3A_23, %dot_general3A_24 {dimension_numbers = #tpu.dot_dimension_numbers<[1], [0], [0], [1], [0, 0, 1, 1], [], []>, transpose_lhs_hint = false} : vector<1024x64xf32>, vector<64x64xf32>, vector<1024x64xf32> -> vector<1024x64xf32>
    %add3A_26 = arith.addf %add3A, %dot_general3A_25 : vector<1024x64xf32>
    %get3A_27 = arith.constant 2 : index
    %get3A_28 = arith.constant 0 : index
    %get3A_29 = arith.constant 0 : index
    %get3A_30 = vector.load %arg1[%get3A_27, %get3A_28, %get3A_29] : memref<4x1024x64xf32, #tpu.memory_space<vmem>>, vector<1x1024x64xf32>
    %get3A_31 = vector.shape_cast %get3A_30 : vector<1x1024x64xf32> to vector<1024x64xf32>
    %get3A_32 = arith.constant 2 : index
    %get3A_33 = arith.constant 0 : index
    %get3A_34 = arith.constant 0 : index
    %get3A_35 = vector.load %arg2[%get3A_32, %get3A_33, %get3A_34] : memref<4x64x64xf32, #tpu.memory_space<vmem>>, vector<1x64x64xf32>
    %get3A_36 = vector.shape_cast %get3A_35 : vector<1x64x64xf32> to vector<64x64xf32>
    %dot_general3A_37 = arith.constant dense<0.000000e+00> : vector<1024x64xf32>
    %dot_general3A_38 = tpu.matmul %get3A_31, %get3A_36, %dot_general3A_37 {dimension_numbers = #tpu.dot_dimension_numbers<[1], [0], [0], [1], [0, 0, 1, 1], [], []>, transpose_lhs_hint = false} : vector<1024x64xf32>, vector<64x64xf32>, vector<1024x64xf32> -> vector<1024x64xf32>
    %add3A_39 = arith.addf %add3A_26, %dot_general3A_38 : vector<1024x64xf32>
    %get3A_40 = arith.constant 3 : index
    %get3A_41 = arith.constant 0 : index
    %get3A_42 = arith.constant 0 : index
    %get3A_43 = vector.load %arg1[%get3A_40, %get3A_41, %get3A_42] : memref<4x1024x64xf32, #tpu.memory_space<vmem>>, vector<1x1024x64xf32>
    %get3A_44 = vector.shape_cast %get3A_43 : vector<1x1024x64xf32> to vector<1024x64xf32>
    %get3A_45 = arith.constant 3 : index
    %get3A_46 = arith.constant 0 : index
    %get3A_47 = arith.constant 0 : index
    %get3A_48 = vector.load %arg2[%get3A_45, %get3A_46, %get3A_47] : memref<4x64x64xf32, #tpu.memory_space<vmem>>, vector<1x64x64xf32>
    %get3A_49 = vector.shape_cast %get3A_48 : vector<1x64x64xf32> to vector<64x64xf32>
    %dot_general3A_50 = arith.constant dense<0.000000e+00> : vector<1024x64xf32>
    %dot_general3A_51 = tpu.matmul %get3A_44, %get3A_49, %dot_general3A_50 {dimension_numbers = #tpu.dot_dimension_numbers<[1], [0], [0], [1], [0, 0, 1, 1], [], []>, transpose_lhs_hint = false} : vector<1024x64xf32>, vector<64x64xf32>, vector<1024x64xf32> -> vector<1024x64xf32>
    %add3A_52 = arith.addf %add3A_39, %dot_general3A_51 : vector<1024x64xf32>
    %swap3A = arith.constant 0 : index
    %swap3A_53 = arith.constant 0 : index
    %swap3A_54 = vector.load %arg4[%swap3A, %swap3A_53] : memref<1024x64xf32, #tpu.memory_space<vmem>>, vector<1024x64xf32>
    tpu.vector_store %arg4[%swap3A, %swap3A_53], %add3A_52 {strides = array<i32>} : memref<1024x64xf32, #tpu.memory_space<vmem>>, vector<1024x64xf32>,
    return
  }
  func.func @transform_0(%arg0: i32) -> (i32, i32, i32) {
    %c0_i32 = arith.constant 0 : i32
    %c0_i32_0 = arith.constant 0 : i32
    %c0_i32_1 = arith.constant 0 : i32
    return %c0_i32, %arg0, %c0_i32_0 : i32, i32, i32
  }
  func.func @transform_1(%arg0: i32) -> (i32, i32, i32) {
    %c0_i32 = arith.constant 0 : i32
    %c0_i32_0 = arith.constant 0 : i32
    %c0_i32_1 = arith.constant 0 : i32
    %c0_i32_2 = arith.constant 0 : i32
    return %c0_i32, %c0_i32_0, %c0_i32_1 : i32, i32, i32
  }
  func.func @transform_2(%arg0: i32) -> (i32, i32) {
    %c0_i32 = arith.constant 0 : i32
    %c0_i32_0 = arith.constant 0 : i32
    %c0_i32_1 = arith.constant 0 : i32
    return %c0_i32, %c0_i32_0 : i32, i32
  }
  func.func @transform_3(%arg0: i32) -> (i32, i32) {
    %c0_i32 = arith.constant 0 : i32
    %c0_i32_0 = arith.constant 0 : i32
    return %arg0, %c0_i32 : i32, i32
  }
}

</mosaic_0001>

<sc_bundles>
// kernel: kernel.4.cloned.1.call-start
scs
__scs_entry_jumppad:
0x0: {  	(pc) =	sbr.rel $0x88, $3  }
0x1: {  	(tag) =	ssettag $0x0;
	lr =	simm.s32 $0x1  }
0x2: {  	[smem:$0x3F97] =	sst lr;
	_ =	strace $0xD0000000  }
0x3: {  	_ = 	snop  }
0x4: {  	_ = 	snop  }
0x5: {  	_ = 	snop  }
0x6: {  	_ = 	snop  }
0x7: {  	_ = 	snop  }
__scs_overlays_trampoline_lowered:
0x8: {  	[smem:$0x3FA6] =	sst s0  }
0x9: {  	[smem:$0x3FA7] =	sst s1  }
0xa: {  	[smem:$0x3FA8] =	sst s2  }
0xb: {  	[smem:$0x3FA9] =	sst s3  }
0xc: {  	[smem:$0x3FAA] =	sst s4  }
0xd: {  	[smem:$0x3FAB] =	sst s5  }
0xe: {  	[smem:$0x3FAC] =	sst s6  }
0xf: {  	[smem:$0x3FAD] =	sst s7  }
0x10: {  	[smem:$0x3FAE] =	sst s8  }
0x11: {  	[smem:$0x3FAF] =	sst s9;
	s0 =	simm.s32 @!p0 $0x0  }
0x12: {  	s1 =	sld [smem:$0x3F95];
	s0 =	simm.s32 @p0 $0x1  }
0x13: {  	[smem:$0x3FB0] =	sst s0;
	s0 =	simm.s32 @!p1 $0x0  }
0x14: {  	s2 =	sld [smem:$0x3F94];
	s0 =	simm.s32 @p1 $0x1  }
0x15: {  	[smem:$0x3FB1] =	sst s0;
	s0 =	simm.s32 @!p2 $0x0  }
0x16: {  	s3 =	sld [smem:$0x3FDB];
	s0 =	simm.s32 @p2 $0x1  }
0x17: {  	s4 =	simm.s32 $0x1BF5;
	[smem:$0x3FB3] =	sst s0  }
0x18: {  	s0 =	sld [smem:$0x3F96];
	_ =	swait.ge [sflag:s4], $0x0  }
0x19: {  	s7 =	sld [smem:$0x3F97]  }
0x1a: {  	s8 =	sadd.s32 $0xFFFFE003, lr  }
0x1b: {  	s9 =	sadd.s32 $0xFFFFFEF7, lr;
	s5 =	simm.s32 $0xFFFFFFFF;
	p2 =	slt.u32 s8, $0xFFFFF086  }
0x1c: {  	p1 =	slt.u32 s9, $0xF7A;
	s5 =	simm.s32 @!p2 $0x0  }
0x1d: {  	s5 =	simm.s32 @p1 $0x1;
	p0 =	seq.s32 s7, s2  }
0x1e: {  	s7 =	smul.u32 @!p0 $0xF7A, s2;
	p2 =	seq.s32 @!p0 s5, $0x0  }
0x1f: {  	s9 =	smul.u32 $0xF7A, s1;
	s8 =	simm.s32 @!p0 $0x1BF5;
	p2 =	por !p2, p0  }
0x20: {  	[sflag:s8] =	ssyncset.s32 @!p0 $0xFFFFF086;
	s6 =	sadd.s32 @!p0 s3, s7;
	s7 =	simm.s32 @!p0 $0x108  }
0x21: {  	s3 =	sadd.s32 s3, s9;
	s6 =	sadd.s32 @!p0 $0x88, s6;
	s7 =	simm.s32 @p2 $0x1082  }
0x22: {  	[simem:s7], [sflag:s8] =	dma.local @!p0 [hbm:s6], $0xF7A  }
0x23: {  	s9 =	sor.u32 $0xD0000000, s2;
	s6 =	simm.s32 $0x108;
	_ =	swait.ge @!p0 [sflag:s8], $0x0  }
0x24: {  	s3 =	sadd.s32 $0x88, s3;
	s6 =	simm.s32 @!p1 $0x1082;
	[sflag:s4] =	ssyncset.s32 $0xFFFFF086  }
0x25: {  	[simem:s6], [sflag:s4] =	dma.local [hbm:s3], $0xF7A  }
0x26: {  	[smem:$0x3F97] =	sst s1;
	(tag) =	ssettag s2;
	_ =	strace s9  }
0x27: {  	s1 =	sld [smem:$0x3FA7]  }
0x28: {  	s2 =	sld [smem:$0x3FA8]  }
0x29: {  	s4 =	sld [smem:$0x3FAA]  }
0x2a: {  	p0 =	seq.s32 s5, $0x0;
	s5 =	sld [smem:$0x3FAB]  }
0x2b: {  	s6 =	sld [smem:$0x3FAC]  }
0x2c: {  	s7 =	sld [smem:$0x3FAD]  }
0x2d: {  	s3 =	simm.s32 $0x108;
	s8 =	sld [smem:$0x3FAE]  }
0x2e: {  	s3 =	simm.s32 @!p0 $0x1082;
	s9 =	sld [smem:$0x3FAF]  }
0x2f: {  	lr =	sadd.s32 s0, s3;
	s0 =	sld [smem:$0x3FA6]  }
0x30: {  	s3 =	sld [smem:$0x3FA9]  }
0x31: {  	[smem:$0x3FB2] =	sst s10  }
0x32: {  	s10 =	sld [smem:$0x3FB0];
	_ =	sdelay $0x3  }
0x33: {  	p0 =	seq.s32 s10, $0x1;
	s10 =	sld [smem:$0x3FB2];
	_ =	sdelay $0x3  }
0x34: {  	[smem:$0x3FB2] =	sst s10  }
0x35: {  	s10 =	sld [smem:$0x3FB1];
	_ =	sdelay $0x3  }
0x36: {  	p1 =	seq.s32 s10, $0x1;
	s10 =	sld [smem:$0x3FB2];
	_ =	sdelay $0x3  }
0x37: {  	[smem:$0x3FB2] =	sst s10  }
0x38: {  	s10 =	sld [smem:$0x3FB3]  }
0x39: {  	_ = 	snop;
	(pc) =	sbr.ind lr, $3  }
0x3a: {  	_ = 	snop  }
0x3b: {  	_ = 	snop  }
0x3c: {  	p2 =	seq.s32 s10, $0x1;
	s10 =	sld [smem:$0x3FB2]  }
0x3d: {  	_ =	shalt  }
0x3e: {  	_ =	shalt  }
0x3f: {  	_ =	shalt  }
0x40: {  	_ =	shalt  }
0x41: {  	_ =	shalt  }
0x42: {  	_ =	shalt  }
0x43: {  	_ =	shalt  }
0x44: {  	_ =	shalt  }
0x45: {  	_ =	shalt  }
0x46: {  	_ =	shalt  }
0x47: {  	_ =	shalt  }
0x48: {  	_ =	shalt  }
0x49: {  	_ =	shalt  }
0x4a: {  	_ =	shalt  }
0x4b: {  	_ =	shalt  }
0x4c: {  	_ =	shalt  }
0x4d: {  	_ =	shalt  }
0x4e: {  	_ =	shalt  }
0x4f: {  	_ =	shalt  }
0x50: {  	_ =	shalt  }
0x51: {  	_ =	shalt  }
0x52: {  	_ =	shalt  }
0x53: {  	_ =	shalt  }
0x54: {  	_ =	shalt  }
0x55: {  	_ =	shalt  }
0x56: {  	_ =	shalt  }
0x57: {  	_ =	shalt  }
0x58: {  	_ =	shalt  }
0x59: {  	_ =	shalt  }
0x5a: {  	_ =	shalt  }
0x5b: {  	_ =	shalt  }
0x5c: {  	_ =	shalt  }
0x5d: {  	_ =	shalt  }
0x5e: {  	_ =	shalt  }
0x5f: {  	_ =	shalt  }
0x60: {  	_ =	shalt  }
0x61: {  	_ =	shalt  }
0x62: {  	_ =	shalt  }
0x63: {  	_ =	shalt  }
0x64: {  	_ =	shalt  }
0x65: {  	_ =	shalt  }
0x66: {  	_ =	shalt  }
0x67: {  	_ =	shalt  }
0x68: {  	_ =	shalt  }
0x69: {  	_ =	shalt  }
0x6a: {  	_ =	shalt  }
0x6b: {  	_ =	shalt  }
0x6c: {  	_ =	shalt  }
0x6d: {  	_ =	shalt  }
0x6e: {  	_ =	shalt  }
0x6f: {  	_ =	shalt  }
0x70: {  	_ =	shalt  }
0x71: {  	_ =	shalt  }
0x72: {  	_ =	shalt  }
0x73: {  	_ =	shalt  }
0x74: {  	_ =	shalt  }
0x75: {  	_ =	shalt  }
0x76: {  	_ =	shalt  }
0x77: {  	_ =	shalt  }
0x78: {  	_ =	shalt  }
0x79: {  	_ =	shalt  }
0x7a: {  	_ =	shalt  }
0x7b: {  	_ =	shalt  }
0x7c: {  	_ =	shalt  }
0x7d: {  	_ =	shalt  }
0x7e: {  	_ =	shalt  }
0x7f: {  	_ =	shalt  }
0x80: {  	_ =	shalt  }
0x81: {  	_ =	shalt  }
0x82: {  	_ =	shalt  }
0x83: {  	_ =	shalt  }
0x84: {  	_ =	shalt  }
0x85: {  	_ =	shalt  }
0x86: {  	_ =	shalt  }
0x87: {  	_ =	shalt  }
.Lfunc_end0:
.L_simem_size_0:
called_computation_lowered:
.L_overlay_start_0:
0x88: {  	s2 =	sld [smem:$0x3FD9]  }
0x89: {  	s3 =	sld [smem:$0x3FFE];
	_ =	sdelay $0x1  }
0x8a: {  	s1 =	srdreg.scid  }
0x8b: {  	s0 =	sand.u32 $0x1, s1  }
0x8c: {  	s17 =	sshll.u32 s0, $0xA;
	s2 =	sadd.s32 s3, s2  }
0x8d: {  	s2 =	sadd.s32 s2, s17  }
0x8e: {  	[smem:$0x3FBE] =	sst s2  }
0x8f: {  	_ = 	snop  }
0x90: {  	s2 =	sld [smem:$0x3FC9]  }
0x91: {  	s18 =	sld [smem:$0x3FC8]  }
0x92: {  	s4 =	sld [smem:$0x3FC7]  }
0x93: {  	s5 =	sld [smem:$0x3FC6]  }
0x94: {  	s6 =	sld [smem:$0x3FD0];
	(tm) =	ssettm $0x1  }
0x95: {  	s7 =	sld [smem:$0x3FFB];
	_ =	sdelay $0x3  }
0x96: {  	_ =	strace s7  }
0x97: {  	s7 =	sld [smem:$0x3FFC];
	_ =	sdelay $0x3  }
0x98: {  	_ =	strace s7  }
0x99: {  	s7 =	sld [smem:$0x3FFD];
	_ =	sdelay $0x3  }
0x9a: {  	_ =	strace s7  }
0x9b: {  	_ =	strace $0x8FFFFFFF  }
0x9c: {  	s19 =	sld [smem:$0x3FDB];
	_ =	sdelay $0x1  }
0x9d: {  	s8 =	simm.s32 $_scs_section_size  }
0x9e: {  	s9 =	simm.s32 $_size__tile_overlayer_lowered;
	s10 =	simm.s32 $_tile_overlayer_lowered  }
0x9f: {  	s22 =	simm.s32 $0x1BFF;
	s21 =	sshll.u32 s10, $0x1;
	s7 =	sadd.s32 s8, s19  }
0xa0: {  	s11 =	simm.s32 $0x0;
	s20 =	sshll.u32 s9, $0x1;
	s9 =	sadd.s32 s21, s7  }
0xa1: {  	[timem:s11], [sflag:s22] =	dma.local [hbm:s9], s20  }
0xa2: {  	_ =	swait.ge [sflag:s22], s20  }
0xa3: {  	s8 =	ssub.s32 $0x0, s20;
	[sflag:s22] =	ssyncset.done $0x0  }
0xa4: {  	[sflag:s22] =	ssyncadd.s32 s8;
	_ =	sdelay $0x1  }
0xa5: {  	s23 =	simm.s32 $0x1B8B  }
0xa6: {  	_ =	swait.ge [sflag:s23], $0x1  }
0xa7: {  	[sflag:s23] =	ssyncset.done $0x0  }
0xa8: {  	s25 =	simm.s32 $0x1B8E;
	s24 =	sld [smem:$0x3FFE];
	[sflag:s23] =	ssyncadd.s32 $0xFFFFFFFF  }
0xa9: {  	s26 =	simm.s32 $execute0_lowered;
	[smem:$0x3FD2] =	sst s25  }
0xaa: {  	s9 =	sshll.u32 s26, $0x1;
	_ =	strace $0x80000046;
	[dreg:$0x1] =	wrdreg $0xFFFFFFFF  }
0xab: {  	s28 =	simm.s32 $_size_execute0_lowered;
	s7 =	sadd.s32 s7, s9;
	[dreg:$0x0] =	wrdreg $0x0  }
0xac: {  	s9 =	sshll.u32 s28, $0x1;
	[dreg:$0x2] =	wrdreg s7  }
0xad: {  	[dreg:$0x3] =	wrdreg s9  }
0xae: {  	[dreg:$0x4] =	wrdreg $0xC0  }
0xaf: {  	_ =	task [dreg:s11], $0x5FFFF  }
0xb0: {  	[dreg:$0x1] =	wrdreg $0xFFFFFFFF  }
0xb1: {  	[dreg:$0x0] =	wrdreg $0x60  }
0xb2: {  	[dreg:$0x2] =	wrdreg s2  }
0xb3: {  	[dreg:$0x3] =	wrdreg s18  }
0xb4: {  	[dreg:$0x4] =	wrdreg s4  }
0xb5: {  	[dreg:$0x5] =	wrdreg s5  }
0xb6: {  	[dreg:$0x6] =	wrdreg s6  }
0xb7: {  	[dreg:$0x7] =	wrdreg s24  }
0xb8: {  	[dreg:$0x8] =	wrdreg $0x9  }
0xb9: {  	_ =	task.clear_ibuf [dreg:s11], $0x9FFFF;
	_ =	strace $0x90000046  }
0xba: {  	s29 =	simm.s32 $0x9;
	_ =	strace $0x80000048  }
0xbb: {  	_ =	swait.ge [sflag:s29], $0x1  }
0xbc: {  	[sflag:s29] =	ssyncadd.s32 $0xFFFFFFFF  }
0xbd: {  	_ =	strace $0x90000048  }
0xbe: {  	_ =	sfence  }
0xbf: {  	s30 =	sld [smem:$0x0];
	_ =	sdelay $0x2  }
0xc0: {  	s31 =	sshll.u32 s1, $0xD;
	s1 =	sshrl.u32 s1, $0x2  }
0xc1: {  	s3 =	sand.u32 $0x4000, s31;
	s1 =	sadd.s32 s1, s30  }
0xc2: {  	s0 =	sor.u32 s3, s0;
	s1 =	sshll.u32 s1, $0x11  }
0xc3: {  	s0 =	sor.u32 s1, s0  }
0xc4: {  	s0 =	sadd.s32 $0x8F2B, s0  }
0xc5: {  	[sflag:s0] =	ssyncadd.remote.s32 $0x1  }
0xc6: {  	_ =	sfence.sel $0xFFFF  }
0xc7: {  	[dreg:$0x0] =	wrdreg $0xFFFFFFFF;
	(pc) =	sbr.abs _section_cstart, $3  }
0xc8: {  	[dreg:$0x1] =	wrdreg $0xFFFFFFFF  }
0xc9: {  	_ =	task.clear_ibuf [dreg:s11], $0x2FFFF;
	_ =	strace $0x9FFFFFFF  }
0xca: {  	(tm) =	ssettm $0x7FFFFFFF  }
0xcb: {  	_ =	shalt  }
tec
execute0_lowered:
.L_overlay_start_1:
0x0: {  	(tag) =	ssettag $0x1  }
0x1: {  	s0 =	rddreg [dreg:$0x0]  }
0x2: {  	s9 =	rddreg [dreg:$0x1]  }
0x3: {  	s11 =	rddreg [dreg:$0x2]  }
0x4: {  	s13 =	rddreg [dreg:$0x3]  }
0x5: {  	s1 =	rddreg [dreg:$0x4]  }
0x6: {  	s7 =	rddreg [dreg:$0x5];
	s2 =	simm.s32 $0x0;
	s5 =	srdreg.scid  }
0x7: {  	s3 =	stileid.u32;
	s18 =	simm.s32 $0x200;
	s8 =	sand.u32 $0x1, s5  }
0x8: {  	s19 =	simm.s32 $0x0;
	s10 =	sshll.u32 s3, $0xA;
	s12 =	sshll.u32 s8, $0x9  }
0x9: {  	[smem:$0x7FF] =	sst s2;
	s4 =	sadd.s32 $0x10C9C00, s7;
	s10 =	sor.u32 s12, s10  }
0xa: {  	s5 =	sadd.s32 $0xF43200, s7;
	s6 =	sadd.s32 $0xE00, s7;
	s15 =	sshrl.u32 s10, $0x3  }
0xb: {  	_ =	strace $0x80000047;
	s8 =	ssub.s32 $0x2, s8;
	s0 =	sadd.s32 s0, s15  }
0xc: {  	s14 =	sshrl.u32 s8, $0x1;
	s26 =	sadd.s32 s9, s15;
	[dreg:$0x7] =	wrdreg s0  }
0xd: {  	s12 =	sshll.u32 s10, $0x4;
	s29 =	sadd.s32 s11, s15;
	[dreg:$0x9] =	wrdreg s26  }
0xe: {  	s16 =	sadd.s32 s12, s7;
	s31 =	sadd.s32 s13, s15;
	[dreg:$0xb] =	wrdreg s29  }
0xf: {  	s17 =	ssub.s32 s8, s14;
	s25 =	sadd.s32 $0x10CDC00, s16;
	[dreg:$0xd] =	wrdreg s31  }
0x10: {  	s15 =	smax.u32 s17, $0x1;
	s28 =	sadd.s32 $0x110DC00, s16;
	[dreg:$0x8] =	wrdreg s25  }
0x11: {  	s17 =	simm.s32 $0x1;
	s30 =	sadd.s32 $0x114DC00, s16;
	[dreg:$0xa] =	wrdreg s28  }
0x12: {  	s14 =	sadd.s32 $0x118DC00, s16;
	s16 =	simm.s32 $0x2;
	[dreg:$0xc] =	wrdreg s30  }
.LBB2_1:
0x13: {  	s0 =	rddreg [dreg:$0x7]  }
0x14: {  	[tilespmem:s2], [sflag:$0x2] =	stream.linear.gather [hbm4b:s0+s2], $0x200, $0x38;
	[tilespmem:$0x10200] =	vst v63  }
0x15: {  	_ =	swait.ge [sflag:s16], $0x200  }
0x16: {  	[sflag:s16] =	ssyncset.done $0x0  }
0x17: {  	[sflag:s16] =	ssyncadd.s32 $0xFFFFFE00  }
0x18: {  	v0 =	vld [tilespmem:s2+$0x0];
	_ =	sdelay $0x4  }
0x19: {  	v0 =	vshll.u32 v0, $0x4  }
0x1a: {  	(v2sf) =	vpush v0, $0x0  }
0x1b: {  	(v2sf) =	vpush v0, $0x1  }
0x1c: {  	(v2sf) =	vpush v0, $0x2;
	_ =	sdelay $0x1  }
0x1d: {  	(v2sf) =	vpush v0, $0x4;
	_ =	sdelay $0x1  }
0x1e: {  	(v2sf) =	vpush v0, $0x3  }
0x1f: {  	(v2sf) =	vpush v0, $0x5  }
0x20: {  	s21 =	simm.s32 $0x2000;
	s20 =	simm.s32 $0x0;
	s22 =	simm.s32 $0x0;
	(v2sf) =	vpush v0, $0x6  }
.LBB2_2:
0x21: {  	p0 =	sne.s32 s21, $0x3E000  }
0x22: {  	s3 =	sadd.s32 $0x280, s20;
	s26 =	sadd.s32 $0x780, s20;
	s23 =	smov.u32 s21  }
0x23: {  	s21 =	sadd.s32 $0x2000, s21;
	s30 =	sadd.s32 $0x580, s20;
	s24 =	sadd.s32 $0x800, s20;
	(v2sf) =	vpush v0, $0x7  }
0x24: {  	s0 =	sadd.s32 $0x480, s20;
	s29 =	sadd.s32 $0x600, s20;
	s25 =	sadd.s32 $0x880, s20  }
0x25: {  	s7 =	sadd.s32 $0x200, s20;
	s8 =	sadd.s32 $0x400, s20;
	(v2sf) =	vpush v0, $0x8  }
0x26: {  	s9 =	sadd.s32 $0x500, s20;
	s22 =	sadd.s32 $0x10, s22  }
0x27: {  	s10 =	sadd.s32 $0x300, s20;
	s28 =	sadd.s32 $0x700, s20;
	s31 =	spop (v2sf);
	(v2sf) =	vpush v0, $0x9  }
0x28: {  	s11 =	sand.u32 $0x1FFFFFF0, s31;
	s31 =	sadd.s32 $0x680, s20;
	s12 =	spop (v2sf)  }
0x29: {  	s11 =	sadd.s32 s1, s11;
	s12 =	sand.u32 $0x1FFFFFF0, s12;
	s13 =	spop (v2sf);
	(v2sf) =	vpush v0, $0xA  }
0x2a: {  	[tilespmem:s7], [sflag:$0x1] =	stream.linear.gather [hbm4b:s11+s2], $0x80, $0x38;
	[tilespmem:$0x10200] =	vst v63  }
0x2b: {  	s7 =	sadd.s32 s1, s12;
	s11 =	sadd.s32 $0x380, s20;
	s12 =	spop (v2sf);
	(v2sf) =	vpush v0, $0xB  }
0x2c: {  	[tilespmem:s3], [sflag:$0x1] =	stream.linear.gather [hbm4b:s7+s2], $0x80, $0x38;
	[tilespmem:$0x10200] =	vst v63  }
0x2d: {  	s3 =	sand.u32 $0x1FFFFFF0, s13;
	s7 =	sand.u32 $0x1FFFFFF0, s12;
	s12 =	spop (v2sf);
	(v2sf) =	vpush v0, $0xC  }
0x2e: {  	s3 =	sadd.s32 s1, s3;
	s12 =	sand.u32 $0x1FFFFFF0, s12;
	s13 =	spop (v2sf)  }
0x2f: {  	[tilespmem:s10], [sflag:$0x1] =	stream.linear.gather [hbm4b:s3+s2], $0x80, $0x38;
	(v2sf) =	vpush v0, $0xD;
	[tilespmem:$0x10200] =	vst v63  }
0x30: {  	s3 =	sadd.s32 s1, s12;
	s10 =	sand.u32 $0x1FFFFFF0, s13;
	s12 =	spop (v2sf)  }
0x31: {  	[tilespmem:s11], [sflag:$0x1] =	stream.linear.gather [hbm4b:s3+s2], $0x80, $0x38;
	(v2sf) =	vpush v0, $0xE;
	[tilespmem:$0x10200] =	vst v63  }
0x32: {  	s3 =	sadd.s32 s1, s7;
	s7 =	sand.u32 $0x1FFFFFF0, s12;
	s11 =	spop (v2sf)  }
0x33: {  	[tilespmem:s8], [sflag:$0x1] =	stream.linear.gather [hbm4b:s3+s2], $0x80, $0x38;
	(v2sf) =	vpush v0, $0xF;
	[tilespmem:$0x10200] =	vst v63  }
0x34: {  	s3 =	sadd.s32 s1, s10;
	s8 =	sand.u32 $0x1FFFFFF0, s11;
	s10 =	spop (v2sf)  }
0x35: {  	[tilespmem:s0], [sflag:$0x1] =	stream.linear.gather [hbm4b:s3+s2], $0x80, $0x38;
	[tilespmem:$0x10200] =	vst v63  }
0x36: {  	s0 =	sadd.s32 s1, s7;
	s3 =	sand.u32 $0x1FFFFFF0, s10;
	s7 =	spop (v2sf)  }
0x37: {  	[tilespmem:s9], [sflag:$0x1] =	stream.linear.gather [hbm4b:s0+s2], $0x80, $0x38;
	[tilespmem:$0x10200] =	vst v63  }
0x38: {  	s0 =	sadd.s32 s1, s8;
	s7 =	sand.u32 $0x1FFFFFF0, s7;
	s8 =	spop (v2sf)  }
0x39: {  	[tilespmem:s30], [sflag:$0x1] =	stream.linear.gather [hbm4b:s0+s2], $0x80, $0x38;
	[tilespmem:$0x10200] =	vst v63  }
0x3a: {  	s0 =	sadd.s32 s1, s3;
	s3 =	sand.u32 $0x1FFFFFF0, s8;
	s8 =	spop (v2sf)  }
0x3b: {  	[tilespmem:s29], [sflag:$0x1] =	stream.linear.gather [hbm4b:s0+s2], $0x80, $0x38;
	[tilespmem:$0x10200] =	vst v63  }
0x3c: {  	s0 =	sadd.s32 s1, s7;
	s7 =	sand.u32 $0x1FFFFFF0, s8;
	s8 =	spop (v2sf)  }
0x3d: {  	[tilespmem:s31], [sflag:$0x1] =	stream.linear.gather [hbm4b:s0+s2], $0x80, $0x38;
	[tilespmem:$0x10200] =	vst v63  }
0x3e: {  	s0 =	sadd.s32 s1, s3;
	s3 =	sand.u32 $0x1FFFFFF0, s8;
	s8 =	spop (v2sf)  }
0x3f: {  	[tilespmem:s28], [sflag:$0x1] =	stream.linear.gather [hbm4b:s0+s2], $0x80, $0x38;
	[tilespmem:$0x10200] =	vst v63  }
0x40: {  	s0 =	sadd.s32 s1, s7;
	s7 =	sand.u32 $0x1FFFFFF0, s8;
	s8 =	spop (v2sf)  }
0x41: {  	[tilespmem:s26], [sflag:$0x1] =	stream.linear.gather [hbm4b:s0+s2], $0x80, $0x38;
	[tilespmem:$0x10200] =	vst v63  }
0x42: {  	s0 =	sadd.s32 s1, s3;
	s3 =	sand.u32 $0x1FFFFFF0, s8;
	s8 =	spop (v2sf)  }
0x43: {  	[tilespmem:s24], [sflag:$0x1] =	stream.linear.gather [hbm4b:s0+s2], $0x80, $0x38;
	[tilespmem:$0x10200] =	vst v63  }
0x44: {  	s0 =	sadd.s32 s1, s7;
	s7 =	sand.u32 $0x1FFFFFF0, s8  }
0x45: {  	[tilespmem:s25], [sflag:$0x1] =	stream.linear.gather [hbm4b:s0+s2], $0x80, $0x38;
	[tilespmem:$0x10200] =	vst v63  }
0x46: {  	s3 =	sadd.s32 s1, s3;
	s0 =	sadd.s32 $0x900, s20  }
0x47: {  	[tilespmem:s0], [sflag:$0x1] =	stream.linear.gather [hbm4b:s3+s2], $0x80, $0x38;
	[tilespmem:$0x10200] =	vst v63  }
0x48: {  	s0 =	sadd.s32 $0x980, s20;
	s3 =	sadd.s32 s1, s7  }
0x49: {  	[tilespmem:s0], [sflag:$0x1] =	stream.linear.gather [hbm4b:s3+s2], $0x80, $0x38;
	[tilespmem:$0x10200] =	vst v63  }
0x4a: {  	v0 =	vld [tilespmem:s22+$0x0];
	_ =	sdelay $0x4  }
0x4b: {  	v0 =	vshll.u32 v0, $0x4  }
0x4c: {  	(v2sf) =	vpush v0, $0x0  }
0x4d: {  	(v2sf) =	vpush v0, $0x1  }
0x4e: {  	(v2sf) =	vpush v0, $0x2;
	_ =	sdelay $0x1  }
0x4f: {  	(v2sf) =	vpush v0, $0x4  }
.Ltmp0:
0x50: {  	(pc) =	sbr.rel @p0 .LBB2_2-.Ltmp0, $3  }
0x51: {  	(v2sf) =	vpush v0, $0x3  }
0x52: {  	(v2sf) =	vpush v0, $0x5;
	_ =	sdelay $0x1  }
0x53: {  	s20 =	sshra.s32 s23, $0x2;
	(v2sf) =	vpush v0, $0x6  }
0x54: {  	_ =	sdelay $0x1  }
0x55: {  	s0 =	sadd.s32 $0x280, s20;
	s23 =	sadd.s32 $0x780, s20  }
0x56: {  	s3 =	sadd.s32 $0x580, s20;
	s21 =	sadd.s32 $0x800, s20;
	(v2sf) =	vpush v0, $0x7;
	s7 =	sadd.s32 $0x480, s20  }
0x57: {  	s8 =	sadd.s32 $0x600, s20;
	s22 =	sadd.s32 $0x880, s20;
	s9 =	sadd.s32 $0x200, s20  }
0x58: {  	s10 =	sadd.s32 $0x400, s20;
	s11 =	sadd.s32 $0x500, s20;
	(v2sf) =	vpush v0, $0x8;
	s12 =	spop (v2sf)  }
0x59: {  	s13 =	sadd.s32 $0x300, s20;
	s12 =	sand.u32 $0x1FFFFFF0, s12;
	s24 =	spop (v2sf)  }
0x5a: {  	(v2sf) =	vpush v0, $0x9;
	s12 =	sadd.s32 s1, s12;
	s24 =	sand.u32 $0x1FFFFFF0, s24;
	s25 =	spop (v2sf)  }
0x5b: {  	[tilespmem:s9], [sflag:$0x1] =	stream.linear.gather [hbm4b:s12+s2], $0x80, $0x38;
	[tilespmem:$0x10200] =	vst v63  }
0x5c: {  	s26 =	sadd.s32 $0x380, s20;
	(v2sf) =	vpush v0, $0xA;
	s30 =	sadd.s32 s1, s24;
	s31 =	spop (v2sf)  }
0x5d: {  	[tilespmem:s0], [sflag:$0x1] =	stream.linear.gather [hbm4b:s30+s2], $0x80, $0x38;
	[tilespmem:$0x10200] =	vst v63  }
0x5e: {  	s9 =	sadd.s32 $0x700, s20;
	s28 =	sand.u32 $0x1FFFFFF0, s25;
	(v2sf) =	vpush v0, $0xB;
	s29 =	spop (v2sf)  }
0x5f: {  	s12 =	sadd.s32 s1, s28;
	s0 =	sadd.s32 $0x680, s20;
	s25 =	sand.u32 $0x1FFFFFF0, s29  }
0x60: {  	(v2sf) =	vpush v0, $0xC;
	[tilespmem:s13], [sflag:$0x1] =	stream.linear.gather [hbm4b:s12+s2], $0x80, $0x38;
	[tilespmem:$0x10200] =	vst v63  }
0x61: {  	s30 =	sand.u32 $0x1FFFFFF0, s31;
	s31 =	spop (v2sf);
	s28 =	sadd.s32 s1, s25  }
0x62: {  	(v2sf) =	vpush v0, $0xD;
	[tilespmem:s26], [sflag:$0x1] =	stream.linear.gather [hbm4b:s28+s2], $0x80, $0x38;
	[tilespmem:$0x10200] =	vst v63  }
0x63: {  	s12 =	sadd.s32 s1, s30;
	s13 =	sand.u32 $0x1FFFFFF0, s31;
	s29 =	spop (v2sf)  }
0x64: {  	(v2sf) =	vpush v0, $0xE;
	[tilespmem:s10], [sflag:$0x1] =	stream.linear.gather [hbm4b:s12+s2], $0x80, $0x38;
	[tilespmem:$0x10200] =	vst v63  }
0x65: {  	s13 =	sadd.s32 s1, s13;
	s30 =	sand.u32 $0x1FFFFFF0, s29;
	s31 =	spop (v2sf)  }
0x66: {  	(v2sf) =	vpush v0, $0xF;
	[tilespmem:s7], [sflag:$0x1] =	stream.linear.gather [hbm4b:s13+s2], $0x80, $0x38;
	[tilespmem:$0x10200] =	vst v63  }
0x67: {  	s24 =	sand.u32 $0x1FFFFFF0, s31;
	s25 =	spop (v2sf);
	s10 =	sadd.s32 s1, s30  }
0x68: {  	[tilespmem:s11], [sflag:$0x1] =	stream.linear.gather [hbm4b:s10+s2], $0x80, $0x38;
	[tilespmem:$0x10200] =	vst v63  }
0x69: {  	s26 =	sand.u32 $0x1FFFFFF0, s25;
	s7 =	sadd.s32 s1, s24;
	s28 =	spop (v2sf)  }
0x6a: {  	[tilespmem:s3], [sflag:$0x1] =	stream.linear.gather [hbm4b:s7+s2], $0x80, $0x38;
	[tilespmem:$0x10200] =	vst v63  }
0x6b: {  	s10 =	sadd.s32 s1, s26;
	s29 =	sand.u32 $0x1FFFFFF0, s28;
	s30 =	spop (v2sf)  }
0x6c: {  	[tilespmem:s8], [sflag:$0x1] =	stream.linear.gather [hbm4b:s10+s2], $0x80, $0x38;
	[tilespmem:$0x10200] =	vst v63  }
0x6d: {  	s7 =	sand.u32 $0x1FFFFFF0, s30;
	s3 =	sadd.s32 s1, s29;
	s31 =	spop (v2sf)  }
0x6e: {  	[tilespmem:s0], [sflag:$0x1] =	stream.linear.gather [hbm4b:s3+s2], $0x80, $0x38;
	[tilespmem:$0x10200] =	vst v63  }
0x6f: {  	s7 =	sadd.s32 s1, s7;
	s10 =	sand.u32 $0x1FFFFFF0, s31;
	s11 =	spop (v2sf)  }
0x70: {  	[tilespmem:s9], [sflag:$0x1] =	stream.linear.gather [hbm4b:s7+s2], $0x80, $0x38;
	[tilespmem:$0x10200] =	vst v63  }
0x71: {  	s0 =	sadd.s32 s1, s10;
	s3 =	sand.u32 $0x1FFFFFF0, s11;
	s12 =	spop (v2sf)  }
0x72: {  	[tilespmem:s23], [sflag:$0x1] =	stream.linear.gather [hbm4b:s0+s2], $0x80, $0x38;
	[tilespmem:$0x10200] =	vst v63  }
0x73: {  	s13 =	sand.u32 $0x1FFFFFF0, s12;
	s3 =	sadd.s32 s1, s3;
	s23 =	spop (v2sf)  }
0x74: {  	[tilespmem:s21], [sflag:$0x1] =	stream.linear.gather [hbm4b:s3+s2], $0x80, $0x38;
	[tilespmem:$0x10200] =	vst v63  }
0x75: {  	s0 =	sadd.s32 s1, s13;
	s24 =	sand.u32 $0x1FFFFFF0, s23;
	s25 =	spop (v2sf)  }
0x76: {  	[tilespmem:s22], [sflag:$0x1] =	stream.linear.gather [hbm4b:s0+s2], $0x80, $0x38;
	[tilespmem:$0x10200] =	vst v63  }
0x77: {  	s28 =	sadd.s32 $0x900, s20;
	s26 =	sand.u32 $0x1FFFFFF0, s25;
	s3 =	sadd.s32 s1, s24  }
0x78: {  	[tilespmem:s28], [sflag:$0x1] =	stream.linear.gather [hbm4b:s3+s2], $0x80, $0x38;
	[tilespmem:$0x10200] =	vst v63  }
0x79: {  	s29 =	sadd.s32 $0x980, s20;
	s0 =	sadd.s32 s1, s26  }
0x7a: {  	[tilespmem:s29], [sflag:$0x1] =	stream.linear.gather [hbm4b:s0+s2], $0x80, $0x38;
	[tilespmem:$0x10200] =	vst v63  }
0x7b: {  	_ =	swait.ge [sflag:s17], $0x10000  }
0x7c: {  	[sflag:s17] =	ssyncset.done $0x0  }
0x7d: {  	s21 =	simm.s32 $0x0;
	s30 =	rddreg [dreg:$0x8];
	[sflag:s17] =	ssyncadd.s32 $0xFFFF0000  }
0x7e: {  	[hbm4b:s30+s21] =	stream.linear.scatter [tilespmem:s18], [sflag:$0x2], $0x10000, $0x38;
	[tilespmem:$0x10200] =	vst v63  }
0x7f: {  	_ =	swait.ge [sflag:s16], $0x10000  }
0x80: {  	[sflag:s16] =	ssyncset.done $0x0  }
0x81: {  	s31 =	rddreg [dreg:$0x9];
	[sflag:s16] =	ssyncadd.s32 $0xFFFF0000  }
0x82: {  	[tilespmem:s21], [sflag:$0x2] =	stream.linear.gather [hbm4b:s31+s21], $0x200, $0x38;
	[tilespmem:$0x10200] =	vst v63  }
0x83: {  	_ =	swait.ge [sflag:s16], $0x200  }
0x84: {  	[sflag:s16] =	ssyncset.done $0x0  }
0x85: {  	[sflag:s16] =	ssyncadd.s32 $0xFFFFFE00  }
0x86: {  	v0 =	vld [tilespmem:s21+$0x0];
	_ =	sdelay $0x4  }
0x87: {  	v0 =	vshll.u32 v0, $0x4  }
0x88: {  	(v2sf) =	vpush v0, $0x0  }
0x89: {  	(v2sf) =	vpush v0, $0x1  }
0x8a: {  	(v2sf) =	vpush v0, $0x2;
	_ =	sdelay $0x1  }
0x8b: {  	(v2sf) =	vpush v0, $0x4;
	_ =	sdelay $0x1  }
0x8c: {  	(v2sf) =	vpush v0, $0x3  }
0x8d: {  	(v2sf) =	vpush v0, $0x5  }
0x8e: {  	s20 =	simm.s32 $0x0;
	s22 =	simm.s32 $0x2000;
	(v2sf) =	vpush v0, $0x6  }
.LBB2_4:
0x8f: {  	p0 =	sne.s32 s22, $0x3E000  }
0x90: {  	s3 =	sadd.s32 $0x280, s20;
	s26 =	sadd.s32 $0x780, s20;
	s23 =	smov.u32 s22  }
0x91: {  	s22 =	sadd.s32 $0x2000, s22;
	s30 =	sadd.s32 $0x580, s20;
	s24 =	sadd.s32 $0x800, s20;
	(v2sf) =	vpush v0, $0x7  }
0x92: {  	s0 =	sadd.s32 $0x480, s20;
	s29 =	sadd.s32 $0x600, s20;
	s25 =	sadd.s32 $0x880, s20  }
0x93: {  	s7 =	sadd.s32 $0x200, s20;
	s8 =	sadd.s32 $0x400, s20;
	(v2sf) =	vpush v0, $0x8  }
0x94: {  	s9 =	sadd.s32 $0x500, s20;
	s21 =	sadd.s32 $0x10, s21  }
0x95: {  	s10 =	sadd.s32 $0x300, s20;
	s28 =	sadd.s32 $0x700, s20;
	s11 =	spop (v2sf);
	(v2sf) =	vpush v0, $0x9  }
0x96: {  	s31 =	sadd.s32 $0x680, s20;
	s11 =	sand.u32 $0x1FFFFFF0, s11;
	s12 =	spop (v2sf)  }
0x97: {  	s11 =	sadd.s32 s4, s11;
	s12 =	sand.u32 $0x1FFFFFF0, s12;
	s13 =	spop (v2sf);
	(v2sf) =	vpush v0, $0xA  }
0x98: {  	[tilespmem:s7], [sflag:$0x1] =	stream.linear.gather [hbm4b:s11+s2], $0x80, $0x38;
	[tilespmem:$0x10200] =	vst v63  }
0x99: {  	s7 =	sadd.s32 s4, s12;
	s11 =	sadd.s32 $0x380, s20;
	s12 =	spop (v2sf);
	(v2sf) =	vpush v0, $0xB  }
0x9a: {  	[tilespmem:s3], [sflag:$0x1] =	stream.linear.gather [hbm4b:s7+s2], $0x80, $0x38;
	[tilespmem:$0x10200] =	vst v63  }
0x9b: {  	s3 =	sand.u32 $0x1FFFFFF0, s13;
	s7 =	sand.u32 $0x1FFFFFF0, s12;
	s12 =	spop (v2sf);
	(v2sf) =	vpush v0, $0xC  }
0x9c: {  	s3 =	sadd.s32 s4, s3;
	s12 =	sand.u32 $0x1FFFFFF0, s12;
	s13 =	spop (v2sf)  }
0x9d: {  	[tilespmem:s10], [sflag:$0x1] =	stream.linear.gather [hbm4b:s3+s2], $0x80, $0x38;
	(v2sf) =	vpush v0, $0xD;
	[tilespmem:$0x10200] =	vst v63  }
0x9e: {  	s3 =	sadd.s32 s4, s12;
	s10 =	sand.u32 $0x1FFFFFF0, s13;
	s12 =	spop (v2sf)  }
0x9f: {  	[tilespmem:s11], [sflag:$0x1] =	stream.linear.gather [hbm4b:s3+s2], $0x80, $0x38;
	(v2sf) =	vpush v0, $0xE;
	[tilespmem:$0x10200] =	vst v63  }
0xa0: {  	s3 =	sadd.s32 s4, s7;
	s7 =	sand.u32 $0x1FFFFFF0, s12;
	s11 =	spop (v2sf)  }
0xa1: {  	[tilespmem:s8], [sflag:$0x1] =	stream.linear.gather [hbm4b:s3+s2], $0x80, $0x38;
	(v2sf) =	vpush v0, $0xF;
	[tilespmem:$0x10200] =	vst v63  }
0xa2: {  	s3 =	sadd.s32 s4, s10;
	s8 =	sand.u32 $0x1FFFFFF0, s11;
	s10 =	spop (v2sf)  }
0xa3: {  	[tilespmem:s0], [sflag:$0x1] =	stream.linear.gather [hbm4b:s3+s2], $0x80, $0x38;
	[tilespmem:$0x10200] =	vst v63  }
0xa4: {  	s0 =	sadd.s32 s4, s7;
	s3 =	sand.u32 $0x1FFFFFF0, s10;
	s7 =	spop (v2sf)  }
0xa5: {  	[tilespmem:s9], [sflag:$0x1] =	stream.linear.gather [hbm4b:s0+s2], $0x80, $0x38;
	[tilespmem:$0x10200] =	vst v63  }
0xa6: {  	s0 =	sadd.s32 s4, s8;
	s7 =	sand.u32 $0x1FFFFFF0, s7;
	s8 =	spop (v2sf)  }
0xa7: {  	[tilespmem:s30], [sflag:$0x1] =	stream.linear.gather [hbm4b:s0+s2], $0x80, $0x38;
	[tilespmem:$0x10200] =	vst v63  }
0xa8: {  	s0 =	sadd.s32 s4, s3;
	s3 =	sand.u32 $0x1FFFFFF0, s8;
	s8 =	spop (v2sf)  }
0xa9: {  	[tilespmem:s29], [sflag:$0x1] =	stream.linear.gather [hbm4b:s0+s2], $0x80, $0x38;
	[tilespmem:$0x10200] =	vst v63  }
0xaa: {  	s0 =	sadd.s32 s4, s7;
	s7 =	sand.u32 $0x1FFFFFF0, s8;
	s8 =	spop (v2sf)  }
0xab: {  	[tilespmem:s31], [sflag:$0x1] =	stream.linear.gather [hbm4b:s0+s2], $0x80, $0x38;
	[tilespmem:$0x10200] =	vst v63  }
0xac: {  	s0 =	sadd.s32 s4, s3;
	s3 =	sand.u32 $0x1FFFFFF0, s8;
	s8 =	spop (v2sf)  }
0xad: {  	[tilespmem:s28], [sflag:$0x1] =	stream.linear.gather [hbm4b:s0+s2], $0x80, $0x38;
	[tilespmem:$0x10200] =	vst v63  }
0xae: {  	s0 =	sadd.s32 s4, s7;
	s7 =	sand.u32 $0x1FFFFFF0, s8;
	s8 =	spop (v2sf)  }
0xaf: {  	[tilespmem:s26], [sflag:$0x1] =	stream.linear.gather [hbm4b:s0+s2], $0x80, $0x38;
	[tilespmem:$0x10200] =	vst v63  }
0xb0: {  	s0 =	sadd.s32 s4, s3;
	s3 =	sand.u32 $0x1FFFFFF0, s8;
	s8 =	spop (v2sf)  }
0xb1: {  	[tilespmem:s24], [sflag:$0x1] =	stream.linear.gather [hbm4b:s0+s2], $0x80, $0x38;
	[tilespmem:$0x10200] =	vst v63  }
0xb2: {  	s0 =	sadd.s32 s4, s7;
	s7 =	sand.u32 $0x1FFFFFF0, s8  }
0xb3: {  	[tilespmem:s25], [sflag:$0x1] =	stream.linear.gather [hbm4b:s0+s2], $0x80, $0x38;
	[tilespmem:$0x10200] =	vst v63  }
0xb4: {  	s3 =	sadd.s32 s4, s3;
	s0 =	sadd.s32 $0x900, s20  }
0xb5: {  	[tilespmem:s0], [sflag:$0x1] =	stream.linear.gather [hbm4b:s3+s2], $0x80, $0x38;
	[tilespmem:$0x10200] =	vst v63  }
0xb6: {  	s0 =	sadd.s32 $0x980, s20;
	s3 =	sadd.s32 s4, s7  }
0xb7: {  	[tilespmem:s0], [sflag:$0x1] =	stream.linear.gather [hbm4b:s3+s2], $0x80, $0x38;
	[tilespmem:$0x10200] =	vst v63  }
0xb8: {  	v0 =	vld [tilespmem:s21+$0x0];
	_ =	sdelay $0x4  }
0xb9: {  	v0 =	vshll.u32 v0, $0x4  }
0xba: {  	(v2sf) =	vpush v0, $0x0  }
0xbb: {  	(v2sf) =	vpush v0, $0x1  }
0xbc: {  	(v2sf) =	vpush v0, $0x2;
	_ =	sdelay $0x1  }
0xbd: {  	(v2sf) =	vpush v0, $0x4  }
.Ltmp1:
0xbe: {  	(pc) =	sbr.rel @p0 .LBB2_4-.Ltmp1, $3  }
0xbf: {  	(v2sf) =	vpush v0, $0x3  }
0xc0: {  	(v2sf) =	vpush v0, $0x5;
	_ =	sdelay $0x1  }
0xc1: {  	s20 =	sshra.s32 s23, $0x2;
	(v2sf) =	vpush v0, $0x6  }
0xc2: {  	_ =	sdelay $0x1  }
0xc3: {  	s0 =	sadd.s32 $0x280, s20;
	s23 =	sadd.s32 $0x780, s20  }
0xc4: {  	s3 =	sadd.s32 $0x580, s20;
	s21 =	sadd.s32 $0x800, s20;
	(v2sf) =	vpush v0, $0x7;
	s7 =	sadd.s32 $0x480, s20  }
0xc5: {  	s8 =	sadd.s32 $0x600, s20;
	s22 =	sadd.s32 $0x880, s20;
	s9 =	sadd.s32 $0x200, s20  }
0xc6: {  	s10 =	sadd.s32 $0x400, s20;
	s11 =	sadd.s32 $0x500, s20;
	(v2sf) =	vpush v0, $0x8;
	s12 =	spop (v2sf)  }
0xc7: {  	s13 =	sadd.s32 $0x300, s20;
	s12 =	sand.u32 $0x1FFFFFF0, s12;
	s24 =	spop (v2sf)  }
0xc8: {  	(v2sf) =	vpush v0, $0x9;
	s12 =	sadd.s32 s4, s12;
	s24 =	sand.u32 $0x1FFFFFF0, s24;
	s25 =	spop (v2sf)  }
0xc9: {  	[tilespmem:s9], [sflag:$0x1] =	stream.linear.gather [hbm4b:s12+s2], $0x80, $0x38;
	[tilespmem:$0x10200] =	vst v63  }
0xca: {  	s26 =	sadd.s32 $0x380, s20;
	(v2sf) =	vpush v0, $0xA;
	s30 =	sadd.s32 s4, s24;
	s31 =	spop (v2sf)  }
0xcb: {  	[tilespmem:s0], [sflag:$0x1] =	stream.linear.gather [hbm4b:s30+s2], $0x80, $0x38;
	[tilespmem:$0x10200] =	vst v63  }
0xcc: {  	s9 =	sadd.s32 $0x700, s20;
	s28 =	sand.u32 $0x1FFFFFF0, s25;
	(v2sf) =	vpush v0, $0xB;
	s29 =	spop (v2sf)  }
0xcd: {  	s12 =	sadd.s32 s4, s28;
	s0 =	sadd.s32 $0x680, s20;
	s25 =	sand.u32 $0x1FFFFFF0, s29  }
0xce: {  	(v2sf) =	vpush v0, $0xC;
	[tilespmem:s13], [sflag:$0x1] =	stream.linear.gather [hbm4b:s12+s2], $0x80, $0x38;
	[tilespmem:$0x10200] =	vst v63  }
0xcf: {  	s30 =	sand.u32 $0x1FFFFFF0, s31;
	s31 =	spop (v2sf);
	s28 =	sadd.s32 s4, s25  }
0xd0: {  	(v2sf) =	vpush v0, $0xD;
	[tilespmem:s26], [sflag:$0x1] =	stream.linear.gather [hbm4b:s28+s2], $0x80, $0x38;
	[tilespmem:$0x10200] =	vst v63  }
0xd1: {  	s12 =	sadd.s32 s4, s30;
	s13 =	sand.u32 $0x1FFFFFF0, s31;
	s29 =	spop (v2sf)  }
0xd2: {  	(v2sf) =	vpush v0, $0xE;
	[tilespmem:s10], [sflag:$0x1] =	stream.linear.gather [hbm4b:s12+s2], $0x80, $0x38;
	[tilespmem:$0x10200] =	vst v63  }
0xd3: {  	s13 =	sadd.s32 s4, s13;
	s30 =	sand.u32 $0x1FFFFFF0, s29;
	s31 =	spop (v2sf)  }
0xd4: {  	(v2sf) =	vpush v0, $0xF;
	[tilespmem:s7], [sflag:$0x1] =	stream.linear.gather [hbm4b:s13+s2], $0x80, $0x38;
	[tilespmem:$0x10200] =	vst v63  }
0xd5: {  	s24 =	sand.u32 $0x1FFFFFF0, s31;
	s25 =	spop (v2sf);
	s10 =	sadd.s32 s4, s30  }
0xd6: {  	[tilespmem:s11], [sflag:$0x1] =	stream.linear.gather [hbm4b:s10+s2], $0x80, $0x38;
	[tilespmem:$0x10200] =	vst v63  }
0xd7: {  	s26 =	sand.u32 $0x1FFFFFF0, s25;
	s7 =	sadd.s32 s4, s24;
	s28 =	spop (v2sf)  }
0xd8: {  	[tilespmem:s3], [sflag:$0x1] =	stream.linear.gather [hbm4b:s7+s2], $0x80, $0x38;
	[tilespmem:$0x10200] =	vst v63  }
0xd9: {  	s10 =	sadd.s32 s4, s26;
	s29 =	sand.u32 $0x1FFFFFF0, s28;
	s30 =	spop (v2sf)  }
0xda: {  	[tilespmem:s8], [sflag:$0x1] =	stream.linear.gather [hbm4b:s10+s2], $0x80, $0x38;
	[tilespmem:$0x10200] =	vst v63  }
0xdb: {  	s7 =	sand.u32 $0x1FFFFFF0, s30;
	s3 =	sadd.s32 s4, s29;
	s31 =	spop (v2sf)  }
0xdc: {  	[tilespmem:s0], [sflag:$0x1] =	stream.linear.gather [hbm4b:s3+s2], $0x80, $0x38;
	[tilespmem:$0x10200] =	vst v63  }
0xdd: {  	s7 =	sadd.s32 s4, s7;
	s10 =	sand.u32 $0x1FFFFFF0, s31;
	s11 =	spop (v2sf)  }
0xde: {  	[tilespmem:s9], [sflag:$0x1] =	stream.linear.gather [hbm4b:s7+s2], $0x80, $0x38;
	[tilespmem:$0x10200] =	vst v63  }
0xdf: {  	s0 =	sadd.s32 s4, s10;
	s3 =	sand.u32 $0x1FFFFFF0, s11;
	s12 =	spop (v2sf)  }
0xe0: {  	[tilespmem:s23], [sflag:$0x1] =	stream.linear.gather [hbm4b:s0+s2], $0x80, $0x38;
	[tilespmem:$0x10200] =	vst v63  }
0xe1: {  	s13 =	sand.u32 $0x1FFFFFF0, s12;
	s3 =	sadd.s32 s4, s3;
	s23 =	spop (v2sf)  }
0xe2: {  	[tilespmem:s21], [sflag:$0x1] =	stream.linear.gather [hbm4b:s3+s2], $0x80, $0x38;
	[tilespmem:$0x10200] =	vst v63  }
0xe3: {  	s0 =	sadd.s32 s4, s13;
	s24 =	sand.u32 $0x1FFFFFF0, s23;
	s25 =	spop (v2sf)  }
0xe4: {  	[tilespmem:s22], [sflag:$0x1] =	stream.linear.gather [hbm4b:s0+s2], $0x80, $0x38;
	[tilespmem:$0x10200] =	vst v63  }
0xe5: {  	s28 =	sadd.s32 $0x900, s20;
	s26 =	sand.u32 $0x1FFFFFF0, s25;
	s3 =	sadd.s32 s4, s24  }
0xe6: {  	[tilespmem:s28], [sflag:$0x1] =	stream.linear.gather [hbm4b:s3+s2], $0x80, $0x38;
	[tilespmem:$0x10200] =	vst v63  }
0xe7: {  	s29 =	sadd.s32 $0x980, s20;
	s0 =	sadd.s32 s4, s26  }
0xe8: {  	[tilespmem:s29], [sflag:$0x1] =	stream.linear.gather [hbm4b:s0+s2], $0x80, $0x38;
	[tilespmem:$0x10200] =	vst v63  }
0xe9: {  	_ =	swait.ge [sflag:s17], $0x10000  }
0xea: {  	[sflag:s17] =	ssyncset.done $0x0  }
0xeb: {  	s21 =	simm.s32 $0x0;
	s30 =	rddreg [dreg:$0xa];
	[sflag:s17] =	ssyncadd.s32 $0xFFFF0000  }
0xec: {  	[hbm4b:s30+s21] =	stream.linear.scatter [tilespmem:s18], [sflag:$0x2], $0x10000, $0x38;
	[tilespmem:$0x10200] =	vst v63  }
0xed: {  	_ =	swait.ge [sflag:s16], $0x10000  }
0xee: {  	[sflag:s16] =	ssyncset.done $0x0  }
0xef: {  	s31 =	rddreg [dreg:$0xb];
	[sflag:s16] =	ssyncadd.s32 $0xFFFF0000  }
0xf0: {  	[tilespmem:s21], [sflag:$0x2] =	stream.linear.gather [hbm4b:s31+s21], $0x200, $0x38;
	[tilespmem:$0x10200] =	vst v63  }
0xf1: {  	_ =	swait.ge [sflag:s16], $0x200  }
0xf2: {  	[sflag:s16] =	ssyncset.done $0x0  }
0xf3: {  	[sflag:s16] =	ssyncadd.s32 $0xFFFFFE00  }
0xf4: {  	v0 =	vld [tilespmem:s21+$0x0];
	_ =	sdelay $0x4  }
0xf5: {  	v0 =	vshll.u32 v0, $0x4  }
0xf6: {  	(v2sf) =	vpush v0, $0x0  }
0xf7: {  	(v2sf) =	vpush v0, $0x1  }
0xf8: {  	(v2sf) =	vpush v0, $0x2;
	_ =	sdelay $0x1  }
0xf9: {  	(v2sf) =	vpush v0, $0x4;
	_ =	sdelay $0x1  }
0xfa: {  	(v2sf) =	vpush v0, $0x3  }
0xfb: {  	(v2sf) =	vpush v0, $0x5  }
0xfc: {  	s20 =	simm.s32 $0x0;
	s22 =	simm.s32 $0x2000;
	(v2sf) =	vpush v0, $0x6  }
.LBB2_6:
0xfd: {  	p0 =	sne.s32 s22, $0x3E000  }
0xfe: {  	s3 =	sadd.s32 $0x280, s20;
	s26 =	sadd.s32 $0x780, s20;
	s23 =	smov.u32 s22  }
0xff: {  	s22 =	sadd.s32 $0x2000, s22;
	s30 =	sadd.s32 $0x580, s20;
	s24 =	sadd.s32 $0x800, s20;
	(v2sf) =	vpush v0, $0x7  }
0x100: {  	s0 =	sadd.s32 $0x480, s20;
	s29 =	sadd.s32 $0x600, s20;
	s25 =	sadd.s32 $0x880, s20  }
0x101: {  	s7 =	sadd.s32 $0x200, s20;
	s8 =	sadd.s32 $0x400, s20;
	(v2sf) =	vpush v0, $0x8  }
0x102: {  	s9 =	sadd.s32 $0x500, s20;
	s21 =	sadd.s32 $0x10, s21  }
0x103: {  	s10 =	sadd.s32 $0x300, s20;
	s28 =	sadd.s32 $0x700, s20;
	s11 =	spop (v2sf);
	(v2sf) =	vpush v0, $0x9  }
0x104: {  	s31 =	sadd.s32 $0x680, s20;
	s11 =	sand.u32 $0x1FFFFFF0, s11;
	s12 =	spop (v2sf)  }
0x105: {  	s11 =	sadd.s32 s5, s11;
	s12 =	sand.u32 $0x1FFFFFF0, s12;
	s13 =	spop (v2sf);
	(v2sf) =	vpush v0, $0xA  }
0x106: {  	[tilespmem:s7], [sflag:$0x1] =	stream.linear.gather [hbm4b:s11+s2], $0x80, $0x38;
	[tilespmem:$0x10200] =	vst v63  }
0x107: {  	s7 =	sadd.s32 s5, s12;
	s11 =	sadd.s32 $0x380, s20;
	s12 =	spop (v2sf);
	(v2sf) =	vpush v0, $0xB  }
0x108: {  	[tilespmem:s3], [sflag:$0x1] =	stream.linear.gather [hbm4b:s7+s2], $0x80, $0x38;
	[tilespmem:$0x10200] =	vst v63  }
0x109: {  	s3 =	sand.u32 $0x1FFFFFF0, s13;
	s7 =	sand.u32 $0x1FFFFFF0, s12;
	s12 =	spop (v2sf);
	(v2sf) =	vpush v0, $0xC  }
0x10a: {  	s3 =	sadd.s32 s5, s3;
	s12 =	sand.u32 $0x1FFFFFF0, s12;
	s13 =	spop (v2sf)  }
0x10b: {  	[tilespmem:s10], [sflag:$0x1] =	stream.linear.gather [hbm4b:s3+s2], $0x80, $0x38;
	(v2sf) =	vpush v0, $0xD;
	[tilespmem:$0x10200] =	vst v63  }
0x10c: {  	s3 =	sadd.s32 s5, s12;
	s10 =	sand.u32 $0x1FFFFFF0, s13;
	s12 =	spop (v2sf)  }
0x10d: {  	[tilespmem:s11], [sflag:$0x1] =	stream.linear.gather [hbm4b:s3+s2], $0x80, $0x38;
	(v2sf) =	vpush v0, $0xE;
	[tilespmem:$0x10200] =	vst v63  }
0x10e: {  	s3 =	sadd.s32 s5, s7;
	s7 =	sand.u32 $0x1FFFFFF0, s12;
	s11 =	spop (v2sf)  }
0x10f: {  	[tilespmem:s8], [sflag:$0x1] =	stream.linear.gather [hbm4b:s3+s2], $0x80, $0x38;
	(v2sf) =	vpush v0, $0xF;
	[tilespmem:$0x10200] =	vst v63  }
0x110: {  	s3 =	sadd.s32 s5, s10;
	s8 =	sand.u32 $0x1FFFFFF0, s11;
	s10 =	spop (v2sf)  }
0x111: {  	[tilespmem:s0], [sflag:$0x1] =	stream.linear.gather [hbm4b:s3+s2], $0x80, $0x38;
	[tilespmem:$0x10200] =	vst v63  }
0x112: {  	s0 =	sadd.s32 s5, s7;
	s3 =	sand.u32 $0x1FFFFFF0, s10;
	s7 =	spop (v2sf)  }
0x113: {  	[tilespmem:s9], [sflag:$0x1] =	stream.linear.gather [hbm4b:s0+s2], $0x80, $0x38;
	[tilespmem:$0x10200] =	vst v63  }
0x114: {  	s0 =	sadd.s32 s5, s8;
	s7 =	sand.u32 $0x1FFFFFF0, s7;
	s8 =	spop (v2sf)  }
0x115: {  	[tilespmem:s30], [sflag:$0x1] =	stream.linear.gather [hbm4b:s0+s2], $0x80, $0x38;
	[tilespmem:$0x10200] =	vst v63  }
0x116: {  	s0 =	sadd.s32 s5, s3;
	s3 =	sand.u32 $0x1FFFFFF0, s8;
	s8 =	spop (v2sf)  }
0x117: {  	[tilespmem:s29], [sflag:$0x1] =	stream.linear.gather [hbm4b:s0+s2], $0x80, $0x38;
	[tilespmem:$0x10200] =	vst v63  }
0x118: {  	s0 =	sadd.s32 s5, s7;
	s7 =	sand.u32 $0x1FFFFFF0, s8;
	s8 =	spop (v2sf)  }
0x119: {  	[tilespmem:s31], [sflag:$0x1] =	stream.linear.gather [hbm4b:s0+s2], $0x80, $0x38;
	[tilespmem:$0x10200] =	vst v63  }
0x11a: {  	s0 =	sadd.s32 s5, s3;
	s3 =	sand.u32 $0x1FFFFFF0, s8;
	s8 =	spop (v2sf)  }
0x11b: {  	[tilespmem:s28], [sflag:$0x1] =	stream.linear.gather [hbm4b:s0+s2], $0x80, $0x38;
	[tilespmem:$0x10200] =	vst v63  }
0x11c: {  	s0 =	sadd.s32 s5, s7;
	s7 =	sand.u32 $0x1FFFFFF0, s8;
	s8 =	spop (v2sf)  }
0x11d: {  	[tilespmem:s26], [sflag:$0x1] =	stream.linear.gather [hbm4b:s0+s2], $0x80, $0x38;
	[tilespmem:$0x10200] =	vst v63  }
0x11e: {  	s0 =	sadd.s32 s5, s3;
	s3 =	sand.u32 $0x1FFFFFF0, s8;
	s8 =	spop (v2sf)  }
0x11f: {  	[tilespmem:s24], [sflag:$0x1] =	stream.linear.gather [hbm4b:s0+s2], $0x80, $0x38;
	[tilespmem:$0x10200] =	vst v63  }
0x120: {  	s0 =	sadd.s32 s5, s7;
	s7 =	sand.u32 $0x1FFFFFF0, s8  }
0x121: {  	[tilespmem:s25], [sflag:$0x1] =	stream.linear.gather [hbm4b:s0+s2], $0x80, $0x38;
	[tilespmem:$0x10200] =	vst v63  }
0x122: {  	s3 =	sadd.s32 s5, s3;
	s0 =	sadd.s32 $0x900, s20  }
0x123: {  	[tilespmem:s0], [sflag:$0x1] =	stream.linear.gather [hbm4b:s3+s2], $0x80, $0x38;
	[tilespmem:$0x10200] =	vst v63  }
0x124: {  	s0 =	sadd.s32 $0x980, s20;
	s3 =	sadd.s32 s5, s7  }
0x125: {  	[tilespmem:s0], [sflag:$0x1] =	stream.linear.gather [hbm4b:s3+s2], $0x80, $0x38;
	[tilespmem:$0x10200] =	vst v63  }
0x126: {  	v0 =	vld [tilespmem:s21+$0x0];
	_ =	sdelay $0x4  }
0x127: {  	v0 =	vshll.u32 v0, $0x4  }
0x128: {  	(v2sf) =	vpush v0, $0x0  }
0x129: {  	(v2sf) =	vpush v0, $0x1  }
0x12a: {  	(v2sf) =	vpush v0, $0x2;
	_ =	sdelay $0x1  }
0x12b: {  	(v2sf) =	vpush v0, $0x4  }
.Ltmp2:
0x12c: {  	(pc) =	sbr.rel @p0 .LBB2_6-.Ltmp2, $3  }
0x12d: {  	(v2sf) =	vpush v0, $0x3  }
0x12e: {  	(v2sf) =	vpush v0, $0x5;
	_ =	sdelay $0x1  }
0x12f: {  	s20 =	sshra.s32 s23, $0x2;
	(v2sf) =	vpush v0, $0x6  }
0x130: {  	_ =	sdelay $0x1  }
0x131: {  	s0 =	sadd.s32 $0x280, s20;
	s23 =	sadd.s32 $0x780, s20  }
0x132: {  	s3 =	sadd.s32 $0x580, s20;
	s21 =	sadd.s32 $0x800, s20;
	(v2sf) =	vpush v0, $0x7;
	s7 =	sadd.s32 $0x480, s20  }
0x133: {  	s8 =	sadd.s32 $0x600, s20;
	s22 =	sadd.s32 $0x880, s20;
	s9 =	sadd.s32 $0x200, s20  }
0x134: {  	s10 =	sadd.s32 $0x400, s20;
	s11 =	sadd.s32 $0x500, s20;
	(v2sf) =	vpush v0, $0x8;
	s12 =	spop (v2sf)  }
0x135: {  	s13 =	sadd.s32 $0x300, s20;
	s12 =	sand.u32 $0x1FFFFFF0, s12;
	s24 =	spop (v2sf)  }
0x136: {  	(v2sf) =	vpush v0, $0x9;
	s12 =	sadd.s32 s5, s12;
	s24 =	sand.u32 $0x1FFFFFF0, s24;
	s25 =	spop (v2sf)  }
0x137: {  	[tilespmem:s9], [sflag:$0x1] =	stream.linear.gather [hbm4b:s12+s2], $0x80, $0x38;
	[tilespmem:$0x10200] =	vst v63  }
0x138: {  	s26 =	sadd.s32 $0x380, s20;
	(v2sf) =	vpush v0, $0xA;
	s30 =	sadd.s32 s5, s24;
	s31 =	spop (v2sf)  }
0x139: {  	[tilespmem:s0], [sflag:$0x1] =	stream.linear.gather [hbm4b:s30+s2], $0x80, $0x38;
	[tilespmem:$0x10200] =	vst v63  }
0x13a: {  	s9 =	sadd.s32 $0x700, s20;
	s28 =	sand.u32 $0x1FFFFFF0, s25;
	(v2sf) =	vpush v0, $0xB;
	s29 =	spop (v2sf)  }
0x13b: {  	s12 =	sadd.s32 s5, s28;
	s0 =	sadd.s32 $0x680, s20;
	s25 =	sand.u32 $0x1FFFFFF0, s29  }
0x13c: {  	(v2sf) =	vpush v0, $0xC;
	[tilespmem:s13], [sflag:$0x1] =	stream.linear.gather [hbm4b:s12+s2], $0x80, $0x38;
	[tilespmem:$0x10200] =	vst v63  }
0x13d: {  	s30 =	sand.u32 $0x1FFFFFF0, s31;
	s31 =	spop (v2sf);
	s28 =	sadd.s32 s5, s25  }
0x13e: {  	(v2sf) =	vpush v0, $0xD;
	[tilespmem:s26], [sflag:$0x1] =	stream.linear.gather [hbm4b:s28+s2], $0x80, $0x38;
	[tilespmem:$0x10200] =	vst v63  }
0x13f: {  	s12 =	sadd.s32 s5, s30;
	s13 =	sand.u32 $0x1FFFFFF0, s31;
	s29 =	spop (v2sf)  }
0x140: {  	(v2sf) =	vpush v0, $0xE;
	[tilespmem:s10], [sflag:$0x1] =	stream.linear.gather [hbm4b:s12+s2], $0x80, $0x38;
	[tilespmem:$0x10200] =	vst v63  }
0x141: {  	s13 =	sadd.s32 s5, s13;
	s30 =	sand.u32 $0x1FFFFFF0, s29;
	s31 =	spop (v2sf)  }
0x142: {  	(v2sf) =	vpush v0, $0xF;
	[tilespmem:s7], [sflag:$0x1] =	stream.linear.gather [hbm4b:s13+s2], $0x80, $0x38;
	[tilespmem:$0x10200] =	vst v63  }
0x143: {  	s24 =	sand.u32 $0x1FFFFFF0, s31;
	s25 =	spop (v2sf);
	s10 =	sadd.s32 s5, s30  }
0x144: {  	[tilespmem:s11], [sflag:$0x1] =	stream.linear.gather [hbm4b:s10+s2], $0x80, $0x38;
	[tilespmem:$0x10200] =	vst v63  }
0x145: {  	s26 =	sand.u32 $0x1FFFFFF0, s25;
	s7 =	sadd.s32 s5, s24;
	s28 =	spop (v2sf)  }
0x146: {  	[tilespmem:s3], [sflag:$0x1] =	stream.linear.gather [hbm4b:s7+s2], $0x80, $0x38;
	[tilespmem:$0x10200] =	vst v63  }
0x147: {  	s10 =	sadd.s32 s5, s26;
	s29 =	sand.u32 $0x1FFFFFF0, s28;
	s30 =	spop (v2sf)  }
0x148: {  	[tilespmem:s8], [sflag:$0x1] =	stream.linear.gather [hbm4b:s10+s2], $0x80, $0x38;
	[tilespmem:$0x10200] =	vst v63  }
0x149: {  	s7 =	sand.u32 $0x1FFFFFF0, s30;
	s3 =	sadd.s32 s5, s29;
	s31 =	spop (v2sf)  }
0x14a: {  	[tilespmem:s0], [sflag:$0x1] =	stream.linear.gather [hbm4b:s3+s2], $0x80, $0x38;
	[tilespmem:$0x10200] =	vst v63  }
0x14b: {  	s7 =	sadd.s32 s5, s7;
	s10 =	sand.u32 $0x1FFFFFF0, s31;
	s11 =	spop (v2sf)  }
0x14c: {  	[tilespmem:s9], [sflag:$0x1] =	stream.linear.gather [hbm4b:s7+s2], $0x80, $0x38;
	[tilespmem:$0x10200] =	vst v63  }
0x14d: {  	s0 =	sadd.s32 s5, s10;
	s3 =	sand.u32 $0x1FFFFFF0, s11;
	s12 =	spop (v2sf)  }
0x14e: {  	[tilespmem:s23], [sflag:$0x1] =	stream.linear.gather [hbm4b:s0+s2], $0x80, $0x38;
	[tilespmem:$0x10200] =	vst v63  }
0x14f: {  	s13 =	sand.u32 $0x1FFFFFF0, s12;
	s3 =	sadd.s32 s5, s3;
	s23 =	spop (v2sf)  }
0x150: {  	[tilespmem:s21], [sflag:$0x1] =	stream.linear.gather [hbm4b:s3+s2], $0x80, $0x38;
	[tilespmem:$0x10200] =	vst v63  }
0x151: {  	s0 =	sadd.s32 s5, s13;
	s24 =	sand.u32 $0x1FFFFFF0, s23;
	s25 =	spop (v2sf)  }
0x152: {  	[tilespmem:s22], [sflag:$0x1] =	stream.linear.gather [hbm4b:s0+s2], $0x80, $0x38;
	[tilespmem:$0x10200] =	vst v63  }
0x153: {  	s28 =	sadd.s32 $0x900, s20;
	s26 =	sand.u32 $0x1FFFFFF0, s25;
	s3 =	sadd.s32 s5, s24  }
0x154: {  	[tilespmem:s28], [sflag:$0x1] =	stream.linear.gather [hbm4b:s3+s2], $0x80, $0x38;
	[tilespmem:$0x10200] =	vst v63  }
0x155: {  	s29 =	sadd.s32 $0x980, s20;
	s0 =	sadd.s32 s5, s26  }
0x156: {  	[tilespmem:s29], [sflag:$0x1] =	stream.linear.gather [hbm4b:s0+s2], $0x80, $0x38;
	[tilespmem:$0x10200] =	vst v63  }
0x157: {  	_ =	swait.ge [sflag:s17], $0x10000  }
0x158: {  	[sflag:s17] =	ssyncset.done $0x0  }
0x159: {  	s21 =	simm.s32 $0x0;
	s30 =	rddreg [dreg:$0xc];
	[sflag:s17] =	ssyncadd.s32 $0xFFFF0000  }
0x15a: {  	[hbm4b:s30+s21] =	stream.linear.scatter [tilespmem:s18], [sflag:$0x2], $0x10000, $0x38;
	[tilespmem:$0x10200] =	vst v63  }
0x15b: {  	_ =	swait.ge [sflag:s16], $0x10000  }
0x15c: {  	[sflag:s16] =	ssyncset.done $0x0  }
0x15d: {  	s31 =	rddreg [dreg:$0xd];
	[sflag:s16] =	ssyncadd.s32 $0xFFFF0000  }
0x15e: {  	[tilespmem:s21], [sflag:$0x2] =	stream.linear.gather [hbm4b:s31+s21], $0x200, $0x38;
	[tilespmem:$0x10200] =	vst v63  }
0x15f: {  	_ =	swait.ge [sflag:s16], $0x200  }
0x160: {  	[sflag:s16] =	ssyncset.done $0x0  }
0x161: {  	[sflag:s16] =	ssyncadd.s32 $0xFFFFFE00  }
0x162: {  	v0 =	vld [tilespmem:s21+$0x0];
	_ =	sdelay $0x4  }
0x163: {  	v0 =	vshll.u32 v0, $0x4  }
0x164: {  	(v2sf) =	vpush v0, $0x0  }
0x165: {  	(v2sf) =	vpush v0, $0x1  }
0x166: {  	(v2sf) =	vpush v0, $0x2;
	_ =	sdelay $0x1  }
0x167: {  	(v2sf) =	vpush v0, $0x4;
	_ =	sdelay $0x1  }
0x168: {  	(v2sf) =	vpush v0, $0x3  }
0x169: {  	(v2sf) =	vpush v0, $0x5  }
0x16a: {  	s20 =	simm.s32 $0x0;
	s22 =	simm.s32 $0x2000;
	(v2sf) =	vpush v0, $0x6  }
.LBB2_8:
0x16b: {  	p0 =	sne.s32 s22, $0x3E000  }
0x16c: {  	s3 =	sadd.s32 $0x280, s20;
	s26 =	sadd.s32 $0x780, s20;
	s23 =	smov.u32 s22  }
0x16d: {  	s22 =	sadd.s32 $0x2000, s22;
	s30 =	sadd.s32 $0x580, s20;
	s24 =	sadd.s32 $0x800, s20;
	(v2sf) =	vpush v0, $0x7  }
0x16e: {  	s0 =	sadd.s32 $0x480, s20;
	s29 =	sadd.s32 $0x600, s20;
	s25 =	sadd.s32 $0x880, s20  }
0x16f: {  	s7 =	sadd.s32 $0x200, s20;
	s8 =	sadd.s32 $0x400, s20;
	(v2sf) =	vpush v0, $0x8  }
0x170: {  	s9 =	sadd.s32 $0x500, s20;
	s21 =	sadd.s32 $0x10, s21  }
0x171: {  	s10 =	sadd.s32 $0x300, s20;
	s28 =	sadd.s32 $0x700, s20;
	s11 =	spop (v2sf);
	(v2sf) =	vpush v0, $0x9  }
0x172: {  	s31 =	sadd.s32 $0x680, s20;
	s11 =	sand.u32 $0x1FFFFFF0, s11;
	s12 =	spop (v2sf)  }
0x173: {  	s11 =	sadd.s32 s6, s11;
	s12 =	sand.u32 $0x1FFFFFF0, s12;
	s13 =	spop (v2sf);
	(v2sf) =	vpush v0, $0xA  }
0x174: {  	[tilespmem:s7], [sflag:$0x1] =	stream.linear.gather [hbm4b:s11+s2], $0x80, $0x38;
	[tilespmem:$0x10200] =	vst v63  }
0x175: {  	s7 =	sadd.s32 s6, s12;
	s11 =	sadd.s32 $0x380, s20;
	s12 =	spop (v2sf);
	(v2sf) =	vpush v0, $0xB  }
0x176: {  	[tilespmem:s3], [sflag:$0x1] =	stream.linear.gather [hbm4b:s7+s2], $0x80, $0x38;
	[tilespmem:$0x10200] =	vst v63  }
0x177: {  	s3 =	sand.u32 $0x1FFFFFF0, s13;
	s7 =	sand.u32 $0x1FFFFFF0, s12;
	s12 =	spop (v2sf);
	(v2sf) =	vpush v0, $0xC  }
0x178: {  	s3 =	sadd.s32 s6, s3;
	s12 =	sand.u32 $0x1FFFFFF0, s12;
	s13 =	spop (v2sf)  }
0x179: {  	[tilespmem:s10], [sflag:$0x1] =	stream.linear.gather [hbm4b:s3+s2], $0x80, $0x38;
	(v2sf) =	vpush v0, $0xD;
	[tilespmem:$0x10200] =	vst v63  }
0x17a: {  	s3 =	sadd.s32 s6, s12;
	s10 =	sand.u32 $0x1FFFFFF0, s13;
	s12 =	spop (v2sf)  }
0x17b: {  	[tilespmem:s11], [sflag:$0x1] =	stream.linear.gather [hbm4b:s3+s2], $0x80, $0x38;
	(v2sf) =	vpush v0, $0xE;
	[tilespmem:$0x10200] =	vst v63  }
0x17c: {  	s3 =	sadd.s32 s6, s7;
	s7 =	sand.u32 $0x1FFFFFF0, s12;
	s11 =	spop (v2sf)  }
0x17d: {  	[tilespmem:s8], [sflag:$0x1] =	stream.linear.gather [hbm4b:s3+s2], $0x80, $0x38;
	(v2sf) =	vpush v0, $0xF;
	[tilespmem:$0x10200] =	vst v63  }
0x17e: {  	s3 =	sadd.s32 s6, s10;
	s8 =	sand.u32 $0x1FFFFFF0, s11;
	s10 =	spop (v2sf)  }
0x17f: {  	[tilespmem:s0], [sflag:$0x1] =	stream.linear.gather [hbm4b:s3+s2], $0x80, $0x38;
	[tilespmem:$0x10200] =	vst v63  }
0x180: {  	s0 =	sadd.s32 s6, s7;
	s3 =	sand.u32 $0x1FFFFFF0, s10;
	s7 =	spop (v2sf)  }
0x181: {  	[tilespmem:s9], [sflag:$0x1] =	stream.linear.gather [hbm4b:s0+s2], $0x80, $0x38;
	[tilespmem:$0x10200] =	vst v63  }
0x182: {  	s0 =	sadd.s32 s6, s8;
	s7 =	sand.u32 $0x1FFFFFF0, s7;
	s8 =	spop (v2sf)  }
0x183: {  	[tilespmem:s30], [sflag:$0x1] =	stream.linear.gather [hbm4b:s0+s2], $0x80, $0x38;
	[tilespmem:$0x10200] =	vst v63  }
0x184: {  	s0 =	sadd.s32 s6, s3;
	s3 =	sand.u32 $0x1FFFFFF0, s8;
	s8 =	spop (v2sf)  }
0x185: {  	[tilespmem:s29], [sflag:$0x1] =	stream.linear.gather [hbm4b:s0+s2], $0x80, $0x38;
	[tilespmem:$0x10200] =	vst v63  }
0x186: {  	s0 =	sadd.s32 s6, s7;
	s7 =	sand.u32 $0x1FFFFFF0, s8;
	s8 =	spop (v2sf)  }
0x187: {  	[tilespmem:s31], [sflag:$0x1] =	stream.linear.gather [hbm4b:s0+s2], $0x80, $0x38;
	[tilespmem:$0x10200] =	vst v63  }
0x188: {  	s0 =	sadd.s32 s6, s3;
	s3 =	sand.u32 $0x1FFFFFF0, s8;
	s8 =	spop (v2sf)  }
0x189: {  	[tilespmem:s28], [sflag:$0x1] =	stream.linear.gather [hbm4b:s0+s2], $0x80, $0x38;
	[tilespmem:$0x10200] =	vst v63  }
0x18a: {  	s0 =	sadd.s32 s6, s7;
	s7 =	sand.u32 $0x1FFFFFF0, s8;
	s8 =	spop (v2sf)  }
0x18b: {  	[tilespmem:s26], [sflag:$0x1] =	stream.linear.gather [hbm4b:s0+s2], $0x80, $0x38;
	[tilespmem:$0x10200] =	vst v63  }
0x18c: {  	s0 =	sadd.s32 s6, s3;
	s3 =	sand.u32 $0x1FFFFFF0, s8;
	s8 =	spop (v2sf)  }
0x18d: {  	[tilespmem:s24], [sflag:$0x1] =	stream.linear.gather [hbm4b:s0+s2], $0x80, $0x38;
	[tilespmem:$0x10200] =	vst v63  }
0x18e: {  	s0 =	sadd.s32 s6, s7;
	s7 =	sand.u32 $0x1FFFFFF0, s8  }
0x18f: {  	[tilespmem:s25], [sflag:$0x1] =	stream.linear.gather [hbm4b:s0+s2], $0x80, $0x38;
	[tilespmem:$0x10200] =	vst v63  }
0x190: {  	s3 =	sadd.s32 s6, s3;
	s0 =	sadd.s32 $0x900, s20  }
0x191: {  	[tilespmem:s0], [sflag:$0x1] =	stream.linear.gather [hbm4b:s3+s2], $0x80, $0x38;
	[tilespmem:$0x10200] =	vst v63  }
0x192: {  	s0 =	sadd.s32 $0x980, s20;
	s3 =	sadd.s32 s6, s7  }
0x193: {  	[tilespmem:s0], [sflag:$0x1] =	stream.linear.gather [hbm4b:s3+s2], $0x80, $0x38;
	[tilespmem:$0x10200] =	vst v63  }
0x194: {  	v0 =	vld [tilespmem:s21+$0x0];
	_ =	sdelay $0x4  }
0x195: {  	v0 =	vshll.u32 v0, $0x4  }
0x196: {  	(v2sf) =	vpush v0, $0x0  }
0x197: {  	(v2sf) =	vpush v0, $0x1  }
0x198: {  	(v2sf) =	vpush v0, $0x2;
	_ =	sdelay $0x1  }
0x199: {  	(v2sf) =	vpush v0, $0x4  }
.Ltmp3:
0x19a: {  	(pc) =	sbr.rel @p0 .LBB2_8-.Ltmp3, $3  }
0x19b: {  	(v2sf) =	vpush v0, $0x3  }
0x19c: {  	(v2sf) =	vpush v0, $0x5;
	_ =	sdelay $0x1  }
0x19d: {  	s20 =	sshra.s32 s23, $0x2;
	(v2sf) =	vpush v0, $0x6  }
0x19e: {  	_ =	sdelay $0x1  }
0x19f: {  	s0 =	sadd.s32 $0x280, s20;
	s23 =	sadd.s32 $0x780, s20  }
0x1a0: {  	s3 =	sadd.s32 $0x580, s20;
	s21 =	sadd.s32 $0x800, s20;
	(v2sf) =	vpush v0, $0x7;
	s7 =	sadd.s32 $0x480, s20  }
0x1a1: {  	s8 =	sadd.s32 $0x600, s20;
	s22 =	sadd.s32 $0x880, s20;
	s9 =	sadd.s32 $0x200, s20  }
0x1a2: {  	s10 =	sadd.s32 $0x400, s20;
	s11 =	sadd.s32 $0x500, s20;
	(v2sf) =	vpush v0, $0x8;
	s12 =	spop (v2sf)  }
0x1a3: {  	s13 =	sadd.s32 $0x300, s20;
	s12 =	sand.u32 $0x1FFFFFF0, s12;
	s24 =	spop (v2sf)  }
0x1a4: {  	(v2sf) =	vpush v0, $0x9;
	s12 =	sadd.s32 s6, s12;
	s24 =	sand.u32 $0x1FFFFFF0, s24;
	s25 =	spop (v2sf)  }
0x1a5: {  	[tilespmem:s9], [sflag:$0x1] =	stream.linear.gather [hbm4b:s12+s2], $0x80, $0x38;
	[tilespmem:$0x10200] =	vst v63  }
0x1a6: {  	(v2sf) =	vpush v0, $0xA;
	s26 =	sadd.s32 s6, s24;
	s29 =	sand.u32 $0x1FFFFFF0, s25;
	s28 =	spop (v2sf)  }
0x1a7: {  	[tilespmem:s0], [sflag:$0x1] =	stream.linear.gather [hbm4b:s26+s2], $0x80, $0x38;
	[tilespmem:$0x10200] =	vst v63  }
0x1a8: {  	s9 =	sadd.s32 $0x700, s20;
	(v2sf) =	vpush v0, $0xB;
	s12 =	sadd.s32 s6, s29;
	s30 =	spop (v2sf)  }
0x1a9: {  	s0 =	sadd.s32 $0x680, s20;
	s26 =	sadd.s32 $0x380, s20;
	s25 =	sand.u32 $0x1FFFFFF0, s30  }
0x1aa: {  	(v2sf) =	vpush v0, $0xC;
	[tilespmem:s13], [sflag:$0x1] =	stream.linear.gather [hbm4b:s12+s2], $0x80, $0x38;
	[tilespmem:$0x10200] =	vst v63  }
0x1ab: {  	s31 =	sand.u32 $0x1FFFFFF0, s28;
	s28 =	spop (v2sf);
	s29 =	sadd.s32 s6, s25  }
0x1ac: {  	(v2sf) =	vpush v0, $0xD;
	[tilespmem:s26], [sflag:$0x1] =	stream.linear.gather [hbm4b:s29+s2], $0x80, $0x38;
	[tilespmem:$0x10200] =	vst v63  }
0x1ad: {  	s12 =	sadd.s32 s6, s31;
	s13 =	sand.u32 $0x1FFFFFF0, s28;
	s30 =	spop (v2sf)  }
0x1ae: {  	(v2sf) =	vpush v0, $0xE;
	[tilespmem:s10], [sflag:$0x1] =	stream.linear.gather [hbm4b:s12+s2], $0x80, $0x38;
	[tilespmem:$0x10200] =	vst v63  }
0x1af: {  	s13 =	sadd.s32 s6, s13;
	s31 =	sand.u32 $0x1FFFFFF0, s30;
	s24 =	spop (v2sf)  }
0x1b0: {  	(v2sf) =	vpush v0, $0xF;
	[tilespmem:s7], [sflag:$0x1] =	stream.linear.gather [hbm4b:s13+s2], $0x80, $0x38;
	[tilespmem:$0x10200] =	vst v63  }
0x1b1: {  	s25 =	sand.u32 $0x1FFFFFF0, s24;
	s26 =	spop (v2sf);
	s10 =	sadd.s32 s6, s31  }
0x1b2: {  	[tilespmem:s11], [sflag:$0x1] =	stream.linear.gather [hbm4b:s10+s2], $0x80, $0x38;
	[tilespmem:$0x10200] =	vst v63  }
0x1b3: {  	s28 =	sand.u32 $0x1FFFFFF0, s26;
	s7 =	sadd.s32 s6, s25;
	s29 =	spop (v2sf)  }
0x1b4: {  	[tilespmem:s3], [sflag:$0x1] =	stream.linear.gather [hbm4b:s7+s2], $0x80, $0x38;
	[tilespmem:$0x10200] =	vst v63  }
0x1b5: {  	s10 =	sadd.s32 s6, s28;
	s30 =	sand.u32 $0x1FFFFFF0, s29;
	s31 =	spop (v2sf)  }
0x1b6: {  	[tilespmem:s8], [sflag:$0x1] =	stream.linear.gather [hbm4b:s10+s2], $0x80, $0x38;
	[tilespmem:$0x10200] =	vst v63  }
0x1b7: {  	s7 =	sand.u32 $0x1FFFFFF0, s31;
	s3 =	sadd.s32 s6, s30;
	s10 =	spop (v2sf)  }
0x1b8: {  	[tilespmem:s0], [sflag:$0x1] =	stream.linear.gather [hbm4b:s3+s2], $0x80, $0x38;
	[tilespmem:$0x10200] =	vst v63  }
0x1b9: {  	s7 =	sadd.s32 s6, s7;
	s11 =	sand.u32 $0x1FFFFFF0, s10;
	s12 =	spop (v2sf)  }
0x1ba: {  	[tilespmem:s9], [sflag:$0x1] =	stream.linear.gather [hbm4b:s7+s2], $0x80, $0x38;
	[tilespmem:$0x10200] =	vst v63  }
0x1bb: {  	s0 =	sadd.s32 s6, s11;
	s3 =	sand.u32 $0x1FFFFFF0, s12;
	s13 =	spop (v2sf)  }
0x1bc: {  	[tilespmem:s23], [sflag:$0x1] =	stream.linear.gather [hbm4b:s0+s2], $0x80, $0x38;
	[tilespmem:$0x10200] =	vst v63  }
0x1bd: {  	s24 =	sand.u32 $0x1FFFFFF0, s13;
	s3 =	sadd.s32 s6, s3;
	s25 =	spop (v2sf)  }
0x1be: {  	[tilespmem:s21], [sflag:$0x1] =	stream.linear.gather [hbm4b:s3+s2], $0x80, $0x38;
	[tilespmem:$0x10200] =	vst v63  }
0x1bf: {  	s26 =	sand.u32 $0x1FFFFFF0, s25;
	s28 =	spop (v2sf);
	s0 =	sadd.s32 s6, s24  }
0x1c0: {  	[tilespmem:s22], [sflag:$0x1] =	stream.linear.gather [hbm4b:s0+s2], $0x80, $0x38;
	[tilespmem:$0x10200] =	vst v63  }
0x1c1: {  	s30 =	sadd.s32 $0x900, s20;
	s29 =	sand.u32 $0x1FFFFFF0, s28;
	s3 =	sadd.s32 s6, s26  }
0x1c2: {  	[tilespmem:s30], [sflag:$0x1] =	stream.linear.gather [hbm4b:s3+s2], $0x80, $0x38;
	[tilespmem:$0x10200] =	vst v63  }
0x1c3: {  	s31 =	sadd.s32 $0x980, s20;
	s0 =	sadd.s32 s6, s29  }
0x1c4: {  	[tilespmem:s31], [sflag:$0x1] =	stream.linear.gather [hbm4b:s0+s2], $0x80, $0x38;
	[tilespmem:$0x10200] =	vst v63  }
0x1c5: {  	s19 =	sadd.s32 $0x1, s19;
	_ =	swait.ge [sflag:s17], $0x10000  }
0x1c6: {  	p0 =	sne.s32 s19, s15;
	[sflag:s17] =	ssyncset.done $0x0  }
.Ltmp4:
0x1c7: {  	[sflag:s17] =	ssyncadd.s32 $0xFFFF0000;
	(pc) =	sbr.rel @p0 .LBB2_1-.Ltmp4, $4  }
0x1c8: {  	[hbm4b:s14+s2] =	stream.linear.scatter [tilespmem:s18], [sflag:$0x2], $0x10000, $0x38;
	[tilespmem:$0x10200] =	vst v63  }
0x1c9: {  	_ =	swait.ge [sflag:s16], $0x10000  }
0x1ca: {  	[sflag:s16] =	ssyncset.done $0x0  }
0x1cb: {  	[sflag:s16] =	ssyncadd.s32 $0xFFFF0000  }
0x1cc: {  	_ =	sfence.sel $0x180000  }
0x1cd: {  	[bflag:$0x0] =	sbarrier.arrive $0xFFFF  }
0x1ce: {  	_ =	strace $0x90000047  }
0x1cf: {  	s0 =	stileid.u32;
	[bflag:$0x2] =	sbarrier.arrive $0xFFFF  }
0x1d0: {  	p0 =	sne.s32 s0, $0x0;
	s0 =	rddreg [dreg:$0x6]  }
0x1d1: {  	s0 =	sadd.s32 @!p0 $0x100000, s0  }
0x1d2: {  	[sflag:s0] =	ssyncadd.tile.s32 @!p0 $0x1;
	_ =	shalt  }
.Lfunc_end2:
_tile_overlayer_lowered:
.L_overlay_start_2:
0x1d3: {  	(tag) =	ssettag $0x2  }
0x1d4: {  	s0 =	rddreg [dreg:$0x0];
	s2 =	stileid.u32  }
0x1d5: {  	s1 =	rddreg [dreg:$0x1];
	p0 =	sne.s32 s2, $0x0  }
0x1d6: {  	s3 =	rddreg [dreg:$0x2];
	[bflag:$0x3] =	sbarrier.arrive $0xFFFF;
	s2 =	simm.s32 @!p0 $0x1C02  }
0x1d7: {  	[timem:s3], [sflag:s2] =	dma.local @!p0 [hbm:s0], s1  }
0x1d8: {  	s0 =	simm.s32 @!p0 $0x2  }
0x1d9: {  	_ =	swait.ge @!p0 [sflag:s0], s1  }
0x1da: {  	s1 =	ssub.s32 @!p0 $0x0, s1;
	[sflag:s0] =	ssyncset.done @!p0 $0x0  }
0x1db: {  	[sflag:s0] =	ssyncadd.s32 @!p0 s1  }
0x1dc: {  	[bflag:$0x3] =	sbarrier.arrive $0xFFFF  }
0x1dd: {  	_ =	shalt  }

</sc_bundles>
